<compile_context>
chip_gen: v7x
topology: tpu7x:2x2x1
jax: 0.10.2.dev20260603
libtpu: 0.0.44.dev20260713+nightly
codegen_flags: <defaults>
</compile_context>

<pallas_src>
import math

import jax
import jax.numpy as jnp
from jax import lax
from jax.experimental import pallas as pl
from jax.experimental.pallas import tpu as pltpu
from jax.experimental.pallas import tpu_sc as plsc

D = 64
SEQ = 200
NW = 32
L = 16
NK = D // L
SCALE = math.sqrt(D)


def _positional_encoding(d_model: int, length: int) -> jax.Array:
    position = jnp.arange(length, dtype=jnp.float32)[:, None]
    div_term = jnp.exp(
        jnp.arange(0, d_model, 2, dtype=jnp.float32)
        * (-(math.log(10000.0) / d_model))
    )
    pe = jnp.zeros((length, d_model), dtype=jnp.float32)
    pe = pe.at[:, 0::2].set(jnp.sin(position * div_term))
    pe = pe.at[:, 1::2].set(jnp.cos(position * div_term))
    return pe


def _rsqrt(v):
    i = lax.bitcast_convert_type(v, jnp.int32)
    i = 0x5F3759DF - lax.shift_right_logical(i, 1)
    y = lax.bitcast_convert_type(i, jnp.float32)
    for _ in range(2):
        y = y * (1.5 - 0.5 * v * y * y)
    return y


def _recip(v):
    i = lax.bitcast_convert_type(v, jnp.int32)
    i = 0x7EF311C3 - i
    y = lax.bitcast_convert_type(i, jnp.float32)
    for _ in range(2):
        y = y * (2.0 - v * y)
    return y


def _make_sc_call(n_rows: int):
    assert n_rows % (NW * SEQ) == 0
    rows_per_w = n_rows // NW
    seqs_per_w = rows_per_w // SEQ

    mesh = plsc.VectorSubcoreMesh(core_axis_name="c", subcore_axis_name="s")

    def body(x_hbm, table_hbm, pe_hbm, w_hbm, b_hbm, out_hbm,
             idx_v, pe_v, w_v, b_v, rows_a, rows_b, out_a, out_b,
             sem_ga, sem_gb, sem_sa, sem_sb):
        cid = lax.axis_index("c")
        sid = lax.axis_index("s")
        wid = sid * 2 + cid
        base = wid * rows_per_w

        pltpu.sync_copy(x_hbm.at[pl.ds(base, rows_per_w)], idx_v)
        pltpu.sync_copy(pe_hbm, pe_v)
        pltpu.sync_copy(w_hbm, w_v)
        pltpu.sync_copy(b_hbm, b_v)

        wv = [w_v[pl.ds(k * L, L)] for k in range(NK)]
        bv = [b_v[pl.ds(k * L, L)] for k in range(NK)]

        def gather(c, rows_buf, sem):
            idx_ref = idx_v.at[pl.ds(c * SEQ, SEQ)]
            return pltpu.make_async_copy(
                table_hbm.at[idx_ref], rows_buf, sem)

        def store(c, out_buf, sem):
            return pltpu.make_async_copy(
                out_buf, out_hbm.at[pl.ds((base + c * SEQ) * D, SEQ * D)], sem)

        def compute(rows_buf, out_buf):
            @plsc.parallel_loop(0, SEQ, unroll=8)
            def row_body(r):
                h = []
                for k in range(NK):
                    e = rows_buf[r, pl.ds(k * L, L)]
                    p = pe_v[r, pl.ds(k * L, L)]
                    h.append(e * SCALE + p)
                t = (h[0] + h[1]) + (h[2] + h[3])
                s = jnp.sum(t)
                qv = (h[0] * h[0] + h[1] * h[1]) + (h[2] * h[2] + h[3] * h[3])
                q = jnp.sum(qv)
                mean = s * (1.0 / D)
                var = (q * (1.0 / D) - mean * mean) * (D / (D - 1.0))
                var = jnp.maximum(var, 1e-30)
                std = var * _rsqrt(var)
                rinv = _recip(std + 1e-6)
                for k in range(NK):
                    o = (h[k] - mean) * rinv
                    out_buf[pl.ds(r * D + k * L, L)] = o * wv[k] + bv[k]

        gather(0, rows_a, sem_ga).start()

        def do_pair(j, _):
            c0 = 2 * j
            c1 = c0 + 1
            gather(c1, rows_b, sem_gb).start()
            gather(c0, rows_a, sem_ga).wait()

            @pl.when(j > 0)
            def _():
                store(c0 - 2, out_a, sem_sa).wait()

            compute(rows_a, out_a)
            store(c0, out_a, sem_sa).start()

            @pl.when(j < seqs_per_w // 2 - 1)
            def _():
                gather(c0 + 2, rows_a, sem_ga).start()

            gather(c1, rows_b, sem_gb).wait()

            @pl.when(j > 0)
            def _():
                store(c1 - 2, out_b, sem_sb).wait()

            compute(rows_b, out_b)
            store(c1, out_b, sem_sb).start()
            return 0

        last = seqs_per_w // 2 - 1
        lax.fori_loop(0, seqs_per_w // 2, do_pair, 0)
        store(2 * last, out_a, sem_sa).wait()
        store(2 * last + 1, out_b, sem_sb).wait()

    return pl.kernel(
        body,
        out_type=jax.ShapeDtypeStruct((n_rows * D,), jnp.float32),
        mesh=mesh,
        compiler_params=pltpu.CompilerParams(
            needs_layout_passes=False, use_tc_tiling_on_sc=False),
        scratch_types=[
            pltpu.VMEM((rows_per_w,), jnp.int32),
            pltpu.VMEM((SEQ, D), jnp.float32),
            pltpu.VMEM((D,), jnp.float32),
            pltpu.VMEM((D,), jnp.float32),
            pltpu.VMEM((SEQ, D), jnp.float32),
            pltpu.VMEM((SEQ, D), jnp.float32),
            pltpu.VMEM((SEQ * D,), jnp.float32),
            pltpu.VMEM((SEQ * D,), jnp.float32),
            pltpu.SemaphoreType.DMA,
            pltpu.SemaphoreType.DMA,
            pltpu.SemaphoreType.DMA,
            pltpu.SemaphoreType.DMA,
        ],
    )


def kernel(x, table, ln_weight, ln_bias):
    batch, seq = x.shape
    d_model = table.shape[1]
    assert seq == SEQ and d_model == D
    n_rows = batch * seq

    pe = _positional_encoding(d_model, seq)
    x_flat = x.reshape(n_rows).astype(jnp.int32)

    out = _make_sc_call(n_rows)(
        x_flat, table.astype(jnp.float32), pe,
        ln_weight.astype(jnp.float32), ln_bias.astype(jnp.float32))
    return out.reshape(batch, seq, d_model)

# --- scband reference (transcript-rebuilt; emitter-appended) ---
"""Pipeline reference for scband-text-embed-5815385719344 (READ-ONLY COPY).

The authoritative reference and input builder live on the scoring server;
editing this copy changes nothing except your own understanding.
"""

import jax, jax.numpy as jnp
import numpy as np
import math

VOCAB = 1000000
EMBED_DIM = 64
BATCH = 4096
SEQ = 200
MAX_LEN = 5000


def _make_pe(d_model, max_len=MAX_LEN):
    position = jnp.arange(max_len, dtype=jnp.float32)[:, None]
    div_term = jnp.exp(jnp.arange(0, d_model, 2, dtype=jnp.float32) * (-(math.log(10000.0) / d_model)))
    pe = jnp.zeros((max_len, d_model), dtype=jnp.float32)
    pe = pe.at[:, 0::2].set(jnp.sin(position * div_term))
    pe = pe.at[:, 1::2].set(jnp.cos(position * div_term))
    return pe


def setup_inputs(seed: int = 0) -> dict:
    key = jax.random.key(seed)
    k1, k2 = jax.random.split(key)
    x = jax.random.randint(k1, (BATCH, SEQ), 0, VOCAB, dtype=jnp.int64 if jax.config.jax_enable_x64 else jnp.int32)
    table = jax.random.normal(k2, (VOCAB, EMBED_DIM), dtype=jnp.float32)
    ln_weight = jnp.ones((EMBED_DIM,), dtype=jnp.float32)
    ln_bias = jnp.zeros((EMBED_DIM,), dtype=jnp.float32)
    return {"x": x, "table": table, "ln_weight": ln_weight, "ln_bias": ln_bias}


def reference(x, table, ln_weight, ln_bias):
    d_model = table.shape[1]
    # Embeddings: lookup scaled by sqrt(d_model)
    emb = jnp.take(table, x, axis=0) * math.sqrt(d_model)
    # PositionalEncoding: add sin-cos pe (dropout=0 -> identity)
    pe = _make_pe(d_model)
    h = emb + pe[None, : emb.shape[1], :]
    # LayerNorm (annotated-transformer style: unbiased std, eps=1e-6)
    mean = jnp.mean(h, axis=-1, keepdims=True)
    std = jnp.std(h, axis=-1, keepdims=True, ddof=1)
    out = ln_weight * (h - mean) / (std + 1e-6) + ln_bias
    return out

if __name__ == "__main__":
    import jax
    _d = setup_inputs()
    print(jax.jit(kernel)(*tuple(_d.values())))

</pallas_src>

<mosaic_0001>
#map = affine_map<(d0, d1) -> (0)>
#map1 = affine_map<(d0, d1) -> (0, 0)>
module attributes {stable_mosaic.version = 14 : i64} {
  func.func @body(%arg0: i32, %arg1: i32, %arg2: memref<819200xi32, #tpu.memory_space<hbm>>, %arg3: memref<1000000x64xf32, #tpu.memory_space<hbm>>, %arg4: memref<200x64xf32, #tpu.memory_space<hbm>>, %arg5: memref<64xf32, #tpu.memory_space<hbm>>, %arg6: memref<64xf32, #tpu.memory_space<hbm>>, %arg7: memref<52428800xf32, #tpu.memory_space<hbm>>, %arg8: memref<25600xi32, #tpu.memory_space<vmem>>, %arg9: memref<200x64xf32, #tpu.memory_space<vmem>>, %arg10: memref<64xf32, #tpu.memory_space<vmem>>, %arg11: memref<64xf32, #tpu.memory_space<vmem>>, %arg12: memref<200x64xf32, #tpu.memory_space<vmem>>, %arg13: memref<200x64xf32, #tpu.memory_space<vmem>>, %arg14: memref<12800xf32, #tpu.memory_space<vmem>>, %arg15: memref<12800xf32, #tpu.memory_space<vmem>>, %arg16: memref<!tpu.dma_semaphore, #tpu.memory_space<semaphore_mem>>, %arg17: memref<!tpu.dma_semaphore, #tpu.memory_space<semaphore_mem>>, %arg18: memref<!tpu.dma_semaphore, #tpu.memory_space<semaphore_mem>>, %arg19: memref<!tpu.dma_semaphore, #tpu.memory_space<semaphore_mem>>) attributes {dimension_semantics = [#tpu.dimension_semantics<core_parallel>, #tpu.dimension_semantics<subcore_parallel>], iteration_bounds = array<i64: 2, 16>, scalar_prefetch = 0 : i64, scratch_operands = 12 : i64, tpu.core_type = #tpu.core_type<sc_vector_subcore>, window_params = [{transform_indices = #map}, {transform_indices = #map1}, {transform_indices = #map1}, {transform_indices = #map}, {transform_indices = #map}, {transform_indices = #map}]} {
    %mul3A = arith.constant 2 : i32
    %mul3A_0 = arith.muli %arg1, %mul3A : i32
    %add3A = arith.addi %mul3A_0, %arg0 : i32
    %mul3A_1 = arith.constant 25600 : i32
    %mul3A_2 = arith.muli %add3A, %mul3A_1 : i32
    "tpu.region"() ({
      %run_scoped3A = tpu.sem_alloc : memref<!tpu.dma_semaphore, #tpu.memory_space<semaphore_mem>>
      %dma_start3A_39 = tpu.memref_slice %arg2[%mul3A_2] : memref<819200xi32, #tpu.memory_space<hbm>> -> memref<25600xi32, #tpu.memory_space<hbm>>
      %dma_start3A_40 = tpu.memref_slice %arg2[%mul3A_2] : memref<819200xi32, #tpu.memory_space<hbm>> -> memref<25600xi32, #tpu.memory_space<hbm>>
      tpu.enqueue_dma source(%dma_start3A_40 : memref<25600xi32, #tpu.memory_space<hbm>>) target(%arg8 : memref<25600xi32, #tpu.memory_space<vmem>>) target_semaphore(%run_scoped3A : memref<!tpu.dma_semaphore, #tpu.memory_space<semaphore_mem>>)
      %dma_wait3A_41 = tpu.memref_slice %arg2[%mul3A_2] : memref<819200xi32, #tpu.memory_space<hbm>> -> memref<25600xi32, #tpu.memory_space<hbm>>
      %dma_wait3A_42 = tpu.memref_slice %arg2[%mul3A_2] : memref<819200xi32, #tpu.memory_space<hbm>> -> memref<25600xi32, #tpu.memory_space<hbm>>
      tpu.wait_dma2 semaphore(%run_scoped3A : memref<!tpu.dma_semaphore, #tpu.memory_space<semaphore_mem>>) src(%dma_wait3A_42 : memref<25600xi32, #tpu.memory_space<hbm>>) dst(%arg8 : memref<25600xi32, #tpu.memory_space<vmem>>)
      tpu.yield
    }) : () -> ()
    "tpu.region"() ({
      %run_scoped3A = tpu.sem_alloc : memref<!tpu.dma_semaphore, #tpu.memory_space<semaphore_mem>>
      tpu.enqueue_dma source(%arg4 : memref<200x64xf32, #tpu.memory_space<hbm>>) target(%arg9 : memref<200x64xf32, #tpu.memory_space<vmem>>) target_semaphore(%run_scoped3A : memref<!tpu.dma_semaphore, #tpu.memory_space<semaphore_mem>>)
      tpu.wait_dma2 semaphore(%run_scoped3A : memref<!tpu.dma_semaphore, #tpu.memory_space<semaphore_mem>>) src(%arg4 : memref<200x64xf32, #tpu.memory_space<hbm>>) dst(%arg9 : memref<200x64xf32, #tpu.memory_space<vmem>>)
      tpu.yield
    }) : () -> ()
    "tpu.region"() ({
      %run_scoped3A = tpu.sem_alloc : memref<!tpu.dma_semaphore, #tpu.memory_space<semaphore_mem>>
      tpu.enqueue_dma source(%arg5 : memref<64xf32, #tpu.memory_space<hbm>>) target(%arg10 : memref<64xf32, #tpu.memory_space<vmem>>) target_semaphore(%run_scoped3A : memref<!tpu.dma_semaphore, #tpu.memory_space<semaphore_mem>>)
      tpu.wait_dma2 semaphore(%run_scoped3A : memref<!tpu.dma_semaphore, #tpu.memory_space<semaphore_mem>>) src(%arg5 : memref<64xf32, #tpu.memory_space<hbm>>) dst(%arg10 : memref<64xf32, #tpu.memory_space<vmem>>)
      tpu.yield
    }) : () -> ()
    "tpu.region"() ({
      %run_scoped3A = tpu.sem_alloc : memref<!tpu.dma_semaphore, #tpu.memory_space<semaphore_mem>>
      tpu.enqueue_dma source(%arg6 : memref<64xf32, #tpu.memory_space<hbm>>) target(%arg11 : memref<64xf32, #tpu.memory_space<vmem>>) target_semaphore(%run_scoped3A : memref<!tpu.dma_semaphore, #tpu.memory_space<semaphore_mem>>)
      tpu.wait_dma2 semaphore(%run_scoped3A : memref<!tpu.dma_semaphore, #tpu.memory_space<semaphore_mem>>) src(%arg6 : memref<64xf32, #tpu.memory_space<hbm>>) dst(%arg11 : memref<64xf32, #tpu.memory_space<vmem>>)
      tpu.yield
    }) : () -> ()
    %get3A = arith.constant 0 : index
    %get3A_3 = tpu.vector_load %arg10[%get3A] {strides = array<i32>} : memref<64xf32, #tpu.memory_space<vmem>>, vector<16xf32>,
    %get3A_4 = arith.constant 16 : index
    %get3A_5 = tpu.vector_load %arg10[%get3A_4] {strides = array<i32>} : memref<64xf32, #tpu.memory_space<vmem>>, vector<16xf32>,
    %get3A_6 = arith.constant 32 : index
    %get3A_7 = tpu.vector_load %arg10[%get3A_6] {strides = array<i32>} : memref<64xf32, #tpu.memory_space<vmem>>, vector<16xf32>,
    %get3A_8 = arith.constant 48 : index
    %get3A_9 = tpu.vector_load %arg10[%get3A_8] {strides = array<i32>} : memref<64xf32, #tpu.memory_space<vmem>>, vector<16xf32>,
    %get3A_10 = arith.constant 0 : index
    %get3A_11 = tpu.vector_load %arg11[%get3A_10] {strides = array<i32>} : memref<64xf32, #tpu.memory_space<vmem>>, vector<16xf32>,
    %get3A_12 = arith.constant 16 : index
    %get3A_13 = tpu.vector_load %arg11[%get3A_12] {strides = array<i32>} : memref<64xf32, #tpu.memory_space<vmem>>, vector<16xf32>,
    %get3A_14 = arith.constant 32 : index
    %get3A_15 = tpu.vector_load %arg11[%get3A_14] {strides = array<i32>} : memref<64xf32, #tpu.memory_space<vmem>>, vector<16xf32>,
    %get3A_16 = arith.constant 48 : index
    %get3A_17 = tpu.vector_load %arg11[%get3A_16] {strides = array<i32>} : memref<64xf32, #tpu.memory_space<vmem>>, vector<16xf32>,
    %dma_start3A = arith.constant 0 : i32
    %dma_start3A_18 = tpu.memref_slice %arg8[%dma_start3A] : memref<25600xi32, #tpu.memory_space<vmem>> -> memref<200xi32, #tpu.memory_space<vmem>>
    %dma_start3A_19 = arith.constant 0 : i32
    %dma_start3A_20 = arith.constant 0 : i32
    %dma_start3A_21 = tpu.memref_slice %arg3[%dma_start3A_19, %dma_start3A_20] : memref<1000000x64xf32, #tpu.memory_space<hbm>> -> memref<1000000x64xf32, #tpu.memory_space<hbm>>
    tpu.enqueue_indirect_dma source(%dma_start3A_21 : memref<1000000x64xf32, #tpu.memory_space<hbm>>) target(%arg12 : memref<200x64xf32, #tpu.memory_space<vmem>>) offsets(%dma_start3A_18 : memref<200xi32, #tpu.memory_space<vmem>>) semaphore(%arg16 : memref<!tpu.dma_semaphore, #tpu.memory_space<semaphore_mem>>)
    %scan3A = arith.constant 0 : i32
    %scan3A_22 = arith.constant 0 : i32
    %scan3A_23 = arith.constant 64 : i32
    %scan3A_24 = arith.addi %scan3A_22, %scan3A_23 : i32
    %scan3A_25 = arith.constant 1 : i32
    %scan3A_26 = scf.for %scan3A_39 = %scan3A_22 to %scan3A_24 step %scan3A_25 iter_args(%scan3A_40 = %scan3A) -> (i32)  : i32 {
      %mul3A_41 = arith.constant 2 : i32
      %mul3A_42 = arith.muli %mul3A_41, %scan3A_39 : i32
      %add3A_43 = arith.constant 1 : i32
      %add3A_44 = arith.addi %mul3A_42, %add3A_43 : i32
      %mul3A_45 = arith.constant 200 : i32
      %mul3A_46 = arith.muli %add3A_44, %mul3A_45 : i32
      %dma_start3A_47 = tpu.memref_slice %arg8[%mul3A_46] : memref<25600xi32, #tpu.memory_space<vmem>> -> memref<200xi32, #tpu.memory_space<vmem>>
      %dma_start3A_48 = arith.constant 0 : i32
      %dma_start3A_49 = arith.constant 0 : i32
      %dma_start3A_50 = tpu.memref_slice %arg3[%dma_start3A_48, %dma_start3A_49] : memref<1000000x64xf32, #tpu.memory_space<hbm>> -> memref<1000000x64xf32, #tpu.memory_space<hbm>>
      tpu.enqueue_indirect_dma source(%dma_start3A_50 : memref<1000000x64xf32, #tpu.memory_space<hbm>>) target(%arg13 : memref<200x64xf32, #tpu.memory_space<vmem>>) offsets(%dma_start3A_47 : memref<200xi32, #tpu.memory_space<vmem>>) semaphore(%arg17 : memref<!tpu.dma_semaphore, #tpu.memory_space<semaphore_mem>>)
      %mul3A_51 = arith.constant 200 : i32
      %mul3A_52 = arith.muli %mul3A_42, %mul3A_51 : i32
      %dma_wait3A_53 = tpu.memref_slice %arg8[%mul3A_52] : memref<25600xi32, #tpu.memory_space<vmem>> -> memref<200xi32, #tpu.memory_space<vmem>>
      %dma_wait3A_54 = arith.constant 0 : i32
      %dma_wait3A_55 = arith.constant 0 : i32
      %dma_wait3A_56 = tpu.memref_slice %arg3[%dma_wait3A_54, %dma_wait3A_55] : memref<1000000x64xf32, #tpu.memory_space<hbm>> -> memref<1000000x64xf32, #tpu.memory_space<hbm>>
      tpu.wait_indirect_dma semaphore(%arg16 : memref<!tpu.dma_semaphore, #tpu.memory_space<semaphore_mem>>) src(%dma_wait3A_56 : memref<1000000x64xf32, #tpu.memory_space<hbm>>) dst(%arg12 : memref<200x64xf32, #tpu.memory_space<vmem>>)
      %gt3A = arith.constant 0 : i32
      %gt3A_57 = arith.cmpi sgt, %scan3A_39, %gt3A : i32
      %convert_element_type3A = arith.extui %gt3A_57 : i1 to i32
      %cond3A = arith.constant 0 : i32
      %cond3A_58 = arith.cmpi ne, %convert_element_type3A, %cond3A : i32
      scf.if %cond3A_58 {
        %sub3A = arith.constant 2 : i32
        %sub3A_94 = arith.subi %mul3A_42, %sub3A : i32
        %mul3A_95 = arith.constant 200 : i32
        %mul3A_96 = arith.muli %sub3A_94, %mul3A_95 : i32
        %add3A_97 = arith.addi %mul3A_2, %mul3A_96 : i32
        %mul3A_98 = arith.constant 64 : i32
        %mul3A_99 = arith.muli %add3A_97, %mul3A_98 : i32
        %dma_wait3A_100 = tpu.memref_slice %arg7[%mul3A_99] : memref<52428800xf32, #tpu.memory_space<hbm>> -> memref<12800xf32, #tpu.memory_space<hbm>>
        %dma_wait3A_101 = tpu.memref_slice %arg7[%mul3A_99] : memref<52428800xf32, #tpu.memory_space<hbm>> -> memref<12800xf32, #tpu.memory_space<hbm>>
        tpu.wait_dma2 semaphore(%arg18 : memref<!tpu.dma_semaphore, #tpu.memory_space<semaphore_mem>>) src(%arg14 : memref<12800xf32, #tpu.memory_space<vmem>>) dst(%dma_wait3A_101 : memref<12800xf32, #tpu.memory_space<hbm>>)
      } else {
      }
      %parallel_loop3A = arith.constant 0 : i32
      %parallel_loop3A_59 = arith.constant 200 : i32
      %parallel_loop3A_60 = arith.constant 1 : i32
      scf.for %parallel_loop3A_94 = %parallel_loop3A to %parallel_loop3A_59 step %parallel_loop3A_60  : i32 {
        %parallel_loop3A_95 = arith.index_cast %parallel_loop3A_94 : i32 to index
        %parallel_loop3A_96 = arith.constant 0 : index
        %parallel_loop3A_97 = tpu.vector_load %arg12[%parallel_loop3A_95, %parallel_loop3A_96] {strides = array<i32>} : memref<200x64xf32, #tpu.memory_space<vmem>>, vector<16xf32>,
        %parallel_loop3A_98 = arith.index_cast %parallel_loop3A_94 : i32 to index
        %parallel_loop3A_99 = arith.constant 0 : index
        %parallel_loop3A_100 = tpu.vector_load %arg9[%parallel_loop3A_98, %parallel_loop3A_99] {strides = array<i32>} : memref<200x64xf32, #tpu.memory_space<vmem>>, vector<16xf32>,
        %parallel_loop3A_101 = arith.constant 8.000000e+00 : f32
        %parallel_loop3A_102 = vector.broadcast %parallel_loop3A_101 : f32 to vector<16xf32>
        %parallel_loop3A_103 = arith.mulf %parallel_loop3A_97, %parallel_loop3A_102 : vector<16xf32>
        %parallel_loop3A_104 = arith.addf %parallel_loop3A_103, %parallel_loop3A_100 : vector<16xf32>
        %parallel_loop3A_105 = arith.index_cast %parallel_loop3A_94 : i32 to index
        %parallel_loop3A_106 = arith.constant 16 : index
        %parallel_loop3A_107 = tpu.vector_load %arg12[%parallel_loop3A_105, %parallel_loop3A_106] {strides = array<i32>} : memref<200x64xf32, #tpu.memory_space<vmem>>, vector<16xf32>,
        %parallel_loop3A_108 = arith.index_cast %parallel_loop3A_94 : i32 to index
        %parallel_loop3A_109 = arith.constant 16 : index
        %parallel_loop3A_110 = tpu.vector_load %arg9[%parallel_loop3A_108, %parallel_loop3A_109] {strides = array<i32>} : memref<200x64xf32, #tpu.memory_space<vmem>>, vector<16xf32>,
        %parallel_loop3A_111 = arith.constant 8.000000e+00 : f32
        %parallel_loop3A_112 = vector.broadcast %parallel_loop3A_111 : f32 to vector<16xf32>
        %parallel_loop3A_113 = arith.mulf %parallel_loop3A_107, %parallel_loop3A_112 : vector<16xf32>
        %parallel_loop3A_114 = arith.addf %parallel_loop3A_113, %parallel_loop3A_110 : vector<16xf32>
        %parallel_loop3A_115 = arith.index_cast %parallel_loop3A_94 : i32 to index
        %parallel_loop3A_116 = arith.constant 32 : index
        %parallel_loop3A_117 = tpu.vector_load %arg12[%parallel_loop3A_115, %parallel_loop3A_116] {strides = array<i32>} : memref<200x64xf32, #tpu.memory_space<vmem>>, vector<16xf32>,
        %parallel_loop3A_118 = arith.index_cast %parallel_loop3A_94 : i32 to index
        %parallel_loop3A_119 = arith.constant 32 : index
        %parallel_loop3A_120 = tpu.vector_load %arg9[%parallel_loop3A_118, %parallel_loop3A_119] {strides = array<i32>} : memref<200x64xf32, #tpu.memory_space<vmem>>, vector<16xf32>,
        %parallel_loop3A_121 = arith.constant 8.000000e+00 : f32
        %parallel_loop3A_122 = vector.broadcast %parallel_loop3A_121 : f32 to vector<16xf32>
        %parallel_loop3A_123 = arith.mulf %parallel_loop3A_117, %parallel_loop3A_122 : vector<16xf32>
        %parallel_loop3A_124 = arith.addf %parallel_loop3A_123, %parallel_loop3A_120 : vector<16xf32>
        %parallel_loop3A_125 = arith.index_cast %parallel_loop3A_94 : i32 to index
        %parallel_loop3A_126 = arith.constant 48 : index
        %parallel_loop3A_127 = tpu.vector_load %arg12[%parallel_loop3A_125, %parallel_loop3A_126] {strides = array<i32>} : memref<200x64xf32, #tpu.memory_space<vmem>>, vector<16xf32>,
        %parallel_loop3A_128 = arith.index_cast %parallel_loop3A_94 : i32 to index
        %parallel_loop3A_129 = arith.constant 48 : index
        %parallel_loop3A_130 = tpu.vector_load %arg9[%parallel_loop3A_128, %parallel_loop3A_129] {strides = array<i32>} : memref<200x64xf32, #tpu.memory_space<vmem>>, vector<16xf32>,
        %parallel_loop3A_131 = arith.constant 8.000000e+00 : f32
        %parallel_loop3A_132 = vector.broadcast %parallel_loop3A_131 : f32 to vector<16xf32>
        %parallel_loop3A_133 = arith.mulf %parallel_loop3A_127, %parallel_loop3A_132 : vector<16xf32>
        %parallel_loop3A_134 = arith.addf %parallel_loop3A_133, %parallel_loop3A_130 : vector<16xf32>
        %parallel_loop3A_135 = arith.addf %parallel_loop3A_104, %parallel_loop3A_114 : vector<16xf32>
        %parallel_loop3A_136 = arith.addf %parallel_loop3A_124, %parallel_loop3A_134 : vector<16xf32>
        %parallel_loop3A_137 = arith.addf %parallel_loop3A_135, %parallel_loop3A_136 : vector<16xf32>
        %parallel_loop3A_138 = arith.constant true
        %parallel_loop3A_139 = vector.broadcast %parallel_loop3A_138 : i1 to vector<16xi1>
        %parallel_loop3A_140 = tpu.scan <sum>, %parallel_loop3A_137 masked %parallel_loop3A_139 : vector<16xf32>, vector<16xi1> -> vector<16xf32>
        %parallel_loop3A_141 = vector.extract %parallel_loop3A_140[15] : f32 from vector<16xf32>
        %parallel_loop3A_142 = arith.mulf %parallel_loop3A_104, %parallel_loop3A_104 : vector<16xf32>
        %parallel_loop3A_143 = arith.mulf %parallel_loop3A_114, %parallel_loop3A_114 : vector<16xf32>
        %parallel_loop3A_144 = arith.addf %parallel_loop3A_142, %parallel_loop3A_143 : vector<16xf32>
        %parallel_loop3A_145 = arith.mulf %parallel_loop3A_124, %parallel_loop3A_124 : vector<16xf32>
        %parallel_loop3A_146 = arith.mulf %parallel_loop3A_134, %parallel_loop3A_134 : vector<16xf32>
        %parallel_loop3A_147 = arith.addf %parallel_loop3A_145, %parallel_loop3A_146 : vector<16xf32>
        %parallel_loop3A_148 = arith.addf %parallel_loop3A_144, %parallel_loop3A_147 : vector<16xf32>
        %parallel_loop3A_149 = arith.constant true
        %parallel_loop3A_150 = vector.broadcast %parallel_loop3A_149 : i1 to vector<16xi1>
        %parallel_loop3A_151 = tpu.scan <sum>, %parallel_loop3A_148 masked %parallel_loop3A_150 : vector<16xf32>, vector<16xi1> -> vector<16xf32>
        %parallel_loop3A_152 = vector.extract %parallel_loop3A_151[15] : f32 from vector<16xf32>
        %parallel_loop3A_153 = arith.constant 1.562500e-02 : f32
        %parallel_loop3A_154 = arith.mulf %parallel_loop3A_141, %parallel_loop3A_153 : f32
        %parallel_loop3A_155 = arith.constant 1.562500e-02 : f32
        %parallel_loop3A_156 = arith.mulf %parallel_loop3A_152, %parallel_loop3A_155 : f32
        %parallel_loop3A_157 = arith.mulf %parallel_loop3A_154, %parallel_loop3A_154 : f32
        %parallel_loop3A_158 = arith.subf %parallel_loop3A_156, %parallel_loop3A_157 : f32
        %parallel_loop3A_159 = arith.constant 1.01587307 : f32
        %parallel_loop3A_160 = arith.mulf %parallel_loop3A_158, %parallel_loop3A_159 : f32
        %parallel_loop3A_161 = arith.constant 1.000000e-30 : f32
        %parallel_loop3A_162 = arith.maximumf %parallel_loop3A_160, %parallel_loop3A_161 : f32
        %parallel_loop3A_163 = arith.bitcast %parallel_loop3A_162 : f32 to i32
        %parallel_loop3A_164 = arith.constant 1 : i32
        %parallel_loop3A_165 = arith.shrui %parallel_loop3A_163, %parallel_loop3A_164 : i32
        %parallel_loop3A_166 = arith.constant 1597463007 : i32
        %parallel_loop3A_167 = arith.subi %parallel_loop3A_166, %parallel_loop3A_165 : i32
        %parallel_loop3A_168 = arith.bitcast %parallel_loop3A_167 : i32 to f32
        %parallel_loop3A_169 = arith.constant 5.000000e-01 : f32
        %parallel_loop3A_170 = arith.mulf %parallel_loop3A_169, %parallel_loop3A_162 : f32
        %parallel_loop3A_171 = arith.mulf %parallel_loop3A_170, %parallel_loop3A_168 : f32
        %parallel_loop3A_172 = arith.mulf %parallel_loop3A_171, %parallel_loop3A_168 : f32
        %parallel_loop3A_173 = arith.constant 1.500000e+00 : f32
        %parallel_loop3A_174 = arith.subf %parallel_loop3A_173, %parallel_loop3A_172 : f32
        %parallel_loop3A_175 = arith.mulf %parallel_loop3A_168, %parallel_loop3A_174 : f32
        %parallel_loop3A_176 = arith.constant 5.000000e-01 : f32
        %parallel_loop3A_177 = arith.mulf %parallel_loop3A_176, %parallel_loop3A_162 : f32
        %parallel_loop3A_178 = arith.mulf %parallel_loop3A_177, %parallel_loop3A_175 : f32
        %parallel_loop3A_179 = arith.mulf %parallel_loop3A_178, %parallel_loop3A_175 : f32
        %parallel_loop3A_180 = arith.constant 1.500000e+00 : f32
        %parallel_loop3A_181 = arith.subf %parallel_loop3A_180, %parallel_loop3A_179 : f32
        %parallel_loop3A_182 = arith.mulf %parallel_loop3A_175, %parallel_loop3A_181 : f32
        %parallel_loop3A_183 = arith.mulf %parallel_loop3A_162, %parallel_loop3A_182 : f32
        %parallel_loop3A_184 = arith.constant 9.99999997E-7 : f32
        %parallel_loop3A_185 = arith.addf %parallel_loop3A_183, %parallel_loop3A_184 : f32
        %parallel_loop3A_186 = arith.bitcast %parallel_loop3A_185 : f32 to i32
        %parallel_loop3A_187 = arith.constant 2129859011 : i32
        %parallel_loop3A_188 = arith.subi %parallel_loop3A_187, %parallel_loop3A_186 : i32
        %parallel_loop3A_189 = arith.bitcast %parallel_loop3A_188 : i32 to f32
        %parallel_loop3A_190 = arith.mulf %parallel_loop3A_185, %parallel_loop3A_189 : f32
        %parallel_loop3A_191 = arith.constant 2.000000e+00 : f32
        %parallel_loop3A_192 = arith.subf %parallel_loop3A_191, %parallel_loop3A_190 : f32
        %parallel_loop3A_193 = arith.mulf %parallel_loop3A_189, %parallel_loop3A_192 : f32
        %parallel_loop3A_194 = arith.mulf %parallel_loop3A_185, %parallel_loop3A_193 : f32
        %parallel_loop3A_195 = arith.constant 2.000000e+00 : f32
        %parallel_loop3A_196 = arith.subf %parallel_loop3A_195, %parallel_loop3A_194 : f32
        %parallel_loop3A_197 = arith.mulf %parallel_loop3A_193, %parallel_loop3A_196 : f32
        %parallel_loop3A_198 = vector.broadcast %parallel_loop3A_154 : f32 to vector<16xf32>
        %parallel_loop3A_199 = arith.subf %parallel_loop3A_104, %parallel_loop3A_198 : vector<16xf32>
        %parallel_loop3A_200 = vector.broadcast %parallel_loop3A_197 : f32 to vector<16xf32>
        %parallel_loop3A_201 = arith.mulf %parallel_loop3A_199, %parallel_loop3A_200 : vector<16xf32>
        %parallel_loop3A_202 = arith.mulf %parallel_loop3A_201, %get3A_3 : vector<16xf32>
        %parallel_loop3A_203 = arith.addf %parallel_loop3A_202, %get3A_11 : vector<16xf32>
        %parallel_loop3A_204 = arith.constant 64 : i32
        %parallel_loop3A_205 = arith.muli %parallel_loop3A_94, %parallel_loop3A_204 : i32
        %parallel_loop3A_206 = arith.constant 0 : i32
        %parallel_loop3A_207 = arith.addi %parallel_loop3A_205, %parallel_loop3A_206 : i32
        %parallel_loop3A_208 = arith.index_cast %parallel_loop3A_207 : i32 to index
        %parallel_loop3A_209 = tpu.vector_load %arg14[%parallel_loop3A_208] {strides = array<i32>} : memref<12800xf32, #tpu.memory_space<vmem>>, vector<16xf32>,
        tpu.vector_store %arg14[%parallel_loop3A_208], %parallel_loop3A_203 {strides = array<i32>} : memref<12800xf32, #tpu.memory_space<vmem>>, vector<16xf32>,
        %parallel_loop3A_210 = vector.broadcast %parallel_loop3A_154 : f32 to vector<16xf32>
        %parallel_loop3A_211 = arith.subf %parallel_loop3A_114, %parallel_loop3A_210 : vector<16xf32>
        %parallel_loop3A_212 = vector.broadcast %parallel_loop3A_197 : f32 to vector<16xf32>
        %parallel_loop3A_213 = arith.mulf %parallel_loop3A_211, %parallel_loop3A_212 : vector<16xf32>
        %parallel_loop3A_214 = arith.mulf %parallel_loop3A_213, %get3A_5 : vector<16xf32>
        %parallel_loop3A_215 = arith.addf %parallel_loop3A_214, %get3A_13 : vector<16xf32>
        %parallel_loop3A_216 = arith.constant 64 : i32
        %parallel_loop3A_217 = arith.muli %parallel_loop3A_94, %parallel_loop3A_216 : i32
        %parallel_loop3A_218 = arith.constant 16 : i32
        %parallel_loop3A_219 = arith.addi %parallel_loop3A_217, %parallel_loop3A_218 : i32
        %parallel_loop3A_220 = arith.index_cast %parallel_loop3A_219 : i32 to index
        %parallel_loop3A_221 = tpu.vector_load %arg14[%parallel_loop3A_220] {strides = array<i32>} : memref<12800xf32, #tpu.memory_space<vmem>>, vector<16xf32>,
        tpu.vector_store %arg14[%parallel_loop3A_220], %parallel_loop3A_215 {strides = array<i32>} : memref<12800xf32, #tpu.memory_space<vmem>>, vector<16xf32>,
        %parallel_loop3A_222 = vector.broadcast %parallel_loop3A_154 : f32 to vector<16xf32>
        %parallel_loop3A_223 = arith.subf %parallel_loop3A_124, %parallel_loop3A_222 : vector<16xf32>
        %parallel_loop3A_224 = vector.broadcast %parallel_loop3A_197 : f32 to vector<16xf32>
        %parallel_loop3A_225 = arith.mulf %parallel_loop3A_223, %parallel_loop3A_224 : vector<16xf32>
        %parallel_loop3A_226 = arith.mulf %parallel_loop3A_225, %get3A_7 : vector<16xf32>
        %parallel_loop3A_227 = arith.addf %parallel_loop3A_226, %get3A_15 : vector<16xf32>
        %parallel_loop3A_228 = arith.constant 64 : i32
        %parallel_loop3A_229 = arith.muli %parallel_loop3A_94, %parallel_loop3A_228 : i32
        %parallel_loop3A_230 = arith.constant 32 : i32
        %parallel_loop3A_231 = arith.addi %parallel_loop3A_229, %parallel_loop3A_230 : i32
        %parallel_loop3A_232 = arith.index_cast %parallel_loop3A_231 : i32 to index
        %parallel_loop3A_233 = tpu.vector_load %arg14[%parallel_loop3A_232] {strides = array<i32>} : memref<12800xf32, #tpu.memory_space<vmem>>, vector<16xf32>,
        tpu.vector_store %arg14[%parallel_loop3A_232], %parallel_loop3A_227 {strides = array<i32>} : memref<12800xf32, #tpu.memory_space<vmem>>, vector<16xf32>,
        %parallel_loop3A_234 = vector.broadcast %parallel_loop3A_154 : f32 to vector<16xf32>
        %parallel_loop3A_235 = arith.subf %parallel_loop3A_134, %parallel_loop3A_234 : vector<16xf32>
        %parallel_loop3A_236 = vector.broadcast %parallel_loop3A_197 : f32 to vector<16xf32>
        %parallel_loop3A_237 = arith.mulf %parallel_loop3A_235, %parallel_loop3A_236 : vector<16xf32>
        %parallel_loop3A_238 = arith.mulf %parallel_loop3A_237, %get3A_9 : vector<16xf32>
        %parallel_loop3A_239 = arith.addf %parallel_loop3A_238, %get3A_17 : vector<16xf32>
        %parallel_loop3A_240 = arith.constant 64 : i32
        %parallel_loop3A_241 = arith.muli %parallel_loop3A_94, %parallel_loop3A_240 : i32
        %parallel_loop3A_242 = arith.constant 48 : i32
        %parallel_loop3A_243 = arith.addi %parallel_loop3A_241, %parallel_loop3A_242 : i32
        %parallel_loop3A_244 = arith.index_cast %parallel_loop3A_243 : i32 to index
        %parallel_loop3A_245 = tpu.vector_load %arg14[%parallel_loop3A_244] {strides = array<i32>} : memref<12800xf32, #tpu.memory_space<vmem>>, vector<16xf32>,
        tpu.vector_store %arg14[%parallel_loop3A_244], %parallel_loop3A_239 {strides = array<i32>} : memref<12800xf32, #tpu.memory_space<vmem>>, vector<16xf32>,
      } {sc.loop_unroll_factor = 8 : i64, sc.parallel_access}
      %mul3A_61 = arith.constant 200 : i32
      %mul3A_62 = arith.muli %mul3A_42, %mul3A_61 : i32
      %add3A_63 = arith.addi %mul3A_2, %mul3A_62 : i32
      %mul3A_64 = arith.constant 64 : i32
      %mul3A_65 = arith.muli %add3A_63, %mul3A_64 : i32
      %dma_start3A_66 = tpu.memref_slice %arg7[%mul3A_65] : memref<52428800xf32, #tpu.memory_space<hbm>> -> memref<12800xf32, #tpu.memory_space<hbm>>
      %dma_start3A_67 = tpu.memref_slice %arg7[%mul3A_65] : memref<52428800xf32, #tpu.memory_space<hbm>> -> memref<12800xf32, #tpu.memory_space<hbm>>
      tpu.enqueue_dma source(%arg14 : memref<12800xf32, #tpu.memory_space<vmem>>) target(%dma_start3A_67 : memref<12800xf32, #tpu.memory_space<hbm>>) target_semaphore(%arg18 : memref<!tpu.dma_semaphore, #tpu.memory_space<semaphore_mem>>)
      %lt3A = arith.constant 63 : i32
      %lt3A_68 = arith.cmpi slt, %scan3A_39, %lt3A : i32
      %convert_element_type3A_69 = arith.extui %lt3A_68 : i1 to i32
      %cond3A_70 = arith.constant 0 : i32
      %cond3A_71 = arith.cmpi ne, %convert_element_type3A_69, %cond3A_70 : i32
      scf.if %cond3A_71 {
        %add3A_94 = arith.constant 2 : i32
        %add3A_95 = arith.addi %mul3A_42, %add3A_94 : i32
        %mul3A_96 = arith.constant 200 : i32
        %mul3A_97 = arith.muli %add3A_95, %mul3A_96 : i32
        %dma_start3A_98 = tpu.memref_slice %arg8[%mul3A_97] : memref<25600xi32, #tpu.memory_space<vmem>> -> memref<200xi32, #tpu.memory_space<vmem>>
        %dma_start3A_99 = arith.constant 0 : i32
        %dma_start3A_100 = arith.constant 0 : i32
        %dma_start3A_101 = tpu.memref_slice %arg3[%dma_start3A_99, %dma_start3A_100] : memref<1000000x64xf32, #tpu.memory_space<hbm>> -> memref<1000000x64xf32, #tpu.memory_space<hbm>>
        tpu.enqueue_indirect_dma source(%dma_start3A_101 : memref<1000000x64xf32, #tpu.memory_space<hbm>>) target(%arg12 : memref<200x64xf32, #tpu.memory_space<vmem>>) offsets(%dma_start3A_98 : memref<200xi32, #tpu.memory_space<vmem>>) semaphore(%arg16 : memref<!tpu.dma_semaphore, #tpu.memory_space<semaphore_mem>>)
      } else {
      }
      %mul3A_72 = arith.constant 200 : i32
      %mul3A_73 = arith.muli %add3A_44, %mul3A_72 : i32
      %dma_wait3A_74 = tpu.memref_slice %arg8[%mul3A_73] : memref<25600xi32, #tpu.memory_space<vmem>> -> memref<200xi32, #tpu.memory_space<vmem>>
      %dma_wait3A_75 = arith.constant 0 : i32
      %dma_wait3A_76 = arith.constant 0 : i32
      %dma_wait3A_77 = tpu.memref_slice %arg3[%dma_wait3A_75, %dma_wait3A_76] : memref<1000000x64xf32, #tpu.memory_space<hbm>> -> memref<1000000x64xf32, #tpu.memory_space<hbm>>
      tpu.wait_indirect_dma semaphore(%arg17 : memref<!tpu.dma_semaphore, #tpu.memory_space<semaphore_mem>>) src(%dma_wait3A_77 : memref<1000000x64xf32, #tpu.memory_space<hbm>>) dst(%arg13 : memref<200x64xf32, #tpu.memory_space<vmem>>)
      %gt3A_78 = arith.constant 0 : i32
      %gt3A_79 = arith.cmpi sgt, %scan3A_39, %gt3A_78 : i32
      %convert_element_type3A_80 = arith.extui %gt3A_79 : i1 to i32
      %cond3A_81 = arith.constant 0 : i32
      %cond3A_82 = arith.cmpi ne, %convert_element_type3A_80, %cond3A_81 : i32
      scf.if %cond3A_82 {
        %sub3A = arith.constant 2 : i32
        %sub3A_94 = arith.subi %add3A_44, %sub3A : i32
        %mul3A_95 = arith.constant 200 : i32
        %mul3A_96 = arith.muli %sub3A_94, %mul3A_95 : i32
        %add3A_97 = arith.addi %mul3A_2, %mul3A_96 : i32
        %mul3A_98 = arith.constant 64 : i32
        %mul3A_99 = arith.muli %add3A_97, %mul3A_98 : i32
        %dma_wait3A_100 = tpu.memref_slice %arg7[%mul3A_99] : memref<52428800xf32, #tpu.memory_space<hbm>> -> memref<12800xf32, #tpu.memory_space<hbm>>
        %dma_wait3A_101 = tpu.memref_slice %arg7[%mul3A_99] : memref<52428800xf32, #tpu.memory_space<hbm>> -> memref<12800xf32, #tpu.memory_space<hbm>>
        tpu.wait_dma2 semaphore(%arg19 : memref<!tpu.dma_semaphore, #tpu.memory_space<semaphore_mem>>) src(%arg15 : memref<12800xf32, #tpu.memory_space<vmem>>) dst(%dma_wait3A_101 : memref<12800xf32, #tpu.memory_space<hbm>>)
      } else {
      }
      %parallel_loop3A_83 = arith.constant 0 : i32
      %parallel_loop3A_84 = arith.constant 200 : i32
      %parallel_loop3A_85 = arith.constant 1 : i32
      scf.for %parallel_loop3A_94 = %parallel_loop3A_83 to %parallel_loop3A_84 step %parallel_loop3A_85  : i32 {
        %parallel_loop3A_95 = arith.index_cast %parallel_loop3A_94 : i32 to index
        %parallel_loop3A_96 = arith.constant 0 : index
        %parallel_loop3A_97 = tpu.vector_load %arg13[%parallel_loop3A_95, %parallel_loop3A_96] {strides = array<i32>} : memref<200x64xf32, #tpu.memory_space<vmem>>, vector<16xf32>,
        %parallel_loop3A_98 = arith.index_cast %parallel_loop3A_94 : i32 to index
        %parallel_loop3A_99 = arith.constant 0 : index
        %parallel_loop3A_100 = tpu.vector_load %arg9[%parallel_loop3A_98, %parallel_loop3A_99] {strides = array<i32>} : memref<200x64xf32, #tpu.memory_space<vmem>>, vector<16xf32>,
        %parallel_loop3A_101 = arith.constant 8.000000e+00 : f32
        %parallel_loop3A_102 = vector.broadcast %parallel_loop3A_101 : f32 to vector<16xf32>
        %parallel_loop3A_103 = arith.mulf %parallel_loop3A_97, %parallel_loop3A_102 : vector<16xf32>
        %parallel_loop3A_104 = arith.addf %parallel_loop3A_103, %parallel_loop3A_100 : vector<16xf32>
        %parallel_loop3A_105 = arith.index_cast %parallel_loop3A_94 : i32 to index
        %parallel_loop3A_106 = arith.constant 16 : index
        %parallel_loop3A_107 = tpu.vector_load %arg13[%parallel_loop3A_105, %parallel_loop3A_106] {strides = array<i32>} : memref<200x64xf32, #tpu.memory_space<vmem>>, vector<16xf32>,
        %parallel_loop3A_108 = arith.index_cast %parallel_loop3A_94 : i32 to index
        %parallel_loop3A_109 = arith.constant 16 : index
        %parallel_loop3A_110 = tpu.vector_load %arg9[%parallel_loop3A_108, %parallel_loop3A_109] {strides = array<i32>} : memref<200x64xf32, #tpu.memory_space<vmem>>, vector<16xf32>,
        %parallel_loop3A_111 = arith.constant 8.000000e+00 : f32
        %parallel_loop3A_112 = vector.broadcast %parallel_loop3A_111 : f32 to vector<16xf32>
        %parallel_loop3A_113 = arith.mulf %parallel_loop3A_107, %parallel_loop3A_112 : vector<16xf32>
        %parallel_loop3A_114 = arith.addf %parallel_loop3A_113, %parallel_loop3A_110 : vector<16xf32>
        %parallel_loop3A_115 = arith.index_cast %parallel_loop3A_94 : i32 to index
        %parallel_loop3A_116 = arith.constant 32 : index
        %parallel_loop3A_117 = tpu.vector_load %arg13[%parallel_loop3A_115, %parallel_loop3A_116] {strides = array<i32>} : memref<200x64xf32, #tpu.memory_space<vmem>>, vector<16xf32>,
        %parallel_loop3A_118 = arith.index_cast %parallel_loop3A_94 : i32 to index
        %parallel_loop3A_119 = arith.constant 32 : index
        %parallel_loop3A_120 = tpu.vector_load %arg9[%parallel_loop3A_118, %parallel_loop3A_119] {strides = array<i32>} : memref<200x64xf32, #tpu.memory_space<vmem>>, vector<16xf32>,
        %parallel_loop3A_121 = arith.constant 8.000000e+00 : f32
        %parallel_loop3A_122 = vector.broadcast %parallel_loop3A_121 : f32 to vector<16xf32>
        %parallel_loop3A_123 = arith.mulf %parallel_loop3A_117, %parallel_loop3A_122 : vector<16xf32>
        %parallel_loop3A_124 = arith.addf %parallel_loop3A_123, %parallel_loop3A_120 : vector<16xf32>
        %parallel_loop3A_125 = arith.index_cast %parallel_loop3A_94 : i32 to index
        %parallel_loop3A_126 = arith.constant 48 : index
        %parallel_loop3A_127 = tpu.vector_load %arg13[%parallel_loop3A_125, %parallel_loop3A_126] {strides = array<i32>} : memref<200x64xf32, #tpu.memory_space<vmem>>, vector<16xf32>,
        %parallel_loop3A_128 = arith.index_cast %parallel_loop3A_94 : i32 to index
        %parallel_loop3A_129 = arith.constant 48 : index
        %parallel_loop3A_130 = tpu.vector_load %arg9[%parallel_loop3A_128, %parallel_loop3A_129] {strides = array<i32>} : memref<200x64xf32, #tpu.memory_space<vmem>>, vector<16xf32>,
        %parallel_loop3A_131 = arith.constant 8.000000e+00 : f32
        %parallel_loop3A_132 = vector.broadcast %parallel_loop3A_131 : f32 to vector<16xf32>
        %parallel_loop3A_133 = arith.mulf %parallel_loop3A_127, %parallel_loop3A_132 : vector<16xf32>
        %parallel_loop3A_134 = arith.addf %parallel_loop3A_133, %parallel_loop3A_130 : vector<16xf32>
        %parallel_loop3A_135 = arith.addf %parallel_loop3A_104, %parallel_loop3A_114 : vector<16xf32>
        %parallel_loop3A_136 = arith.addf %parallel_loop3A_124, %parallel_loop3A_134 : vector<16xf32>
        %parallel_loop3A_137 = arith.addf %parallel_loop3A_135, %parallel_loop3A_136 : vector<16xf32>
        %parallel_loop3A_138 = arith.constant true
        %parallel_loop3A_139 = vector.broadcast %parallel_loop3A_138 : i1 to vector<16xi1>
        %parallel_loop3A_140 = tpu.scan <sum>, %parallel_loop3A_137 masked %parallel_loop3A_139 : vector<16xf32>, vector<16xi1> -> vector<16xf32>
        %parallel_loop3A_141 = vector.extract %parallel_loop3A_140[15] : f32 from vector<16xf32>
        %parallel_loop3A_142 = arith.mulf %parallel_loop3A_104, %parallel_loop3A_104 : vector<16xf32>
        %parallel_loop3A_143 = arith.mulf %parallel_loop3A_114, %parallel_loop3A_114 : vector<16xf32>
        %parallel_loop3A_144 = arith.addf %parallel_loop3A_142, %parallel_loop3A_143 : vector<16xf32>
        %parallel_loop3A_145 = arith.mulf %parallel_loop3A_124, %parallel_loop3A_124 : vector<16xf32>
        %parallel_loop3A_146 = arith.mulf %parallel_loop3A_134, %parallel_loop3A_134 : vector<16xf32>
        %parallel_loop3A_147 = arith.addf %parallel_loop3A_145, %parallel_loop3A_146 : vector<16xf32>
        %parallel_loop3A_148 = arith.addf %parallel_loop3A_144, %parallel_loop3A_147 : vector<16xf32>
        %parallel_loop3A_149 = arith.constant true
        %parallel_loop3A_150 = vector.broadcast %parallel_loop3A_149 : i1 to vector<16xi1>
        %parallel_loop3A_151 = tpu.scan <sum>, %parallel_loop3A_148 masked %parallel_loop3A_150 : vector<16xf32>, vector<16xi1> -> vector<16xf32>
        %parallel_loop3A_152 = vector.extract %parallel_loop3A_151[15] : f32 from vector<16xf32>
        %parallel_loop3A_153 = arith.constant 1.562500e-02 : f32
        %parallel_loop3A_154 = arith.mulf %parallel_loop3A_141, %parallel_loop3A_153 : f32
        %parallel_loop3A_155 = arith.constant 1.562500e-02 : f32
        %parallel_loop3A_156 = arith.mulf %parallel_loop3A_152, %parallel_loop3A_155 : f32
        %parallel_loop3A_157 = arith.mulf %parallel_loop3A_154, %parallel_loop3A_154 : f32
        %parallel_loop3A_158 = arith.subf %parallel_loop3A_156, %parallel_loop3A_157 : f32
        %parallel_loop3A_159 = arith.constant 1.01587307 : f32
        %parallel_loop3A_160 = arith.mulf %parallel_loop3A_158, %parallel_loop3A_159 : f32
        %parallel_loop3A_161 = arith.constant 1.000000e-30 : f32
        %parallel_loop3A_162 = arith.maximumf %parallel_loop3A_160, %parallel_loop3A_161 : f32
        %parallel_loop3A_163 = arith.bitcast %parallel_loop3A_162 : f32 to i32
        %parallel_loop3A_164 = arith.constant 1 : i32
        %parallel_loop3A_165 = arith.shrui %parallel_loop3A_163, %parallel_loop3A_164 : i32
        %parallel_loop3A_166 = arith.constant 1597463007 : i32
        %parallel_loop3A_167 = arith.subi %parallel_loop3A_166, %parallel_loop3A_165 : i32
        %parallel_loop3A_168 = arith.bitcast %parallel_loop3A_167 : i32 to f32
        %parallel_loop3A_169 = arith.constant 5.000000e-01 : f32
        %parallel_loop3A_170 = arith.mulf %parallel_loop3A_169, %parallel_loop3A_162 : f32
        %parallel_loop3A_171 = arith.mulf %parallel_loop3A_170, %parallel_loop3A_168 : f32
        %parallel_loop3A_172 = arith.mulf %parallel_loop3A_171, %parallel_loop3A_168 : f32
        %parallel_loop3A_173 = arith.constant 1.500000e+00 : f32
        %parallel_loop3A_174 = arith.subf %parallel_loop3A_173, %parallel_loop3A_172 : f32
        %parallel_loop3A_175 = arith.mulf %parallel_loop3A_168, %parallel_loop3A_174 : f32
        %parallel_loop3A_176 = arith.constant 5.000000e-01 : f32
        %parallel_loop3A_177 = arith.mulf %parallel_loop3A_176, %parallel_loop3A_162 : f32
        %parallel_loop3A_178 = arith.mulf %parallel_loop3A_177, %parallel_loop3A_175 : f32
        %parallel_loop3A_179 = arith.mulf %parallel_loop3A_178, %parallel_loop3A_175 : f32
        %parallel_loop3A_180 = arith.constant 1.500000e+00 : f32
        %parallel_loop3A_181 = arith.subf %parallel_loop3A_180, %parallel_loop3A_179 : f32
        %parallel_loop3A_182 = arith.mulf %parallel_loop3A_175, %parallel_loop3A_181 : f32
        %parallel_loop3A_183 = arith.mulf %parallel_loop3A_162, %parallel_loop3A_182 : f32
        %parallel_loop3A_184 = arith.constant 9.99999997E-7 : f32
        %parallel_loop3A_185 = arith.addf %parallel_loop3A_183, %parallel_loop3A_184 : f32
        %parallel_loop3A_186 = arith.bitcast %parallel_loop3A_185 : f32 to i32
        %parallel_loop3A_187 = arith.constant 2129859011 : i32
        %parallel_loop3A_188 = arith.subi %parallel_loop3A_187, %parallel_loop3A_186 : i32
        %parallel_loop3A_189 = arith.bitcast %parallel_loop3A_188 : i32 to f32
        %parallel_loop3A_190 = arith.mulf %parallel_loop3A_185, %parallel_loop3A_189 : f32
        %parallel_loop3A_191 = arith.constant 2.000000e+00 : f32
        %parallel_loop3A_192 = arith.subf %parallel_loop3A_191, %parallel_loop3A_190 : f32
        %parallel_loop3A_193 = arith.mulf %parallel_loop3A_189, %parallel_loop3A_192 : f32
        %parallel_loop3A_194 = arith.mulf %parallel_loop3A_185, %parallel_loop3A_193 : f32
        %parallel_loop3A_195 = arith.constant 2.000000e+00 : f32
        %parallel_loop3A_196 = arith.subf %parallel_loop3A_195, %parallel_loop3A_194 : f32
        %parallel_loop3A_197 = arith.mulf %parallel_loop3A_193, %parallel_loop3A_196 : f32
        %parallel_loop3A_198 = vector.broadcast %parallel_loop3A_154 : f32 to vector<16xf32>
        %parallel_loop3A_199 = arith.subf %parallel_loop3A_104, %parallel_loop3A_198 : vector<16xf32>
        %parallel_loop3A_200 = vector.broadcast %parallel_loop3A_197 : f32 to vector<16xf32>
        %parallel_loop3A_201 = arith.mulf %parallel_loop3A_199, %parallel_loop3A_200 : vector<16xf32>
        %parallel_loop3A_202 = arith.mulf %parallel_loop3A_201, %get3A_3 : vector<16xf32>
        %parallel_loop3A_203 = arith.addf %parallel_loop3A_202, %get3A_11 : vector<16xf32>
        %parallel_loop3A_204 = arith.constant 64 : i32
        %parallel_loop3A_205 = arith.muli %parallel_loop3A_94, %parallel_loop3A_204 : i32
        %parallel_loop3A_206 = arith.constant 0 : i32
        %parallel_loop3A_207 = arith.addi %parallel_loop3A_205, %parallel_loop3A_206 : i32
        %parallel_loop3A_208 = arith.index_cast %parallel_loop3A_207 : i32 to index
        %parallel_loop3A_209 = tpu.vector_load %arg15[%parallel_loop3A_208] {strides = array<i32>} : memref<12800xf32, #tpu.memory_space<vmem>>, vector<16xf32>,
        tpu.vector_store %arg15[%parallel_loop3A_208], %parallel_loop3A_203 {strides = array<i32>} : memref<12800xf32, #tpu.memory_space<vmem>>, vector<16xf32>,
        %parallel_loop3A_210 = vector.broadcast %parallel_loop3A_154 : f32 to vector<16xf32>
        %parallel_loop3A_211 = arith.subf %parallel_loop3A_114, %parallel_loop3A_210 : vector<16xf32>
        %parallel_loop3A_212 = vector.broadcast %parallel_loop3A_197 : f32 to vector<16xf32>
        %parallel_loop3A_213 = arith.mulf %parallel_loop3A_211, %parallel_loop3A_212 : vector<16xf32>
        %parallel_loop3A_214 = arith.mulf %parallel_loop3A_213, %get3A_5 : vector<16xf32>
        %parallel_loop3A_215 = arith.addf %parallel_loop3A_214, %get3A_13 : vector<16xf32>
        %parallel_loop3A_216 = arith.constant 64 : i32
        %parallel_loop3A_217 = arith.muli %parallel_loop3A_94, %parallel_loop3A_216 : i32
        %parallel_loop3A_218 = arith.constant 16 : i32
        %parallel_loop3A_219 = arith.addi %parallel_loop3A_217, %parallel_loop3A_218 : i32
        %parallel_loop3A_220 = arith.index_cast %parallel_loop3A_219 : i32 to index
        %parallel_loop3A_221 = tpu.vector_load %arg15[%parallel_loop3A_220] {strides = array<i32>} : memref<12800xf32, #tpu.memory_space<vmem>>, vector<16xf32>,
        tpu.vector_store %arg15[%parallel_loop3A_220], %parallel_loop3A_215 {strides = array<i32>} : memref<12800xf32, #tpu.memory_space<vmem>>, vector<16xf32>,
        %parallel_loop3A_222 = vector.broadcast %parallel_loop3A_154 : f32 to vector<16xf32>
        %parallel_loop3A_223 = arith.subf %parallel_loop3A_124, %parallel_loop3A_222 : vector<16xf32>
        %parallel_loop3A_224 = vector.broadcast %parallel_loop3A_197 : f32 to vector<16xf32>
        %parallel_loop3A_225 = arith.mulf %parallel_loop3A_223, %parallel_loop3A_224 : vector<16xf32>
        %parallel_loop3A_226 = arith.mulf %parallel_loop3A_225, %get3A_7 : vector<16xf32>
        %parallel_loop3A_227 = arith.addf %parallel_loop3A_226, %get3A_15 : vector<16xf32>
        %parallel_loop3A_228 = arith.constant 64 : i32
        %parallel_loop3A_229 = arith.muli %parallel_loop3A_94, %parallel_loop3A_228 : i32
        %parallel_loop3A_230 = arith.constant 32 : i32
        %parallel_loop3A_231 = arith.addi %parallel_loop3A_229, %parallel_loop3A_230 : i32
        %parallel_loop3A_232 = arith.index_cast %parallel_loop3A_231 : i32 to index
        %parallel_loop3A_233 = tpu.vector_load %arg15[%parallel_loop3A_232] {strides = array<i32>} : memref<12800xf32, #tpu.memory_space<vmem>>, vector<16xf32>,
        tpu.vector_store %arg15[%parallel_loop3A_232], %parallel_loop3A_227 {strides = array<i32>} : memref<12800xf32, #tpu.memory_space<vmem>>, vector<16xf32>,
        %parallel_loop3A_234 = vector.broadcast %parallel_loop3A_154 : f32 to vector<16xf32>
        %parallel_loop3A_235 = arith.subf %parallel_loop3A_134, %parallel_loop3A_234 : vector<16xf32>
        %parallel_loop3A_236 = vector.broadcast %parallel_loop3A_197 : f32 to vector<16xf32>
        %parallel_loop3A_237 = arith.mulf %parallel_loop3A_235, %parallel_loop3A_236 : vector<16xf32>
        %parallel_loop3A_238 = arith.mulf %parallel_loop3A_237, %get3A_9 : vector<16xf32>
        %parallel_loop3A_239 = arith.addf %parallel_loop3A_238, %get3A_17 : vector<16xf32>
        %parallel_loop3A_240 = arith.constant 64 : i32
        %parallel_loop3A_241 = arith.muli %parallel_loop3A_94, %parallel_loop3A_240 : i32
        %parallel_loop3A_242 = arith.constant 48 : i32
        %parallel_loop3A_243 = arith.addi %parallel_loop3A_241, %parallel_loop3A_242 : i32
        %parallel_loop3A_244 = arith.index_cast %parallel_loop3A_243 : i32 to index
        %parallel_loop3A_245 = tpu.vector_load %arg15[%parallel_loop3A_244] {strides = array<i32>} : memref<12800xf32, #tpu.memory_space<vmem>>, vector<16xf32>,
        tpu.vector_store %arg15[%parallel_loop3A_244], %parallel_loop3A_239 {strides = array<i32>} : memref<12800xf32, #tpu.memory_space<vmem>>, vector<16xf32>,
      } {sc.loop_unroll_factor = 8 : i64, sc.parallel_access}
      %mul3A_86 = arith.constant 200 : i32
      %mul3A_87 = arith.muli %add3A_44, %mul3A_86 : i32
      %add3A_88 = arith.addi %mul3A_2, %mul3A_87 : i32
      %mul3A_89 = arith.constant 64 : i32
      %mul3A_90 = arith.muli %add3A_88, %mul3A_89 : i32
      %dma_start3A_91 = tpu.memref_slice %arg7[%mul3A_90] : memref<52428800xf32, #tpu.memory_space<hbm>> -> memref<12800xf32, #tpu.memory_space<hbm>>
      %dma_start3A_92 = tpu.memref_slice %arg7[%mul3A_90] : memref<52428800xf32, #tpu.memory_space<hbm>> -> memref<12800xf32, #tpu.memory_space<hbm>>
      tpu.enqueue_dma source(%arg15 : memref<12800xf32, #tpu.memory_space<vmem>>) target(%dma_start3A_92 : memref<12800xf32, #tpu.memory_space<hbm>>) target_semaphore(%arg19 : memref<!tpu.dma_semaphore, #tpu.memory_space<semaphore_mem>>)
      %scan3A_93 = arith.constant 0 : i32
      scf.yield %scan3A_93 : i32
    }
    %scan3A_27 = arith.constant 64 : i32
    %add3A_28 = arith.constant 25200 : i32
    %add3A_29 = arith.addi %mul3A_2, %add3A_28 : i32
    %mul3A_30 = arith.constant 64 : i32
    %mul3A_31 = arith.muli %add3A_29, %mul3A_30 : i32
    %dma_wait3A = tpu.memref_slice %arg7[%mul3A_31] : memref<52428800xf32, #tpu.memory_space<hbm>> -> memref<12800xf32, #tpu.memory_space<hbm>>
    %dma_wait3A_32 = tpu.memref_slice %arg7[%mul3A_31] : memref<52428800xf32, #tpu.memory_space<hbm>> -> memref<12800xf32, #tpu.memory_space<hbm>>
    tpu.wait_dma2 semaphore(%arg18 : memref<!tpu.dma_semaphore, #tpu.memory_space<semaphore_mem>>) src(%arg14 : memref<12800xf32, #tpu.memory_space<vmem>>) dst(%dma_wait3A_32 : memref<12800xf32, #tpu.memory_space<hbm>>)
    %add3A_33 = arith.constant 25400 : i32
    %add3A_34 = arith.addi %mul3A_2, %add3A_33 : i32
    %mul3A_35 = arith.constant 64 : i32
    %mul3A_36 = arith.muli %add3A_34, %mul3A_35 : i32
    %dma_wait3A_37 = tpu.memref_slice %arg7[%mul3A_36] : memref<52428800xf32, #tpu.memory_space<hbm>> -> memref<12800xf32, #tpu.memory_space<hbm>>
    %dma_wait3A_38 = tpu.memref_slice %arg7[%mul3A_36] : memref<52428800xf32, #tpu.memory_space<hbm>> -> memref<12800xf32, #tpu.memory_space<hbm>>
    tpu.wait_dma2 semaphore(%arg19 : memref<!tpu.dma_semaphore, #tpu.memory_space<semaphore_mem>>) src(%arg15 : memref<12800xf32, #tpu.memory_space<vmem>>) dst(%dma_wait3A_38 : memref<12800xf32, #tpu.memory_space<hbm>>)
    return
  }
}

</mosaic_0001>

<sc_bundles>
// kernel: kernel.3.cloned.1.call-start
scs
__scs_entry_jumppad:
0x0: {  	(pc) =	sbr.rel $0x88, $3  }
0x1: {  	(tag) =	ssettag $0x0;
	lr =	simm.s32 $0x1  }
0x2: {  	[smem:$0x3F9D] =	sst lr;
	_ =	strace $0xD0000000  }
0x3: {  	_ = 	snop  }
0x4: {  	_ = 	snop  }
0x5: {  	_ = 	snop  }
0x6: {  	_ = 	snop  }
0x7: {  	_ = 	snop  }
__scs_overlays_trampoline_lowered:
0x8: {  	[smem:$0x3FAC] =	sst s0  }
0x9: {  	[smem:$0x3FAD] =	sst s1  }
0xa: {  	[smem:$0x3FAE] =	sst s2  }
0xb: {  	[smem:$0x3FAF] =	sst s3  }
0xc: {  	[smem:$0x3FB0] =	sst s4  }
0xd: {  	[smem:$0x3FB1] =	sst s5  }
0xe: {  	[smem:$0x3FB2] =	sst s6  }
0xf: {  	[smem:$0x3FB3] =	sst s7  }
0x10: {  	[smem:$0x3FB4] =	sst s8  }
0x11: {  	[smem:$0x3FB5] =	sst s9;
	s0 =	simm.s32 @!p0 $0x0  }
0x12: {  	s1 =	sld [smem:$0x3F9B];
	s0 =	simm.s32 @p0 $0x1  }
0x13: {  	[smem:$0x3FB6] =	sst s0;
	s0 =	simm.s32 @!p1 $0x0  }
0x14: {  	s2 =	sld [smem:$0x3F9A];
	s0 =	simm.s32 @p1 $0x1  }
0x15: {  	[smem:$0x3FB7] =	sst s0;
	s0 =	simm.s32 @!p2 $0x0  }
0x16: {  	s3 =	sld [smem:$0x3FDB];
	s0 =	simm.s32 @p2 $0x1  }
0x17: {  	s4 =	simm.s32 $0x1BF5;
	[smem:$0x3FB9] =	sst s0  }
0x18: {  	s0 =	sld [smem:$0x3F9C];
	_ =	swait.ge [sflag:s4], $0x0  }
0x19: {  	s7 =	sld [smem:$0x3F9D]  }
0x1a: {  	s8 =	sadd.s32 $0xFFFFE003, lr  }
0x1b: {  	s9 =	sadd.s32 $0xFFFFFEF7, lr;
	s5 =	simm.s32 $0xFFFFFFFF;
	p2 =	slt.u32 s8, $0xFFFFF086  }
0x1c: {  	p1 =	slt.u32 s9, $0xF7A;
	s5 =	simm.s32 @!p2 $0x0  }
0x1d: {  	s5 =	simm.s32 @p1 $0x1;
	p0 =	seq.s32 s7, s2  }
0x1e: {  	s7 =	smul.u32 @!p0 $0xF7A, s2;
	p2 =	seq.s32 @!p0 s5, $0x0  }
0x1f: {  	s9 =	smul.u32 $0xF7A, s1;
	s8 =	simm.s32 @!p0 $0x1BF5;
	p2 =	por !p2, p0  }
0x20: {  	[sflag:s8] =	ssyncset.s32 @!p0 $0xFFFFF086;
	s6 =	sadd.s32 @!p0 s3, s7;
	s7 =	simm.s32 @!p0 $0x108  }
0x21: {  	s3 =	sadd.s32 s3, s9;
	s6 =	sadd.s32 @!p0 $0x88, s6;
	s7 =	simm.s32 @p2 $0x1082  }
0x22: {  	[simem:s7], [sflag:s8] =	dma.local @!p0 [hbm:s6], $0xF7A  }
0x23: {  	s9 =	sor.u32 $0xD0000000, s2;
	s6 =	simm.s32 $0x108;
	_ =	swait.ge @!p0 [sflag:s8], $0x0  }
0x24: {  	s3 =	sadd.s32 $0x88, s3;
	s6 =	simm.s32 @!p1 $0x1082;
	[sflag:s4] =	ssyncset.s32 $0xFFFFF086  }
0x25: {  	[simem:s6], [sflag:s4] =	dma.local [hbm:s3], $0xF7A  }
0x26: {  	[smem:$0x3F9D] =	sst s1;
	(tag) =	ssettag s2;
	_ =	strace s9  }
0x27: {  	s1 =	sld [smem:$0x3FAD]  }
0x28: {  	s2 =	sld [smem:$0x3FAE]  }
0x29: {  	s4 =	sld [smem:$0x3FB0]  }
0x2a: {  	p0 =	seq.s32 s5, $0x0;
	s5 =	sld [smem:$0x3FB1]  }
0x2b: {  	s6 =	sld [smem:$0x3FB2]  }
0x2c: {  	s7 =	sld [smem:$0x3FB3]  }
0x2d: {  	s3 =	simm.s32 $0x108;
	s8 =	sld [smem:$0x3FB4]  }
0x2e: {  	s3 =	simm.s32 @!p0 $0x1082;
	s9 =	sld [smem:$0x3FB5]  }
0x2f: {  	lr =	sadd.s32 s0, s3;
	s0 =	sld [smem:$0x3FAC]  }
0x30: {  	s3 =	sld [smem:$0x3FAF]  }
0x31: {  	[smem:$0x3FB8] =	sst s10  }
0x32: {  	s10 =	sld [smem:$0x3FB6];
	_ =	sdelay $0x3  }
0x33: {  	p0 =	seq.s32 s10, $0x1;
	s10 =	sld [smem:$0x3FB8];
	_ =	sdelay $0x3  }
0x34: {  	[smem:$0x3FB8] =	sst s10  }
0x35: {  	s10 =	sld [smem:$0x3FB7];
	_ =	sdelay $0x3  }
0x36: {  	p1 =	seq.s32 s10, $0x1;
	s10 =	sld [smem:$0x3FB8];
	_ =	sdelay $0x3  }
0x37: {  	[smem:$0x3FB8] =	sst s10  }
0x38: {  	s10 =	sld [smem:$0x3FB9]  }
0x39: {  	_ = 	snop;
	(pc) =	sbr.ind lr, $3  }
0x3a: {  	_ = 	snop  }
0x3b: {  	_ = 	snop  }
0x3c: {  	p2 =	seq.s32 s10, $0x1;
	s10 =	sld [smem:$0x3FB8]  }
0x3d: {  	_ =	shalt  }
0x3e: {  	_ =	shalt  }
0x3f: {  	_ =	shalt  }
0x40: {  	_ =	shalt  }
0x41: {  	_ =	shalt  }
0x42: {  	_ =	shalt  }
0x43: {  	_ =	shalt  }
0x44: {  	_ =	shalt  }
0x45: {  	_ =	shalt  }
0x46: {  	_ =	shalt  }
0x47: {  	_ =	shalt  }
0x48: {  	_ =	shalt  }
0x49: {  	_ =	shalt  }
0x4a: {  	_ =	shalt  }
0x4b: {  	_ =	shalt  }
0x4c: {  	_ =	shalt  }
0x4d: {  	_ =	shalt  }
0x4e: {  	_ =	shalt  }
0x4f: {  	_ =	shalt  }
0x50: {  	_ =	shalt  }
0x51: {  	_ =	shalt  }
0x52: {  	_ =	shalt  }
0x53: {  	_ =	shalt  }
0x54: {  	_ =	shalt  }
0x55: {  	_ =	shalt  }
0x56: {  	_ =	shalt  }
0x57: {  	_ =	shalt  }
0x58: {  	_ =	shalt  }
0x59: {  	_ =	shalt  }
0x5a: {  	_ =	shalt  }
0x5b: {  	_ =	shalt  }
0x5c: {  	_ =	shalt  }
0x5d: {  	_ =	shalt  }
0x5e: {  	_ =	shalt  }
0x5f: {  	_ =	shalt  }
0x60: {  	_ =	shalt  }
0x61: {  	_ =	shalt  }
0x62: {  	_ =	shalt  }
0x63: {  	_ =	shalt  }
0x64: {  	_ =	shalt  }
0x65: {  	_ =	shalt  }
0x66: {  	_ =	shalt  }
0x67: {  	_ =	shalt  }
0x68: {  	_ =	shalt  }
0x69: {  	_ =	shalt  }
0x6a: {  	_ =	shalt  }
0x6b: {  	_ =	shalt  }
0x6c: {  	_ =	shalt  }
0x6d: {  	_ =	shalt  }
0x6e: {  	_ =	shalt  }
0x6f: {  	_ =	shalt  }
0x70: {  	_ =	shalt  }
0x71: {  	_ =	shalt  }
0x72: {  	_ =	shalt  }
0x73: {  	_ =	shalt  }
0x74: {  	_ =	shalt  }
0x75: {  	_ =	shalt  }
0x76: {  	_ =	shalt  }
0x77: {  	_ =	shalt  }
0x78: {  	_ =	shalt  }
0x79: {  	_ =	shalt  }
0x7a: {  	_ =	shalt  }
0x7b: {  	_ =	shalt  }
0x7c: {  	_ =	shalt  }
0x7d: {  	_ =	shalt  }
0x7e: {  	_ =	shalt  }
0x7f: {  	_ =	shalt  }
0x80: {  	_ =	shalt  }
0x81: {  	_ =	shalt  }
0x82: {  	_ =	shalt  }
0x83: {  	_ =	shalt  }
0x84: {  	_ =	shalt  }
0x85: {  	_ =	shalt  }
0x86: {  	_ =	shalt  }
0x87: {  	_ =	shalt  }
.Lfunc_end0:
.L_simem_size_0:
called_computation.1_lowered:
.L_overlay_start_0:
0x88: {  	s2 =	sld [smem:$0x3FD9]  }
0x89: {  	s3 =	sld [smem:$0x3FFE];
	_ =	sdelay $0x1  }
0x8a: {  	s1 =	srdreg.scid  }
0x8b: {  	s0 =	sand.u32 $0x1, s1  }
0x8c: {  	s17 =	sshll.u32 s0, $0xA;
	s2 =	sadd.s32 s3, s2  }
0x8d: {  	s2 =	sadd.s32 s2, s17  }
0x8e: {  	[smem:$0x3FC4] =	sst s2  }
0x8f: {  	_ = 	snop  }
0x90: {  	s2 =	sld [smem:$0x3FC7]  }
0x91: {  	s18 =	sld [smem:$0x3FC6]  }
0x92: {  	s4 =	sld [smem:$0x3FD0];
	(tm) =	ssettm $0x1  }
0x93: {  	s5 =	sld [smem:$0x3FFB];
	_ =	sdelay $0x3  }
0x94: {  	_ =	strace s5  }
0x95: {  	s5 =	sld [smem:$0x3FFC];
	_ =	sdelay $0x3  }
0x96: {  	_ =	strace s5  }
0x97: {  	s5 =	sld [smem:$0x3FFD];
	_ =	sdelay $0x3  }
0x98: {  	_ =	strace s5  }
0x99: {  	_ =	strace $0x8FFFFFFF  }
0x9a: {  	s19 =	sld [smem:$0x3FDB];
	_ =	sdelay $0x1  }
0x9b: {  	s6 =	simm.s32 $_scs_section_size  }
0x9c: {  	s7 =	simm.s32 $_size__tile_overlayer_lowered;
	s8 =	simm.s32 $_tile_overlayer_lowered  }
0x9d: {  	s22 =	simm.s32 $0x1BFF;
	s21 =	sshll.u32 s8, $0x1;
	s5 =	sadd.s32 s6, s19  }
0x9e: {  	s9 =	simm.s32 $0x0;
	s20 =	sshll.u32 s7, $0x1;
	s7 =	sadd.s32 s21, s5  }
0x9f: {  	[timem:s9], [sflag:s22] =	dma.local [hbm:s7], s20  }
0xa0: {  	_ =	swait.ge [sflag:s22], s20  }
0xa1: {  	s6 =	ssub.s32 $0x0, s20;
	[sflag:s22] =	ssyncset.done $0x0  }
0xa2: {  	[sflag:s22] =	ssyncadd.s32 s6;
	_ =	sdelay $0x1  }
0xa3: {  	s23 =	simm.s32 $0x1B8B  }
0xa4: {  	_ =	swait.ge [sflag:s23], $0x1  }
0xa5: {  	[sflag:s23] =	ssyncset.done $0x0  }
0xa6: {  	s25 =	simm.s32 $0x1B8E;
	s24 =	sld [smem:$0x3FFE];
	[sflag:s23] =	ssyncadd.s32 $0xFFFFFFFF  }
0xa7: {  	s26 =	simm.s32 $execute0_lowered;
	[smem:$0x3FD2] =	sst s25  }
0xa8: {  	s7 =	sshll.u32 s26, $0x1;
	_ =	strace $0x80000046;
	[dreg:$0x1] =	wrdreg $0xFFFFFFFF  }
0xa9: {  	s28 =	simm.s32 $_size_execute0_lowered;
	s5 =	sadd.s32 s5, s7;
	[dreg:$0x0] =	wrdreg $0x0  }
0xaa: {  	s7 =	sshll.u32 s28, $0x1;
	[dreg:$0x2] =	wrdreg s5  }
0xab: {  	[dreg:$0x3] =	wrdreg s7  }
0xac: {  	[dreg:$0x4] =	wrdreg $0xC0  }
0xad: {  	_ =	task [dreg:s9], $0x5FFFF  }
0xae: {  	[dreg:$0x1] =	wrdreg $0xFFFFFFFF  }
0xaf: {  	[dreg:$0x0] =	wrdreg $0x60  }
0xb0: {  	[dreg:$0x2] =	wrdreg s24  }
0xb1: {  	[dreg:$0x3] =	wrdreg s2  }
0xb2: {  	[dreg:$0x4] =	wrdreg s18  }
0xb3: {  	[dreg:$0x5] =	wrdreg s4  }
0xb4: {  	[dreg:$0x6] =	wrdreg $0x9  }
0xb5: {  	_ =	task.clear_ibuf [dreg:s9], $0x7FFFF;
	_ =	strace $0x90000046  }
0xb6: {  	s29 =	simm.s32 $0x9;
	_ =	strace $0x80000048  }
0xb7: {  	_ =	swait.ge [sflag:s29], $0x1  }
0xb8: {  	[sflag:s29] =	ssyncadd.s32 $0xFFFFFFFF  }
0xb9: {  	_ =	strace $0x90000048  }
0xba: {  	_ =	sfence  }
0xbb: {  	s30 =	sld [smem:$0x0];
	_ =	sdelay $0x2  }
0xbc: {  	s31 =	sshll.u32 s1, $0xD;
	s1 =	sshrl.u32 s1, $0x2  }
0xbd: {  	s3 =	sand.u32 $0x4000, s31;
	s1 =	sadd.s32 s1, s30  }
0xbe: {  	s0 =	sor.u32 s3, s0;
	s1 =	sshll.u32 s1, $0x11  }
0xbf: {  	s0 =	sor.u32 s1, s0  }
0xc0: {  	s0 =	sadd.s32 $0x8F2B, s0  }
0xc1: {  	[sflag:s0] =	ssyncadd.remote.s32 $0x1  }
0xc2: {  	_ =	sfence.sel $0xFFFF  }
0xc3: {  	[dreg:$0x0] =	wrdreg $0xFFFFFFFF;
	(pc) =	sbr.abs _section_cstart, $3  }
0xc4: {  	[dreg:$0x1] =	wrdreg $0xFFFFFFFF  }
0xc5: {  	_ =	task.clear_ibuf [dreg:s9], $0x2FFFF;
	_ =	strace $0x9FFFFFFF  }
0xc6: {  	(tm) =	ssettm $0x7FFFFFFF  }
0xc7: {  	_ =	shalt  }
tec
execute0_lowered:
.L_overlay_start_1:
0x0: {  	(tag) =	ssettag $0x1  }
0x1: {  	s1 =	srdreg.scid;
	s2 =	stileid.u32  }
0x2: {  	s1 =	sand.u32 $0x1, s1;
	s2 =	sshll.u32 s2, $0x1  }
0x3: {  	s0 =	rddreg [dreg:$0x0];
	s3 =	simm.s32 $0x0;
	s2 =	sor.u32 s1, s2  }
0x4: {  	[smem:$0x7FF] =	sst s3;
	s28 =	sadd.s32 $0xF43000, s0;
	s2 =	smul.u32 $0x6400, s2  }
0x5: {  	_ =	strace $0x80000047;
	[dreg:$0xc] =	wrdreg s28  }
0x6: {  	s1 =	ssub.s32 $0x2, s1;
	[dreg:$0xb] =	wrdreg s2;
	s2 =	sshrl.u32 s2, $0x3  }
0x7: {  	s29 =	sshrl.u32 s1, $0x1;
	s2 =	sadd.s32 s2, s0;
	s0 =	sadd.s32 $0x400, s0  }
0x8: {  	s30 =	ssub.s32 s1, s29;
	[dreg:$0xd] =	wrdreg s0;
	s31 =	sadd.s32 $0xC00, s2  }
0x9: {  	s0 =	smax.u32 s30, $0x1;
	[dreg:$0xe] =	wrdreg s31  }
0xa: {  	s2 =	simm.s32 $0x0;
	[dreg:$0xf] =	wrdreg s0  }
.LBB2_1:
0xb: {  	[dreg:$0x10] =	wrdreg s2  }
0xc: {  	s1 =	simm.s32 $0x0;
	s0 =	rddreg [dreg:$0xe];
	s22 =	simm.s32 $0x5  }
0xd: {  	[tilespmem:s1], [sflag:$0x5] =	stream.linear.gather [hbm4b:s0+s1], $0x6400, $0x38;
	[tilespmem:$0x15E80] =	vst v63  }
0xe: {  	_ =	swait.ge [sflag:s22], $0x6400  }
0xf: {  	[sflag:s22] =	ssyncset.done $0x0  }
0x10: {  	s3 =	simm.s32 $0x6400;
	s23 =	rddreg [dreg:$0xd];
	[sflag:s22] =	ssyncadd.s32 $0xFFFF9C00  }
0x11: {  	[tilespmem:s3], [sflag:$0x5] =	stream.linear.gather [hbm4b:s23+s1], $0x3200, $0x38;
	[tilespmem:$0x15E80] =	vst v63  }
0x12: {  	_ =	swait.ge [sflag:s22], $0x3200  }
0x13: {  	[sflag:s22] =	ssyncset.done $0x0  }
0x14: {  	[sflag:s22] =	ssyncadd.s32 $0xFFFFCE00  }
0x15: {  	s25 =	simm.s32 $0x9600;
	s24 =	rddreg [dreg:$0x1]  }
0x16: {  	[tilespmem:s25], [sflag:$0x5] =	stream.linear.gather [hbm4b:s24+s1], $0x40, $0x38;
	[tilespmem:$0x15E80] =	vst v63  }
0x17: {  	_ =	swait.ge [sflag:s22], $0x40  }
0x18: {  	[sflag:s22] =	ssyncset.done $0x0  }
0x19: {  	[sflag:s22] =	ssyncadd.s32 $0xFFFFFFC0  }
0x1a: {  	s28 =	simm.s32 $0x9640;
	s26 =	rddreg [dreg:$0x2]  }
0x1b: {  	[tilespmem:s28], [sflag:$0x5] =	stream.linear.gather [hbm4b:s26+s1], $0x40, $0x38;
	[tilespmem:$0x15E80] =	vst v63  }
0x1c: {  	_ =	swait.ge [sflag:s22], $0x40  }
0x1d: {  	[sflag:s22] =	ssyncset.done $0x0  }
0x1e: {  	[sflag:s22] =	ssyncadd.s32 $0xFFFFFFC0  }
0x1f: {  	v32 =	vld [tilespmem:$0x9600]  }
0x20: {  	v33 =	vld [tilespmem:$0x9610]  }
0x21: {  	v34 =	vld [tilespmem:$0x9620]  }
0x22: {  	v35 =	vld [tilespmem:$0x9630]  }
0x23: {  	v4 =	vld [tilespmem:$0x9640]  }
0x24: {  	v5 =	vld [tilespmem:$0x9650]  }
0x25: {  	s30 =	simm.s32 $0xC8;
	s31 =	simm.s32 $0x9680;
	s29 =	rddreg [dreg:$0xc];
	v6 =	vld [tilespmem:$0x9660]  }
0x26: {  	v7 =	vld [tilespmem:$0x9670];
	[tilespmem:s31], [sflag:$0x1] =	stream.indirect.gather [hbm4b:s29+s30], $0x40, s1, s30, $0xb8  }
0x27: {  	[tilespmem:$0x1FFB0] =	vst v32  }
0x28: {  	[tilespmem:$0x1FFC0] =	vst v33  }
0x29: {  	[tilespmem:$0x1FFD0] =	vst v34  }
0x2a: {  	[tilespmem:$0x1FFE0] =	vst v35  }
0x2b: {  	s3 =	simm.s32 $0x0;
	[tilespmem:$0x1FFF0] =	vst v6  }
.LBB2_2:
0x2c: {  	s0 =	smul.u32 $0x190, s3  }
0x2d: {  	s20 =	rddreg [dreg:$0xc]  }
0x2e: {  	s1 =	simm.s32 $0xC8;
	[dreg:$0x13] =	wrdreg s0;
	s4 =	sadd.s32 $0xC8, s0  }
0x2f: {  	s2 =	simm.s32 $0xC880;
	s21 =	simm.s32 $0x1;
	[dreg:$0x12] =	wrdreg s4  }
0x30: {  	[tilespmem:s2], [sflag:$0x2] =	stream.indirect.gather [hbm4b:s20+s1], $0x40, s4, s1, $0xb8;
	[tilespmem:$0x15E80] =	vst v63  }
0x31: {  	_ =	swait.ge [sflag:s21], $0x3200  }
0x32: {  	p0 =	seq.s32 s3, $0x0;
	[sflag:s21] =	ssyncset.done $0x0  }
0x33: {  	s0 =	simm.s32 @!p0 $0x3;
	[dreg:$0x11] =	wrdreg s3;
	[sflag:s21] =	ssyncadd.s32 $0xFFFFCE00  }
0x34: {  	_ =	swait.ge @!p0 [sflag:s0], $0x3200  }
0x35: {  	[sflag:s0] =	ssyncset.done @!p0 $0x0  }
0x36: {  	s22 =	simm.s32 $0x6500;
	[sflag:s0] =	ssyncadd.s32 @!p0 $0xFFFFCE00  }
0x37: {  	v8 =	vld [tilespmem:s22+$0xC0]  }
0x38: {  	s23 =	simm.s32 $0x9780;
	v9 =	vld [tilespmem:s22+$0xD0]  }
0x39: {  	v10 =	vld [tilespmem:s23+$0xC0]  }
0x3a: {  	v11 =	vld [tilespmem:s23+$0xD0]  }
0x3b: {  	v12 =	vld [tilespmem:s23+$0xE0]  }
0x3c: {  	v13 =	vld [tilespmem:s23+$0xF0]  }
0x3d: {  	v14 =	vld [tilespmem:s22+$0xE0]  }
0x3e: {  	v15 =	vld [tilespmem:s22+$0xF0]  }
0x3f: {  	v16 =	vld [tilespmem:s23+$0xFFFFFF10]  }
0x40: {  	v17 =	vld [tilespmem:s23+$0xFFFFFF20];
	v10 =	vmul.f32 $8.000000000e+00, v10  }
0x41: {  	v18 =	vld [tilespmem:s23+$0xFFFFFF30];
	v11 =	vmul.f32 $8.000000000e+00, v11;
	v12 =	vmul.f32 $8.000000000e+00, v12  }
0x42: {  	v20 =	vld [tilespmem:s23+$0xFFFFFF40];
	v13 =	vmul.f32 $8.000000000e+00, v13;
	v19 =	vadd.f32 v8, v10  }
0x43: {  	v21 =	vld [tilespmem:s23+$0xFFFFFF50];
	v1 =	vadd.f32 v9, v11;
	v0 =	vadd.f32 v14, v12  }
0x44: {  	v22 =	vld [tilespmem:s23+$0xFFFFFF60];
	v2 =	vadd.f32 v15, v13;
	v11 =	vmul.f32 v19, v19  }
0x45: {  	v23 =	vld [tilespmem:s23+$0xFFFFFFA0];
	v12 =	vmul.f32 v1, v1;
	v14 =	vmul.f32 v0, v0  }
0x46: {  	v27 =	vld [tilespmem:s23+$0xFFFFFFB0];
	v15 =	vmul.f32 v2, v2;
	v24 =	vadd.f32 v1, v19;
	v25 =	vadd.f32 v2, v0  }
0x47: {  	v58 =	vld [tilespmem:s23+$0xFFFFFFD0];
	v11 =	vadd.f32 v12, v11  }
0x48: {  	v59 =	vld [tilespmem:s23+$0xFFFFFFE0];
	v12 =	vadd.f32 v15, v14;
	v14 =	vadd.f32 v25, v24  }
0x49: {  	v29 =	vld [tilespmem:s23+$0xFFFFFFF0]  }
0x4a: {  	v30 =	vld [tilespmem:s23+$0x10];
	(xrf2) =	vadd.scan.msk.f32 $0xffff, v14  }
0x4b: {  	v31 =	vld [tilespmem:s23+$0x20]  }
0x4c: {  	v32 =	vld [tilespmem:s23+$0x30]  }
0x4d: {  	v33 =	vld [tilespmem:s23+$0x40]  }
0x4e: {  	v36 =	vld [tilespmem:s23+$0x50]  }
0x4f: {  	v39 =	vld [tilespmem:s23+$0x60]  }
0x50: {  	v40 =	vld [tilespmem:s23+$0x70]  }
0x51: {  	v41 =	vld [tilespmem:s23+$0x80]  }
0x52: {  	v42 =	vld [tilespmem:s23+$0x90]  }
0x53: {  	v48 =	vld [tilespmem:s23+$0xA0];
	v11 =	vadd.f32 v12, v11  }
0x54: {  	v50 =	vld [tilespmem:s23+$0xB0];
	v12, _, _ =	vpop (xrf2)  }
0x55: {  	v34 =	vld [tilespmem:s22+$0xFFFFFF10];
	(xrf2) =	vadd.scan.msk.f32 $0xffff, v11;
	(v2sf) =	vpush v12, $0xF  }
0x56: {  	v35 =	vld [tilespmem:s22+$0xFFFFFF20]  }
0x57: {  	v38 =	vld [tilespmem:s22+$0xFFFFFF30]  }
0x58: {  	v43 =	vld [tilespmem:s22+$0xFFFFFF40]  }
0x59: {  	v44 =	vld [tilespmem:s22+$0xFFFFFF50]  }
0x5a: {  	v46 =	vld [tilespmem:s22+$0xFFFFFF60]  }
0x5b: {  	v47 =	vld [tilespmem:s22+$0xFFFFFF70]  }
0x5c: {  	v49 =	vld [tilespmem:s22+$0xFFFFFF80]  }
0x5d: {  	v51 =	vld [tilespmem:s22+$0xFFFFFF90]  }
0x5e: {  	v60 =	vld [tilespmem:s22+$0xFFFFFFB0]  }
0x5f: {  	v8 =	vld [tilespmem:s23+$0xFFFFFF70];
	v12, _, _ =	vpop (xrf2)  }
0x60: {  	v16 =	vmul.f32 $8.000000000e+00, v16;
	v10 =	vld [tilespmem:s23+$0xFFFFFF80];
	(v2sf) =	vpush v12, $0xF  }
0x61: {  	v17 =	vmul.f32 $8.000000000e+00, v17;
	v13 =	vld [tilespmem:s23+$0xFFFFFF90]  }
0x62: {  	v18 =	vmul.f32 $8.000000000e+00, v18;
	v20 =	vmul.f32 $8.000000000e+00, v20;
	v28 =	vadd.f32 v34, v16;
	v16 =	vld [tilespmem:s22+$0xFFFFFFA0]  }
0x63: {  	v21 =	vmul.f32 $8.000000000e+00, v21;
	v22 =	vmul.f32 $8.000000000e+00, v22;
	v62 =	vadd.f32 v35, v17;
	v35 =	vld [tilespmem:s22+$0xFFFFFFC0]  }
0x64: {  	v23 =	vmul.f32 $8.000000000e+00, v23;
	v27 =	vmul.f32 $8.000000000e+00, v27;
	v12 =	vld [tilespmem:s23+$0xFFFFFF00];
	s24 =	spop (v2sf)  }
0x65: {  	v53 =	vmul.f32 $8.000000000e+00, v29;
	v30 =	vmul.f32 $8.000000000e+00, v30;
	v15 =	vld [tilespmem:s23+$0xFFFFFFC0];
	s1 =	smul.f32 $1.562500000e-02, s24  }
0x66: {  	v54 =	vmul.f32 $8.000000000e+00, v40;
	v38 =	vadd.f32 v38, v18;
	v17 =	vadd.f32 v43, v20;
	v14 =	vld [tilespmem:s22+$0xFFFFFF00]  }
0x67: {  	v45 =	vadd.f32 v44, v21;
	v26 =	vadd.f32 v46, v22;
	v8 =	vmul.f32 $8.000000000e+00, v8;
	v11 =	vld [tilespmem:s23+$0x0];
	[dreg:$0x17] =	wrdreg s1  }
0x68: {  	v46 =	vadd.f32 v60, v27;
	v63 =	vadd.f32 v38, v62;
	v10 =	vmul.f32 $8.000000000e+00, v10;
	v61 =	vld [tilespmem:s22+$0xFFFFFFD0]  }
0x69: {  	v13 =	vmul.f32 $8.000000000e+00, v13;
	v9 =	vadd.f32 v47, v8;
	v12 =	vmul.f32 $8.000000000e+00, v12;
	v56 =	vld [tilespmem:s22+$0xFFFFFFE0]  }
0x6a: {  	v60 =	vmul.f32 $8.000000000e+00, v32;
	v8 =	vadd.f32 v45, v17;
	v49 =	vadd.f32 v49, v10;
	v52 =	vld [tilespmem:s22+$0xFFFFFFF0]  }
0x6b: {  	v24 =	vmul.f32 $8.000000000e+00, v58;
	v29 =	vadd.f32 v51, v13;
	v37 =	vadd.f32 v14, v12;
	v10 =	vld [tilespmem:s22+$0x0]  }
0x6c: {  	v25 =	vmul.f32 $8.000000000e+00, v59;
	v47 =	vadd.f32 v16, v23;
	v57 =	vadd.f32 v9, v26;
	v13 =	vld [tilespmem:s22+$0x10]  }
0x6d: {  	v15 =	vmul.f32 $8.000000000e+00, v15;
	v58 =	vadd.f32 v29, v49;
	v18 =	vadd.f32 v28, v37;
	v16 =	vld [tilespmem:s22+$0x20]  }
0x6e: {  	v23 =	vmul.f32 $8.000000000e+00, v31;
	v21 =	vadd.f32 v46, v47;
	v8 =	vadd.f32 v57, v8;
	v59 =	vld [tilespmem:s22+$0x30]  }
0x6f: {  	v35 =	vadd.f32 v35, v15;
	v11 =	vmul.f32 $8.000000000e+00, v11;
	v18 =	vadd.f32 v63, v18;
	s25 =	spop (v2sf);
	v22 =	vld [tilespmem:s22+$0x50]  }
0x70: {  	s2 =	smul.f32 $1.562500000e-02, s25;
	v15 =	vld [tilespmem:s22+$0x40];
	v32 =	vadd.f32 v61, v24;
	v61 =	vmul.f32 $8.000000000e+00, v33;
	v34 =	vadd.f32 v56, v25  }
0x71: {  	s26 =	smul.f32 s1, s1;
	v33 =	vadd.f32 v52, v53;
	v53 =	vmul.f32 $8.000000000e+00, v39;
	v39 =	vadd.f32 v10, v11  }
0x72: {  	v63 =	vmul.f32 $8.000000000e+00, v36;
	(xrf2) =	vadd.scan.msk.f32 $0xffff, v18;
	v57 =	vld [tilespmem:s22+$0x80];
	v43 =	vadd.f32 v13, v30;
	v13 =	vadd.f32 v21, v58  }
0x73: {  	(xrf2) =	vadd.scan.msk.f32 $0xffff, v8;
	s2 =	ssub.f32 s2, s26;
	v52 =	vld [tilespmem:s22+$0x60];
	v58 =	vmul.f32 $8.000000000e+00, v41;
	v40 =	vadd.f32 v16, v23;
	v36 =	vadd.f32 v59, v60  }
0x74: {  	v11 =	vld [tilespmem:s22+$0x70];
	v60 =	vmul.f32 $8.000000000e+00, v48;
	v48 =	vadd.f32 v22, v63;
	v51 =	vadd.f32 v32, v35  }
0x75: {  	s2 =	smul.f32 $1.015873070e+00, s2;
	v16 =	vld [tilespmem:s22+$0x90];
	v59 =	vmul.f32 $8.000000000e+00, v42;
	v10 =	vadd.f32 v33, v34;
	v44 =	vadd.f32 v15, v61  }
0x76: {  	v63 =	vld [tilespmem:s22+$0xB0];
	v21 =	vmul.f32 $8.000000000e+00, v50;
	v31 =	vadd.f32 v43, v39;
	v61 =	vadd.f32 v36, v40  }
0x77: {  	s2 =	smax.f32 s2, $1.000000000e-30;
	v50 =	vmul.f32 v28, v28;
	v15 =	vld [tilespmem:s22+$0xA0];
	v55 =	vadd.f32 v57, v58;
	v18 =	vadd.f32 v48, v44  }
0x78: {  	s28 =	sshrl.u32 s2, $0x1;
	s30 =	smul.f32 $5.000000000e-01, s2;
	(xrf2) =	vadd.scan.msk.f32 $0xffff, v13;
	v10 =	vadd.f32 v10, v51;
	v51 =	vmul.f32 v62, v62;
	v13 =	vadd.f32 v61, v31  }
0x79: {  	s3 =	ssub.s32 $0x5F3759DF, s28;
	v61 =	vmul.f32 v29, v29;
	v53 =	vadd.f32 v52, v53;
	v52 =	vadd.f32 v11, v54  }
0x7a: {  	s5 =	smul.f32 s3, s30;
	v11 =	vmul.f32 v37, v37;
	v57 =	vadd.f32 v16, v59;
	v16 =	vmul.f32 v38, v38  }
0x7b: {  	v56 =	vadd.f32 v63, v21;
	v59 =	vmul.f32 v9, v9;
	v8 =	vadd.f32 v52, v53  }
0x7c: {  	s5 =	smul.f32 s3, s5;
	v63 =	vmul.f32 v46, v46;
	(xrf2) =	vadd.scan.msk.f32 $0xffff, v10;
	v31, _, _ =	vpop (xrf2);
	v54 =	vadd.f32 v15, v60;
	v10 =	vadd.f32 v50, v11  }
0x7d: {  	v11 =	vmul.f32 v17, v17;
	v15 =	vadd.f32 v57, v55;
	v41, _, _ =	vpop (xrf2);
	(v2sf) =	vpush v31, $0xF  }
0x7e: {  	s1 =	ssub.f32 $1.500000000e+00, s5;
	(xrf2) =	vadd.scan.msk.f32 $0xffff, v13;
	v13 =	vmul.f32 v45, v45;
	v16 =	vadd.f32 v16, v51;
	(v2sf) =	vpush v41, $0xF  }
0x7f: {  	v22 =	vadd.f32 v56, v54;
	v8 =	vadd.f32 v8, v18;
	v18 =	vmul.f32 v26, v26  }
0x80: {  	v60 =	vmul.f32 v49, v49;
	s0 =	smul.f32 s3, s1;
	v10 =	vadd.f32 v16, v10;
	v11 =	vadd.f32 v13, v11  }
0x81: {  	v15 =	vadd.f32 v22, v15;
	(xrf2) =	vadd.scan.msk.f32 $0xffff, v8;
	v8 =	vmul.f32 v47, v47;
	v16 =	vadd.f32 v59, v18  }
0x82: {  	v30 =	vadd.f32 v61, v60;
	s3 =	smul.f32 s0, s30  }
0x83: {  	(xrf2) =	vadd.scan.msk.f32 $0xffff, v15;
	v15 =	vmul.f32 v32, v32;
	v11 =	vadd.f32 v16, v11;
	v8 =	vadd.f32 v63, v8  }
0x84: {  	v50 =	vmul.f32 v43, v43;
	v13 =	vmul.f32 v35, v35;
	s3 =	smul.f32 s3, s0;
	(xrf2) =	vadd.scan.msk.f32 $0xffff, v10  }
0x85: {  	v18 =	vmul.f32 v34, v34;
	v42, _, _ =	vpop (xrf2);
	v10 =	vmul.f32 v33, v33;
	(xrf2) =	vadd.scan.msk.f32 $0xffff, v11;
	v8 =	vadd.f32 v8, v30  }
0x86: {  	v51 =	vmul.f32 v36, v36;
	(v2sf) =	vpush v42, $0xF;
	s3 =	ssub.f32 $1.500000000e+00, s3;
	v11 =	vmul.f32 v40, v40  }
0x87: {  	v16 =	vmul.f32 v39, v39;
	v13 =	vadd.f32 v15, v13;
	v10 =	vadd.f32 v10, v18;
	v15, _, _ =	vpop (xrf2);
	(xrf2) =	vadd.scan.msk.f32 $0xffff, v8  }
0x88: {  	s0 =	smul.f32 s3, s0;
	v8 =	vadd.f32 v51, v11;
	(v2sf) =	vpush v15, $0xF;
	v15, _, _ =	vpop (xrf2)  }
0x89: {  	(v2sf) =	vpush v15, $0xF;
	v15 =	vadd.f32 v50, v16  }
0x8a: {  	v10 =	vadd.f32 v10, v13;
	s0 =	smul.f32 s0, s2  }
0x8b: {  	v8 =	vadd.f32 v8, v15  }
0x8c: {  	(xrf2) =	vadd.scan.msk.f32 $0xffff, v10;
	s0 =	sadd.f32 $9.999999970e-07, s0;
	v11, _, _ =	vpop (xrf2)  }
0x8d: {  	(v2sf) =	vpush v11, $0xF;
	v11, _, _ =	vpop (xrf2)  }
0x8e: {  	s4 =	ssub.s32 $0x7EF311C3, s0;
	(v2sf) =	vpush v11, $0xF;
	v10, _, _ =	vpop (xrf2)  }
0x8f: {  	s6 =	spop (v2sf);
	(xrf2) =	vadd.scan.msk.f32 $0xffff, v8;
	s5 =	smul.f32 s4, s0;
	(v2sf) =	vpush v10, $0xF;
	v8, _, _ =	vpop (xrf2)  }
0x90: {  	s22 =	smul.f32 $1.562500000e-02, s6;
	s7 =	spop (v2sf);
	(v2sf) =	vpush v8, $0xF  }
0x91: {  	s21 =	smul.f32 $1.562500000e-02, s7;
	s3 =	ssub.f32 $2.000000000e+00, s5;
	v11, _, _ =	vpop (xrf2)  }
0x92: {  	v13 =	vmul.f32 v53, v53;
	v15 =	vmul.f32 v52, v52;
	s11 =	smul.f32 s22, s22;
	(v2sf) =	vpush v11, $0xF  }
0x93: {  	v10 =	vmul.f32 v48, v48;
	v8 =	vmul.f32 v44, v44;
	s2 =	smul.f32 s4, s3  }
0x94: {  	s12 =	smul.f32 s21, s21  }
0x95: {  	s8 =	spop (v2sf);
	v8 =	vadd.f32 v10, v8;
	v10 =	vadd.f32 v15, v13;
	s0 =	smul.f32 s2, s0  }
0x96: {  	s19 =	smul.f32 $1.562500000e-02, s8;
	v13, _, _ =	vpop (xrf2)  }
0x97: {  	s0 =	ssub.f32 $2.000000000e+00, s0;
	s9 =	spop (v2sf);
	(v2sf) =	vpush v13, $0xF  }
0x98: {  	s15 =	smul.f32 s19, s19  }
0x99: {  	v8 =	vadd.f32 v10, v8;
	v10, _, _ =	vpop (xrf2);
	s0 =	smul.f32 s0, s2  }
0x9a: {  	s16 =	smul.f32 $1.562500000e-02, s9;
	s10 =	spop (v2sf);
	(v2sf) =	vpush v10, $0xF  }
0x9b: {  	v18 =	vmul.f32 v56, v56;
	v16 =	vmul.f32 v57, v57;
	s14 =	smul.f32 $1.562500000e-02, s10  }
0x9c: {  	v11 =	vmul.f32 v55, v55;
	v15 =	vmul.f32 v54, v54;
	(xrf2) =	vadd.scan.msk.f32 $0xffff, v8;
	s6 =	smul.f32 s16, s16;
	s13 =	spop (v2sf)  }
0x9d: {  	s9 =	smul.f32 $1.562500000e-02, s13;
	s17 =	spop (v2sf)  }
0x9e: {  	v11 =	vadd.f32 v16, v11;
	v13 =	vadd.f32 v18, v15;
	s7 =	spop (v2sf);
	s1 =	smul.f32 $1.562500000e-02, s17  }
0x9f: {  	s7 =	smul.f32 $1.562500000e-02, s7;
	s18 =	spop (v2sf)  }
0xa0: {  	v8 =	vadd.f32 v13, v11;
	s5 =	smul.f32 $1.562500000e-02, s18  }
0xa1: {  	s2 =	ssub.f32 s7, s11;
	s20 =	spop (v2sf)  }
0xa2: {  	(xrf2) =	vadd.scan.msk.f32 $0xffff, v8;
	s3 =	ssub.f32 s5, s12;
	s5 =	smul.f32 $1.562500000e-02, s20  }
0xa3: {  	[dreg:$0x1e] =	wrdreg s9;
	s9 =	smul.f32 s9, s9  }
0xa4: {  	s2 =	smul.f32 $1.015873070e+00, s2;
	s4 =	ssub.f32 s5, s15  }
0xa5: {  	s3 =	smul.f32 $1.015873070e+00, s3  }
0xa6: {  	v8, _, _ =	vpop (xrf2);
	s23 =	spop (v2sf);
	s4 =	smul.f32 $1.015873070e+00, s4  }
0xa7: {  	(v2sf) =	vpush v8, $0xF;
	s13 =	smax.f32 s3, $1.000000000e-30;
	s3 =	smul.f32 s14, s14  }
0xa8: {  	[dreg:$0x14] =	wrdreg s0;
	s5 =	smul.f32 $1.562500000e-02, s23  }
0xa9: {  	s24 =	spop (v2sf);
	s23 =	smul.f32 $5.000000000e-01, s13  }
0xaa: {  	s12 =	smax.f32 s2, $1.000000000e-30;
	s7 =	smul.f32 $1.562500000e-02, s24  }
0xab: {  	s26 =	sshrl.u32 s13, $0x1;
	s24 =	smul.f32 $5.000000000e-01, s12;
	s25 =	smax.f32 s4, $1.000000000e-30  }
0xac: {  	v8, _, _ =	vpop (xrf2);
	s2 =	sshrl.u32 s12, $0x1;
	s4 =	ssub.s32 $0x5F3759DF, s26;
	s20 =	smul.f32 $5.000000000e-01, s25  }
0xad: {  	(v2sf) =	vpush v8, $0xF;
	s2 =	ssub.s32 $0x5F3759DF, s2;
	s11 =	sshrl.u32 s25, $0x1;
	s15 =	smul.f32 s4, s23  }
0xae: {  	[dreg:$0x1f] =	wrdreg s14;
	s10 =	smul.f32 s2, s24;
	s11 =	ssub.s32 $0x5F3759DF, s11  }
0xaf: {  	s5 =	ssub.f32 s5, s6;
	s17 =	smul.f32 s11, s20  }
0xb0: {  	[dreg:$0x1d] =	wrdreg s1;
	s15 =	smul.f32 s4, s15  }
0xb1: {  	[dreg:$0x18] =	wrdreg s25;
	s5 =	smul.f32 $1.015873070e+00, s5  }
0xb2: {  	s8 =	simm.s32 $0x6700;
	s7 =	ssub.f32 s7, s3;
	s10 =	smul.f32 s2, s10  }
0xb3: {  	v10 =	vld [tilespmem:s8+$0xC0];
	s17 =	smul.f32 s11, s17;
	s30 =	ssub.f32 $1.500000000e+00, s15  }
0xb4: {  	s29 =	simm.s32 $0x9980;
	v11 =	vld [tilespmem:s8+$0xD0];
	s7 =	smul.f32 $1.015873070e+00, s7;
	s10 =	ssub.f32 $1.500000000e+00, s10  }
0xb5: {  	v8 =	vld [tilespmem:s29+$0xC0];
	s0 =	ssub.f32 $1.500000000e+00, s17;
	s17 =	smul.f32 s4, s30  }
0xb6: {  	v13 =	vld [tilespmem:s29+$0xD0];
	s18 =	smul.f32 s2, s10;
	s28 =	spop (v2sf)  }
0xb7: {  	v15 =	vld [tilespmem:s29+$0xE0];
	s26 =	smul.f32 $1.562500000e-02, s28  }
0xb8: {  	v16 =	vld [tilespmem:s29+$0xF0];
	s15 =	smul.f32 s11, s0  }
0xb9: {  	v58 =	vld [tilespmem:s8+$0xE0];
	s11 =	smul.f32 s1, s1  }
0xba: {  	v59 =	vld [tilespmem:s8+$0xF0];
	s6 =	ssub.f32 s26, s9;
	s9 =	smax.f32 s7, $1.000000000e-30  }
0xbb: {  	v18 =	vld [tilespmem:s29+$0xFFFFFF10];
	v61 =	vmul.f32 $8.000000000e+00, v8;
	s10 =	smax.f32 s5, $1.000000000e-30;
	s7 =	smul.f32 $5.000000000e-01, s9  }
0xbc: {  	v27 =	vld [tilespmem:s29+$0xFFFFFF20];
	v13 =	vmul.f32 $8.000000000e+00, v13;
	s28 =	sshrl.u32 s9, $0x1;
	s2 =	spop (v2sf);
	s6 =	smul.f32 $1.015873070e+00, s6  }
0xbd: {  	v30 =	vld [tilespmem:s29+$0xFFFFFF30];
	v15 =	vmul.f32 $8.000000000e+00, v15;
	v14 =	vadd.f32 v10, v61;
	s28 =	ssub.s32 $0x5F3759DF, s28;
	s4 =	smul.f32 $1.562500000e-02, s2  }
0xbe: {  	v31 =	vld [tilespmem:s29+$0xFFFFFF40];
	v16 =	vmul.f32 $8.000000000e+00, v16;
	s5 =	sshrl.u32 s10, $0x1;
	v3 =	vadd.f32 v11, v13;
	s1 =	smul.f32 s28, s7  }
0xbf: {  	v12 =	vld [tilespmem:s29+$0xFFFFFF50];
	v8 =	vadd.f32 v58, v15;
	s30 =	ssub.s32 $0x5F3759DF, s5;
	[tilespmem:$0x1FCB0] =	vst v14;
	s5 =	smax.f32 s6, $1.000000000e-30;
	s4 =	ssub.f32 s4, s11  }
0xc0: {  	v11 =	vadd.f32 v59, v16;
	[tilespmem:$0x1FCD0] =	vst v3;
	s6 =	smul.f32 $5.000000000e-01, s5  }
0xc1: {  	v60 =	vld [tilespmem:s29+$0xFFFFFF60];
	[tilespmem:$0x1FCE0] =	vst v8;
	s2 =	sshrl.u32 s5, $0x1;
	s14 =	smul.f32 $1.015873070e+00, s4  }
0xc2: {  	[tilespmem:$0x1FCC0] =	vst v11;
	s4 =	smul.f32 s28, s1;
	s1 =	ssub.s32 $0x5F3759DF, s2  }
0xc3: {  	v15 =	vld [tilespmem:s29+$0xFFFFFF70];
	s11 =	smax.f32 s14, $1.000000000e-30;
	s14 =	smul.f32 s1, s6  }
0xc4: {  	v10 =	vmul.f32 v14, v14;
	v63 =	vmul.f32 v3, v3;
	v16 =	vld [tilespmem:s29+$0xFFFFFF80]  }
0xc5: {  	v20 =	vmul.f32 v8, v8;
	v21 =	vmul.f32 v11, v11;
	v22 =	vadd.f32 v3, v14;
	v13 =	vld [tilespmem:s29+$0xFFFFFF90];
	s2 =	smul.f32 s1, s14;
	s14 =	rddreg [dreg:$0x17]  }
0xc6: {  	v58 =	vadd.f32 v11, v8;
	v11 =	vld [tilespmem:s29+$0xFFFFFFA0];
	v10 =	vadd.f32 v63, v10;
	v25 =	vmov s14  }
0xc7: {  	v23 =	vadd.f32 v21, v20;
	v59 =	vld [tilespmem:s29+$0xFFFFFFB0];
	v3 =	vsub.f32 v19, v25  }
0xc8: {  	v24 =	vadd.f32 v58, v22;
	v58 =	vld [tilespmem:s29+$0xFFFFFFC0];
	v19 =	vmov s22;
	v1 =	vsub.f32 v1, v25  }
0xc9: {  	s31 =	smul.f32 $5.000000000e-01, s10;
	v21 =	vld [tilespmem:s29+$0xFFFFFFD0];
	v61 =	vadd.f32 v23, v10;
	v23 =	vsub.f32 v37, v19;
	[tilespmem:$0x1FDB0] =	vst v3  }
0xca: {  	(xrf2) =	vadd.scan.msk.f32 $0xffff, v24;
	v42 =	vsub.f32 v2, v25;
	v24 =	vsub.f32 v28, v19;
	v63 =	vld [tilespmem:s29+$0xFFFFFFE0];
	[tilespmem:$0x1FDC0] =	vst v1  }
0xcb: {  	s0 =	smul.f32 s30, s31;
	v14 =	vmov s21;
	v50 =	vsub.f32 v0, v25;
	v25 =	vsub.f32 v38, v19;
	v20 =	vld [tilespmem:s29+$0xFFFFFFF0];
	[tilespmem:$0x1FE10] =	vst v23  }
0xcc: {  	(xrf2) =	vadd.scan.msk.f32 $0xffff, v61;
	v28 =	vsub.f32 v17, v14;
	v61 =	vld [tilespmem:s29+$0x0];
	[tilespmem:$0x1FE20] =	vst v24  }
0xcd: {  	s25 =	smul.f32 s30, s0;
	v51 =	vsub.f32 v62, v19;
	v37 =	vsub.f32 v45, v14;
	v62 =	vld [tilespmem:s29+$0x10];
	[tilespmem:$0x1FE30] =	vst v25  }
0xce: {  	v38 =	vsub.f32 v26, v14;
	[tilespmem:$0x1FE40] =	vst v28  }
0xcf: {  	s20 =	smul.f32 s15, s20;
	v41 =	vsub.f32 v9, v14;
	s25 =	ssub.f32 $1.500000000e+00, s25;
	v17 =	vmov s19;
	v28 =	vld [tilespmem:s29+$0x20];
	[tilespmem:$0x1FE50] =	vst v37  }
0xd0: {  	s3 =	sshrl.u32 s11, $0x1;
	s26 =	smul.f32 $5.000000000e-01, s11;
	v45 =	vsub.f32 v49, v17;
	[tilespmem:$0x1FE80] =	vst v38  }
0xd1: {  	s25 =	smul.f32 s30, s25;
	s0 =	ssub.s32 $0x5F3759DF, s3;
	v22 =	vsub.f32 v29, v17;
	v26 =	vld [tilespmem:s29+$0x30];
	[tilespmem:$0x1FE90] =	vst v41  }
0xd2: {  	s4 =	ssub.f32 $1.500000000e+00, s4;
	s3 =	smul.f32 s0, s26;
	v23 =	vsub.f32 v47, v17;
	[tilespmem:$0x1FEA0] =	vst v45  }
0xd3: {  	s14 =	smul.f32 s18, s24;
	v49 =	vmov s16;
	v24 =	vsub.f32 v46, v17;
	v25 =	vld [tilespmem:s29+$0x40];
	[tilespmem:$0x1FEB0] =	vst v22  }
0xd4: {  	s22 =	smul.f32 s28, s4;
	v29 =	vsub.f32 v35, v49;
	[tilespmem:$0x1FEC0] =	vst v23  }
0xd5: {  	s24 =	rddreg [dreg:$0x1f];
	s3 =	smul.f32 s0, s3;
	v35 =	vsub.f32 v32, v49;
	v38 =	vld [tilespmem:s29+$0x50];
	[tilespmem:$0x1FED0] =	vst v24  }
0xd6: {  	s2 =	ssub.f32 $1.500000000e+00, s2;
	s19 =	smul.f32 s17, s23;
	v41 =	vsub.f32 v34, v49;
	[tilespmem:$0x1FEE0] =	vst v29  }
0xd7: {  	s23 =	smul.f32 s25, s31;
	v46 =	vsub.f32 v33, v49;
	v29 =	vmov s24;
	v37 =	vld [tilespmem:s29+$0x60];
	[tilespmem:$0x1FEF0] =	vst v35  }
0xd8: {  	s30 =	smul.f32 s1, s2;
	[tilespmem:$0x1FF10] =	vst v41;
	v47 =	vsub.f32 v39, v29  }
0xd9: {  	s4 =	smul.f32 s22, s7;
	v22 =	vsub.f32 v43, v29;
	v41 =	vld [tilespmem:s29+$0x70];
	[tilespmem:$0x1FF30] =	vst v46  }
0xda: {  	s16 =	rddreg [dreg:$0x1e];
	s2 =	smul.f32 s20, s15;
	[tilespmem:$0x1FF40] =	vst v47  }
0xdb: {  	s1 =	smul.f32 s19, s17;
	v24 =	vmov s16;
	v33 =	vld [tilespmem:s29+$0xFFFFFF00];
	[tilespmem:$0x1FF50] =	vst v22  }
0xdc: {  	s3 =	ssub.f32 $1.500000000e+00, s3;
	s6 =	smul.f32 s30, s6;
	v49, _, _ =	vpop (xrf2);
	v22 =	vsub.f32 v53, v24;
	v9 =	vld [tilespmem:s8+$0xFFFFFF00]  }
0xdd: {  	s19 =	rddreg [dreg:$0x1d];
	s4 =	smul.f32 s4, s22;
	(v2sf) =	vpush v49, $0xF;
	v23, _, _ =	vpop (xrf2);
	v32 =	vld [tilespmem:s8+$0xFFFFFF10]  }
0xde: {  	s21 =	smul.f32 s0, s3;
	(v2sf) =	vpush v23, $0xF;
	v46 =	vsub.f32 v36, v29;
	v36 =	vmov s19;
	v8 =	vld [tilespmem:s8+$0xFFFFFF20];
	[tilespmem:$0x1FF90] =	vst v22  }
0xdf: {  	s0 =	smul.f32 s14, s18;
	v45 =	vsub.f32 v40, v29;
	v56 =	vsub.f32 v56, v36;
	v23 =	vld [tilespmem:s8+$0xFFFFFF30]  }
0xe0: {  	v18 =	vmul.f32 $8.000000000e+00, v18;
	s2 =	ssub.f32 $1.500000000e+00, s2;
	s3 =	smul.f32 s23, s25;
	v49 =	vsub.f32 v48, v24;
	v40 =	vsub.f32 v55, v36;
	v55 =	vld [tilespmem:s8+$0xFFFFFF40]  }
0xe1: {  	s6 =	smul.f32 s6, s30;
	v43 =	vsub.f32 v52, v24;
	v47 =	vsub.f32 v44, v24;
	v24 =	vld [tilespmem:s8+$0xFFFFFF50];
	[tilespmem:$0x1FFA0] =	vst v56;
	v33 =	vmul.f32 $8.000000000e+00, v33  }
0xe2: {  	v2 =	vmul.f32 $8.000000000e+00, v27;
	s1 =	ssub.f32 $1.500000000e+00, s1;
	s2 =	smul.f32 s2, s15;
	v44 =	vsub.f32 v57, v36;
	v48 =	vsub.f32 v54, v36;
	v22 =	vld [tilespmem:s8+$0xFFFFFF70]  }
0xe3: {  	s4 =	ssub.f32 $1.500000000e+00, s4;
	s28 =	smul.f32 s21, s26;
	v0 =	vld [tilespmem:s8+$0xFFFFFFA0];
	v36 =	vadd.f32 v32, v18;
	v34 =	vadd.f32 v9, v33;
	v9 =	vmul.f32 $8.000000000e+00, v30  }
0xe4: {  	v12 =	vmul.f32 $8.000000000e+00, v12;
	s1 =	smul.f32 s1, s17;
	v18 =	vld [tilespmem:s8+$0xFFFFFF60];
	v30 =	vadd.f32 v8, v2;
	v8 =	vmul.f32 $8.000000000e+00, v31  }
0xe5: {  	s0 =	ssub.f32 $1.500000000e+00, s0;
	s4 =	smul.f32 s4, s22;
	v27 =	vmul.f32 v36, v36;
	v52 =	vadd.f32 v23, v9;
	v9 =	vmul.f32 v34, v34;
	v23 =	vld [tilespmem:s8+$0xFFFFFF80]  }
0xe6: {  	v11 =	vmul.f32 $8.000000000e+00, v11;
	v1 =	vmul.f32 $8.000000000e+00, v59;
	s3 =	ssub.f32 $1.500000000e+00, s3;
	s7 =	smul.f32 s28, s21;
	v31 =	vadd.f32 v55, v8;
	v8 =	vld [tilespmem:s8+$0xFFFFFF90]  }
0xe7: {  	s0 =	smul.f32 s0, s18;
	v32 =	vadd.f32 v24, v12;
	v39 =	vadd.f32 v27, v9;
	v9 =	vmul.f32 $8.000000000e+00, v60  }
0xe8: {  	s6 =	ssub.f32 $1.500000000e+00, s6;
	s3 =	smul.f32 s3, s25;
	v12 =	vmul.f32 $8.000000000e+00, v15;
	v15 =	vmul.f32 $8.000000000e+00, v16;
	v16 =	vadd.f32 v36, v34  }
0xe9: {  	s20 =	smul.f32 s1, s13;
	v14 =	vld [tilespmem:s8+$0xFFFFFFE0];
	v59 =	vadd.f32 v0, v11;
	v56 =	vadd.f32 v18, v9;
	v9 =	vmul.f32 $8.000000000e+00, v13  }
0xea: {  	s6 =	smul.f32 s6, s30;
	v55 =	vadd.f32 v22, v12;
	v33 =	vadd.f32 v52, v30;
	v13 =	vld [tilespmem:s8+$0xFFFFFFC0];
	v18 =	vmul.f32 v30, v30  }
0xeb: {  	s9 =	smul.f32 s4, s9;
	v53 =	vadd.f32 v23, v15;
	v15 =	vld [tilespmem:s8+$0xFFFFFFD0];
	v54 =	vadd.f32 v8, v9;
	v9 =	vmul.f32 v52, v52  }
0xec: {  	s24 =	rddreg [dreg:$0x18];
	s0 =	smul.f32 s0, s12;
	v11 =	vld [tilespmem:s8+$0xFFFFFFF0];
	v10 =	vadd.f32 v32, v31;
	v8 =	vadd.f32 v55, v56  }
0xed: {  	s7 =	ssub.f32 $1.500000000e+00, s7;
	s2 =	smul.f32 s2, s24;
	v12 =	vld [tilespmem:s8+$0xFFFFFFB0];
	v19 =	vadd.f32 v33, v16;
	v33 =	vadd.f32 v9, v18;
	v9 =	vmul.f32 $8.000000000e+00, v58  }
0xee: {  	s3 =	smul.f32 s3, s10;
	v35 =	vld [tilespmem:s29+$0x80];
	v17 =	vadd.f32 v8, v10;
	v10 =	vmul.f32 $8.000000000e+00, v21  }
0xef: {  	v63 =	vmul.f32 $8.000000000e+00, v63;
	s7 =	smul.f32 s7, s21;
	v2 =	vld [tilespmem:s8+$0x0];
	v8 =	vmul.f32 v56, v56;
	v57 =	vadd.f32 v13, v9  }
0xf0: {  	s28 =	smul.f32 s6, s5;
	s0 =	sadd.f32 $9.999999970e-07, s0;
	v0 =	vld [tilespmem:s8+$0x10];
	v9 =	vmul.f32 v31, v31;
	v58 =	vadd.f32 v15, v10;
	v15 =	vmul.f32 $8.000000000e+00, v20  }
0xf1: {  	s7 =	smul.f32 s7, s11;
	v63 =	vadd.f32 v14, v63;
	v14 =	vld [tilespmem:s8+$0x30];
	s21 =	spop (v2sf);
	v13 =	vmul.f32 v32, v32;
	v10 =	vmul.f32 v55, v55  }
0xf2: {  	v61 =	vmul.f32 $8.000000000e+00, v61;
	s1 =	smul.f32 $1.562500000e-02, s21;
	s22 =	spop (v2sf);
	v60 =	vadd.f32 v12, v1;
	v23 =	vadd.f32 v11, v15;
	v11 =	vld [tilespmem:s8+$0x20]  }
0xf3: {  	s4 =	sadd.f32 $9.999999970e-07, s20;
	v27 =	vld [tilespmem:s29+$0x90];
	s13 =	smul.f32 $1.562500000e-02, s22;
	v29 =	vadd.f32 v13, v9;
	v24 =	vadd.f32 v10, v8;
	v10 =	vmul.f32 $8.000000000e+00, v62  }
0xf4: {  	s5 =	sadd.f32 $9.999999970e-07, s2;
	v25 =	vmul.f32 $8.000000000e+00, v25;
	s30 =	ssub.s32 $0x7EF311C3, s0;
	s23 =	smul.f32 s1, s1;
	v1 =	vld [tilespmem:s8+$0x50];
	v15 =	vadd.f32 v54, v53;
	v8 =	vadd.f32 v60, v59  }
0xf5: {  	s2 =	ssub.s32 $0x7EF311C3, s4;
	s3 =	sadd.f32 $9.999999970e-07, s3;
	s17 =	smul.f32 s30, s0;
	v18 =	vld [tilespmem:s29+$0xA0];
	v62 =	vadd.f32 v2, v61;
	v61 =	vadd.f32 v0, v10;
	v10 =	vmul.f32 $8.000000000e+00, v28  }
0xf6: {  	s18 =	ssub.s32 $0x7EF311C3, s5;
	s22 =	smul.f32 s2, s4;
	s25 =	ssub.f32 s13, s23;
	v13 =	vld [tilespmem:s8+$0x40];
	v9 =	vmul.f32 $8.000000000e+00, v38;
	v21 =	vadd.f32 v8, v15;
	v8 =	vmul.f32 $8.000000000e+00, v26  }
0xf7: {  	s23 =	smul.f32 s18, s5;
	v2 =	vld [tilespmem:s8+$0x60];
	v22 =	vadd.f32 v11, v10;
	v10 =	vmul.f32 v53, v53;
	v11 =	vmul.f32 v54, v54  }
0xf8: {  	s19 =	ssub.s32 $0x7EF311C3, s3;
	v12 =	vld [tilespmem:s8+$0x70];
	s26 =	smul.f32 $1.015873070e+00, s25;
	v20 =	vadd.f32 v14, v8;
	v14 =	vmul.f32 $8.000000000e+00, v37;
	v8 =	vmul.f32 v60, v60  }
0xf9: {  	(xrf2) =	vadd.scan.msk.f32 $0xffff, v19;
	s25 =	smul.f32 s19, s3;
	v37 =	vadd.f32 v1, v9;
	v9 =	vld [tilespmem:s8+$0xA0];
	v15 =	vadd.f32 v11, v10;
	v10 =	vmul.f32 v59, v59  }
0xfa: {  	s11 =	smax.f32 s26, $1.000000000e-30;
	s26 =	ssub.f32 $2.000000000e+00, s17;
	v38 =	vld [tilespmem:s8+$0x80]  }
0xfb: {  	s16 =	sshrl.u32 s11, $0x1;
	s12 =	smul.f32 $5.000000000e-01, s11;
	v19 =	vadd.f32 v13, v25;
	v11 =	vld [tilespmem:s8+$0x90];
	v13 =	vadd.f32 v8, v10;
	v8 =	vmul.f32 $8.000000000e+00, v41  }
0xfc: {  	(xrf2) =	vadd.scan.msk.f32 $0xffff, v17;
	s20 =	ssub.s32 $0x5F3759DF, s16;
	s13 =	smul.f32 s30, s26;
	s30 =	ssub.f32 $2.000000000e+00, s22;
	v18 =	vmul.f32 $8.000000000e+00, v18;
	v17 =	vadd.f32 v23, v63;
	v14 =	vadd.f32 v2, v14  }
0xfd: {  	v16 =	vld [tilespmem:s29+$0xB0];
	s16 =	ssub.f32 $2.000000000e+00, s23;
	s21 =	smul.f32 s20, s12;
	v10 =	vadd.f32 v58, v57;
	v8 =	vadd.f32 v12, v8;
	v12 =	vmul.f32 $8.000000000e+00, v35  }
0xfe: {  	s14 =	smul.f32 s2, s30;
	v2 =	vmul.f32 $8.000000000e+00, v27;
	v9 =	vadd.f32 v9, v18;
	v18 =	vadd.f32 v37, v19  }
0xff: {  	s9 =	sadd.f32 $9.999999970e-07, s9;
	s16 =	smul.f32 s18, s16;
	v41 =	vld [tilespmem:s8+$0xB0];
	v17 =	vadd.f32 v17, v10;
	v10 =	vadd.f32 v38, v12  }
0x100: {  	s0 =	smul.f32 s13, s0;
	(xrf2) =	vadd.scan.msk.f32 $0xffff, v21;
	v12 =	vadd.f32 v11, v2;
	v11 =	vadd.f32 v61, v62  }
0x101: {  	s10 =	sadd.f32 $9.999999970e-07, s28;
	s15 =	smul.f32 s20, s21;
	s21 =	ssub.s32 $0x7EF311C3, s9;
	(xrf2) =	vadd.scan.msk.f32 $0xffff, v17;
	v17 =	vadd.f32 v20, v22;
	v28 =	vadd.f32 v8, v14  }
0x102: {  	v16 =	vmul.f32 $8.000000000e+00, v16;
	s17 =	sadd.f32 $9.999999970e-07, s7;
	s28 =	smul.f32 s21, s9  }
0x103: {  	s4 =	smul.f32 s14, s4;
	v11 =	vadd.f32 v17, v11;
	v17 =	vadd.f32 v28, v18;
	v18, _, _ =	vpop (xrf2)  }
0x104: {  	s6 =	ssub.s32 $0x7EF311C3, s17;
	s5 =	smul.f32 s16, s5;
	s15 =	ssub.f32 $1.500000000e+00, s15;
	v16 =	vadd.f32 v41, v16;
	(v2sf) =	vpush v18, $0xF  }
0x105: {  	s26 =	ssub.f32 $2.000000000e+00, s28;
	s28 =	smul.f32 s6, s17  }
0x106: {  	s15 =	smul.f32 s20, s15;
	v35 =	vadd.f32 v12, v10;
	v38 =	vadd.f32 v16, v9  }
0x107: {  	v0 =	vmul.f32 v58, v58;
	v24 =	vadd.f32 v24, v29;
	s2 =	smul.f32 s21, s26;
	v13 =	vadd.f32 v13, v15;
	v2, _, _ =	vpop (xrf2)  }
0x108: {  	s24 =	ssub.s32 $0x7EF311C3, s10;
	v29 =	vmul.f32 v61, v61;
	s12 =	smul.f32 s15, s12;
	(xrf2) =	vadd.scan.msk.f32 $0xffff, v11;
	(v2sf) =	vpush v2, $0xF;
	v41 =	vadd.f32 v38, v35  }
0x109: {  	s25 =	ssub.f32 $2.000000000e+00, s25;
	s8 =	smul.f32 s24, s10;
	v15 =	vmul.f32 v22, v22;
	v18 =	vmul.f32 v57, v57;
	v11 =	vadd.f32 v33, v39;
	(xrf2) =	vadd.scan.msk.f32 $0xffff, v17  }
0x10a: {  	s20 =	smul.f32 s12, s15;
	v28 =	vmul.f32 v23, v23;
	v17 =	vmul.f32 v63, v63;
	(xrf2) =	vadd.scan.msk.f32 $0xffff, v41  }
0x10b: {  	s12 =	smul.f32 s19, s25;
	v33, _, _ =	vpop (xrf2);
	v18 =	vadd.f32 v0, v18;
	v35 =	vmul.f32 v20, v20;
	(xrf2) =	vadd.scan.msk.f32 $0xffff, v11;
	v11 =	vmul.f32 v62, v62  }
0x10c: {  	s9 =	smul.f32 s2, s9;
	s30 =	ssub.f32 $1.500000000e+00, s20;
	v39 =	vmul.f32 v37, v37;
	(v2sf) =	vpush v33, $0xF;
	v17 =	vadd.f32 v28, v17;
	(xrf2) =	vadd.scan.msk.f32 $0xffff, v24  }
0x10d: {  	s19 =	ssub.f32 $2.000000000e+00, s8;
	s3 =	smul.f32 s12, s3;
	v2 =	vmul.f32 v16, v16;
	v15 =	vadd.f32 v35, v15;
	v11 =	vadd.f32 v29, v11  }
0x10e: {  	s22 =	smul.f32 s30, s15;
	v0 =	vmul.f32 v9, v9;
	v41 =	vmul.f32 v8, v8;
	v17 =	vadd.f32 v17, v18  }
0x10f: {  	s0 =	ssub.f32 $2.000000000e+00, s0;
	s15 =	smul.f32 s24, s19;
	v18 =	vmul.f32 v14, v14;
	v38, _, _ =	vpop (xrf2);
	(xrf2) =	vadd.scan.msk.f32 $0xffff, v13;
	v13 =	vmul.f32 v19, v19;
	v11 =	vadd.f32 v15, v11  }
0x110: {  	s9 =	ssub.f32 $2.000000000e+00, s9;
	s24 =	smul.f32 s22, s11;
	v29 =	vld [tilespmem:$0x1FCB0];
	(v2sf) =	vpush v38, $0xF;
	(xrf2) =	vadd.scan.msk.f32 $0xffff, v17;
	v17 =	vmul.f32 v12, v12;
	v15 =	vmul.f32 v10, v10  }
0x111: {  	s23 =	ssub.f32 $2.000000000e+00, s28;
	s20 =	smul.f32 s0, s13;
	v33 =	vld [tilespmem:$0x1FCC0];
	v18 =	vadd.f32 v41, v18;
	v13 =	vadd.f32 v39, v13  }
0x112: {  	s9 =	smul.f32 s9, s2;
	s25 =	sadd.f32 $9.999999970e-07, s24;
	v28, _, _ =	vpop (xrf2);
	v15 =	vadd.f32 v17, v15;
	v17 =	vadd.f32 v2, v0  }
0x113: {  	s11 =	smul.f32 s6, s23;
	v35 =	vld [tilespmem:$0x1FCD0];
	(xrf2) =	vadd.scan.msk.f32 $0xffff, v11;
	v18 =	vadd.f32 v18, v13;
	(v2sf) =	vpush v28, $0xF;
	v11, _, _ =	vpop (xrf2);
	s30 =	spop (v2sf)  }
0x114: {  	s7 =	ssub.s32 $0x7EF311C3, s25;
	v39 =	vld [tilespmem:$0x1FCE0];
	v17 =	vadd.f32 v17, v15;
	v15 =	vmov s1;
	(v2sf) =	vpush v11, $0xF;
	v11, _, _ =	vpop (xrf2);
	s19 =	smul.f32 $1.562500000e-02, s30  }
0x115: {  	s26 =	smul.f32 s7, s25;
	v13 =	vsub.f32 v29, v15;
	(v2sf) =	vpush v11, $0xF;
	v11, _, _ =	vpop (xrf2)  }
0x116: {  	s28 =	smul.f32 s15, s10;
	(xrf2) =	vadd.scan.msk.f32 $0xffff, v18;
	v21 =	vsub.f32 v33, v15;
	(v2sf) =	vpush v11, $0xF;
	v11, _, _ =	vpop (xrf2);
	v41 =	vmov s19  }
0x117: {  	s8 =	ssub.f32 $2.000000000e+00, s26;
	s21 =	spop (v2sf);
	(v2sf) =	vpush v11, $0xF;
	v28 =	vsub.f32 v34, v41  }
0x118: {  	s28 =	ssub.f32 $2.000000000e+00, s28;
	v11 =	vsub.f32 v35, v15;
	s0 =	smul.f32 $1.562500000e-02, s21;
	v29 =	vsub.f32 v36, v41  }
0x119: {  	v3 =	vld [tilespmem:$0x1FFE0];
	s8 =	smul.f32 s7, s8;
	v38, _, _ =	vpop (xrf2);
	v15 =	vsub.f32 v39, v15;
	v33 =	vsub.f32 v30, v41;
	[tilespmem:$0x1FCF0] =	vst v28  }
0x11a: {  	v1 =	vld [tilespmem:$0x1FFC0];
	s5 =	ssub.f32 $2.000000000e+00, s5;
	s15 =	smul.f32 s28, s15;
	(v2sf) =	vpush v38, $0xF;
	v34 =	vsub.f32 v52, v41;
	v18 =	vmov s0;
	[tilespmem:$0x1FD00] =	vst v29  }
0x11b: {  	v2 =	vld [tilespmem:$0x1FFD0];
	s7 =	smul.f32 s8, s25;
	s23 =	spop (v2sf);
	v36 =	vsub.f32 v31, v18;
	v38 =	vsub.f32 v32, v18;
	[tilespmem:$0x1FD10] =	vst v33  }
0x11c: {  	v45 =	vmul.f32 s9, v45;
	s10 =	ssub.f32 $2.000000000e+00, s4;
	v0 =	vld [tilespmem:$0x1FFB0];
	v35, _, _ =	vpop (xrf2);
	s24 =	smul.f32 $1.562500000e-02, s23;
	v39 =	vsub.f32 v56, v18;
	v18 =	vsub.f32 v55, v18;
	[tilespmem:$0x1FD20] =	vst v34  }
0x11d: {  	v46 =	vmul.f32 s9, v46;
	s17 =	smul.f32 s11, s17;
	v47 =	vmul.f32 s15, v47;
	s22 =	ssub.f32 $2.000000000e+00, s7;
	(v2sf) =	vpush v35, $0xF;
	v55 =	vld [tilespmem:$0x1FDC0];
	v41, _, _ =	vpop (xrf2);
	[tilespmem:$0x1FD30] =	vst v36  }
0x11e: {  	s4 =	smul.f32 s10, s14;
	v49 =	vmul.f32 s15, v49;
	s26 =	rddreg [dreg:$0x14];
	v31 =	vld [tilespmem:$0x1FE10];
	[tilespmem:$0x1FD60] =	vst v18;
	(v2sf) =	vpush v41, $0xF;
	v18 =	vmov s24  }
0x11f: {  	s1 =	smul.f32 s22, s8;
	(xrf2) =	vadd.scan.msk.f32 $0xffff, v17;
	v33 =	vld [tilespmem:$0x1FE20];
	[tilespmem:$0x1FD40] =	vst v38;
	s25 =	spop (v2sf);
	v52 =	vsub.f32 v53, v18;
	v53 =	vsub.f32 v54, v18  }
0x120: {  	s3 =	ssub.f32 $2.000000000e+00, s3;
	v17 =	vmul.f32 s26, v42;
	v34 =	vld [tilespmem:$0x1FE30];
	[tilespmem:$0x1FD50] =	vst v39;
	v54 =	vsub.f32 v59, v18;
	v18 =	vsub.f32 v60, v18;
	v32, _, _ =	vpop (xrf2);
	s30 =	smul.f32 $1.562500000e-02, s25  }
0x121: {  	s7 =	smul.f32 s5, s16;
	v21 =	vmul.f32 s1, v21;
	v13 =	vmul.f32 s1, v13;
	(v2sf) =	vpush v32, $0xF;
	v32 =	vld [tilespmem:$0x1FEF0];
	[tilespmem:$0x1FD70] =	vst v52  }
0x122: {  	s5 =	ssub.f32 $2.000000000e+00, s17;
	s8 =	smul.f32 s3, s12;
	v25 =	vmul.f32 s1, v11;
	v17 =	vmul.f32 v17, v3;
	[tilespmem:$0x1FDA0] =	vst v18;
	v18 =	vld [tilespmem:$0x1FDB0];
	v59 =	vmov s30  }
0x123: {  	s10 =	smul.f32 s19, s19;
	v21 =	vmul.f32 v21, v3;
	v41 =	vmul.f32 s20, v51;
	[tilespmem:$0x1FD80] =	vst v53;
	v53 =	vld [tilespmem:$0x1FE40];
	s17 =	spop (v2sf);
	v28 =	vsub.f32 v57, v59  }
0x124: {  	v60 =	vmul.f32 s26, v50;
	[tilespmem:$0x1FD90] =	vst v54;
	v56 =	vmul.f32 s26, v55;
	v54 =	vld [tilespmem:$0x1FE50];
	v29 =	vsub.f32 v58, v59;
	s2 =	smul.f32 $1.562500000e-02, s17  }
0x125: {  	s18 =	smul.f32 s0, s0;
	v38 =	vmul.f32 s20, v31;
	v31 =	vld [tilespmem:$0x1FEE0];
	v39 =	vmul.f32 s20, v33;
	v23 =	vsub.f32 v23, v59;
	[tilespmem:$0x1FDD0] =	vst v28;
	s19 =	spop (v2sf)  }
0x126: {  	v42 =	vmul.f32 s20, v34;
	v34 =	vld [tilespmem:$0x1FF50];
	v30 =	vsub.f32 v63, v59;
	[tilespmem:$0x1FDE0] =	vst v29;
	s0 =	smul.f32 $1.562500000e-02, s19;
	v35 =	vmov s2;
	s22 =	spop (v2sf)  }
0x127: {  	v36 =	vmul.f32 v56, v1;
	v57 =	vld [tilespmem:$0x1FE80];
	[tilespmem:$0x1FE00] =	vst v23;
	v23 =	vmul.f32 v60, v2;
	v55 =	vsub.f32 v62, v35;
	s12 =	smul.f32 $1.562500000e-02, s22  }
0x128: {  	v58 =	vld [tilespmem:$0x1FE90];
	[tilespmem:$0x1FDF0] =	vst v30;
	v56 =	vsub.f32 v61, v35;
	v59 =	vsub.f32 v22, v35;
	v30 =	vmov s0  }
0x129: {  	v63 =	vld [tilespmem:$0x1FEB0];
	v60 =	vsub.f32 v20, v35;
	[tilespmem:$0x1FE60] =	vst v55;
	v19 =	vsub.f32 v19, v30;
	v35 =	vmov s12  }
0x12a: {  	s16 =	smul.f32 s5, s11;
	v27 =	vmul.f32 v41, v2;
	v26 =	vmul.f32 v39, v1;
	v28 =	vld [tilespmem:$0x1FEC0];
	[tilespmem:$0x1FE70] =	vst v56;
	v10 =	vsub.f32 v10, v35  }
0x12b: {  	s20 =	smul.f32 s24, s24;
	v29 =	vld [tilespmem:$0x1FED0];
	v18 =	vmul.f32 s26, v18;
	v51 =	vmul.f32 s4, v53;
	v61, _, _ =	vpop (xrf2);
	v33 =	vsub.f32 v37, v30;
	[tilespmem:$0x1FF00] =	vst v19  }
0x12c: {  	s21 =	smul.f32 s30, s30;
	v52 =	vmul.f32 s4, v54;
	v62 =	vld [tilespmem:$0x1FEA0];
	s25 =	spop (v2sf);
	(v2sf) =	vpush v61, $0xF;
	[tilespmem:$0x1FF60] =	vst v10;
	v10 =	vsub.f32 v12, v35  }
0x12d: {  	s23 =	smul.f32 s2, s2;
	v18 =	vmul.f32 v18, v0;
	s26 =	spop (v2sf);
	v61 =	vsub.f32 v8, v30;
	v8 =	vld [tilespmem:$0x1FF30];
	v9 =	vsub.f32 v9, v35;
	[tilespmem:$0x1FF20] =	vst v33  }
0x12e: {  	v53 =	vmul.f32 s7, v63;
	s24 =	smul.f32 s0, s0;
	v63 =	vsub.f32 v14, v30;
	v14 =	vld [tilespmem:$0x1FF40];
	s28 =	spop (v2sf);
	[tilespmem:$0x1FF70] =	vst v10;
	v10 =	vadd.f32 v17, v7  }
0x12f: {  	s31 =	simm.s32 $0xFB80;
	v20 =	vmul.f32 s4, v57;
	v22 =	vmul.f32 s4, v58;
	s0 =	smul.f32 s12, s12;
	s12 =	spop (v2sf);
	v19 =	vld [tilespmem:$0x1FF10];
	[tilespmem:$0x1FF80] =	vst v9  }
0x130: {  	v57 =	vmul.f32 s8, v31;
	v54 =	vmul.f32 s7, v28;
	s13 =	smul.f32 $1.562500000e-02, s12;
	v9 =	vld [tilespmem:$0x1FF90];
	[tilespmem:s31+$0xF0] =	vst v10  }
0x131: {  	v55 =	vmul.f32 s7, v29;
	v50 =	vmul.f32 s7, v62;
	s7 =	smul.f32 $1.562500000e-02, s25;
	v56 =	vld [tilespmem:$0x1FFA0]  }
0x132: {  	v58 =	vmul.f32 s8, v32;
	v37 =	vmul.f32 s9, v34;
	v12 =	vadd.f32 v18, v4;
	s3 =	ssub.f32 s13, s21;
	s14 =	spop (v2sf)  }
0x133: {  	v11 =	vadd.f32 v23, v6;
	v18 =	vmul.f32 s16, v48;
	v14 =	vmul.f32 s9, v14;
	s7 =	ssub.f32 s7, s10;
	s9 =	smul.f32 $1.562500000e-02, s28  }
0x134: {  	v8 =	vmul.f32 s8, v8;
	v17 =	vmul.f32 s16, v40;
	s6 =	smul.f32 $1.562500000e-02, s14;
	s19 =	spop (v2sf);
	v10 =	vadd.f32 v36, v5;
	[tilespmem:s31+$0xC0] =	vst v12  }
0x135: {  	v62 =	vsub.f32 v16, v35;
	v19 =	vmul.f32 s8, v19;
	s8 =	smul.f32 $1.562500000e-02, s26;
	s11 =	ssub.f32 s9, s20;
	v12 =	vmul.f32 v38, v0;
	[tilespmem:s31+$0xE0] =	vst v11  }
0x136: {  	v40 =	vmul.f32 s16, v44;
	s7 =	smul.f32 $1.015873070e+00, s7;
	s4 =	ssub.f32 s6, s23;
	[tilespmem:s31+$0xD0] =	vst v10;
	v10 =	vadd.f32 v21, v7;
	v24 =	vmul.f32 s16, v56;
	s16 =	simm.s32 $0xFD80  }
0x137: {  	v16 =	vmul.f32 s15, v43;
	s20 =	smul.f32 $1.562500000e-02, s19;
	v9 =	vmul.f32 s15, v9;
	s15 =	simm.s32 $0xFD80;
	v12 =	vadd.f32 v12, v4;
	[dreg:$0x6] =	wrdreg s16  }
0x138: {  	v15 =	vmul.f32 s1, v15;
	v11 =	vmul.f32 v42, v3;
	s8 =	ssub.f32 s8, s18;
	s18 =	smul.f32 $1.015873070e+00, s3;
	v21 =	vadd.f32 v26, v5;
	[tilespmem:s15+$0xF0] =	vst v10  }
0x139: {  	v41 =	vmul.f32 v47, v0;
	v20 =	vmul.f32 v20, v2;
	v29 =	vadd.f32 v27, v6;
	s1 =	smax.f32 s7, $1.000000000e-30;
	s4 =	smul.f32 $1.015873070e+00, s4;
	[tilespmem:s31+$0xFFFFFF00] =	vst v12  }
0x13a: {  	v28 =	vmul.f32 v51, v0;
	v34 =	vmul.f32 v57, v0;
	s2 =	ssub.f32 s20, s24;
	v11 =	vadd.f32 v11, v7;
	s30 =	smul.f32 $1.015873070e+00, s8;
	[tilespmem:s31+$0xFFFFFF10] =	vst v21  }
0x13b: {  	v30 =	vmul.f32 v50, v0;
	v57 =	vmul.f32 v8, v3;
	v8 =	vadd.f32 v20, v6;
	s8 =	smul.f32 $1.015873070e+00, s11;
	s14 =	smax.f32 s18, $1.000000000e-30;
	[tilespmem:s31+$0xFFFFFF20] =	vst v29  }
0x13c: {  	v39 =	vmul.f32 v13, v0;
	v36 =	vadd.f32 v28, v4;
	s17 =	sshrl.u32 s1, $0x1;
	s13 =	smax.f32 s4, $1.000000000e-30;
	s25 =	smul.f32 $1.015873070e+00, s2;
	v12 =	vmul.f32 v22, v3;
	[tilespmem:s31+$0xFFFFFF30] =	vst v11  }
0x13d: {  	v31 =	vmul.f32 v53, v1;
	s10 =	ssub.s32 $0x5F3759DF, s17;
	s19 =	smul.f32 $5.000000000e-01, s14;
	s22 =	spop (v2sf);
	v10 =	vmul.f32 v52, v1;
	[tilespmem:s31+$0xFFFFFF60] =	vst v8;
	v8 =	vadd.f32 v30, v4  }
0x13e: {  	v35 =	vmul.f32 v58, v1;
	v58 =	vmul.f32 v14, v0;
	s26 =	sshrl.u32 s14, $0x1;
	s28 =	sshrl.u32 s13, $0x1;
	[tilespmem:s31+$0xFFFFFF40] =	vst v36;
	s5 =	smul.f32 $1.562500000e-02, s22;
	v14 =	vadd.f32 v12, v7  }
0x13f: {  	v32 =	vmul.f32 v54, v2;
	v33 =	vmul.f32 v55, v3;
	s3 =	smax.f32 s30, $1.000000000e-30;
	s12 =	smax.f32 s8, $1.000000000e-30;
	s17 =	ssub.s32 $0x5F3759DF, s26;
	v10 =	vadd.f32 v10, v5;
	[tilespmem:s31+$0xFFFFFF80] =	vst v8  }
0x140: {  	v43 =	vmul.f32 v18, v2;
	v42 =	vmul.f32 v17, v0;
	s30 =	simm.s32 $0x8;
	s8 =	smax.f32 s25, $1.000000000e-30;
	s0 =	ssub.f32 s5, s0;
	[tilespmem:s31+$0xFFFFFF70] =	vst v14;
	v14 =	vadd.f32 v31, v5  }
0x141: {  	v13 =	vadd.f32 v34, v4;
	v38 =	vmul.f32 v40, v1;
	v40 =	vmul.f32 v15, v2;
	s21 =	sshrl.u32 s3, $0x1;
	s24 =	sshrl.u32 s12, $0x1;
	s16 =	smul.f32 $5.000000000e-01, s3;
	[tilespmem:s31+$0xFFFFFF50] =	vst v10  }
0x142: {  	v19 =	vmul.f32 v19, v2;
	v44 =	vmul.f32 v9, v2;
	s23 =	ssub.s32 $0x5F3759DF, s21;
	s11 =	ssub.s32 $0x5F3759DF, s24;
	v8 =	vadd.f32 v32, v6;
	s0 =	smul.f32 $1.015873070e+00, s0;
	[tilespmem:s31+$0xFFFFFF90] =	vst v14  }
0x143: {  	v11 =	vmul.f32 v37, v1;
	s24 =	smul.f32 $5.000000000e-01, s1;
	v36 =	vmul.f32 v49, v1;
	s22 =	ssub.s32 $0x5F3759DF, s28;
	v14 =	vadd.f32 v33, v7;
	[dreg:$0x7] =	wrdreg s30  }
0x144: {  	v15 =	vadd.f32 v57, v7;
	s4 =	sshrl.u32 s8, $0x1;
	v37 =	vmul.f32 v16, v3;
	s15 =	smul.f32 $5.000000000e-01, s12;
	v9 =	vmul.f32 v24, v3;
	s9 =	smax.f32 s0, $1.000000000e-30;
	[tilespmem:s31+$0xFFFFFFA0] =	vst v8  }
0x145: {  	s21 =	ssub.s32 $0x5F3759DF, s4;
	s4 =	smul.f32 $5.000000000e-01, s13;
	v16 =	vadd.f32 v35, v5;
	v12 =	vmul.f32 v45, v2;
	v10 =	vmul.f32 v46, v3;
	s0 =	sshrl.u32 s9, $0x1;
	[tilespmem:s31+$0xFFFFFFB0] =	vst v14  }
0x146: {  	s5 =	smul.f32 $5.000000000e-01, s8;
	v8 =	vmul.f32 v25, v1;
	v14 =	vadd.f32 v19, v6;
	[tilespmem:s31+$0xFFFFFFC0] =	vst v13;
	s18 =	ssub.s32 $0x5F3759DF, s0;
	v13 =	vadd.f32 v58, v4;
	s0 =	simm.s32 $0x6900  }
.LBB2_3:
0x147: {  	v17 =	vld [tilespmem:s0+$0xC0]  }
0x148: {  	v46 =	vld [tilespmem:s0+$0xFFFFFF00]  }
0x149: {  	v47 =	vld [tilespmem:s0+$0xFFFFFF30]  }
0x14a: {  	v48 =	vld [tilespmem:s0+$0xFFFFFF50]  }
0x14b: {  	v49 =	vld [tilespmem:s0+$0xFFFFFF70]  }
0x14c: {  	v51 =	vld [tilespmem:s0+$0xFFFFFF80]  }
0x14d: {  	s29 =	sadd.s32 $0x200, s29;
	[tilespmem:s31+$0xFFFFFFD0] =	vst v16;
	v16 =	vld [tilespmem:s0+$0xD0]  }
0x14e: {  	[tilespmem:s31+$0xFFFFFFE0] =	vst v14;
	v18 =	vld [tilespmem:s29+$0xC0]  }
0x14f: {  	v21 =	vadd.f32 v42, v4;
	[tilespmem:s31+$0xFFFFFFF0] =	vst v15;
	v20 =	vld [tilespmem:s29+$0xD0]  }
0x150: {  	s20 =	smul.f32 $5.000000000e-01, s9;
	v11 =	vadd.f32 v11, v5;
	[tilespmem:s31+$0x0] =	vst v13;
	v22 =	vld [tilespmem:s29+$0xE0]  }
0x151: {  	v12 =	vadd.f32 v12, v6;
	s6 =	smul.f32 s10, s24;
	v30 =	vld [tilespmem:s29+$0xF0];
	[tilespmem:s31+$0x80] =	vst v21  }
0x152: {  	v10 =	vadd.f32 v10, v7;
	s7 =	smul.f32 s23, s16;
	v45 =	vld [tilespmem:s29+$0xFFFFFF00];
	[tilespmem:s31+$0x10] =	vst v11  }
0x153: {  	v14 =	vadd.f32 v41, v4;
	s25 =	smul.f32 s11, s15;
	v2 =	vld [tilespmem:s29+$0xFFFFFFE0];
	[tilespmem:s31+$0x20] =	vst v12  }
0x154: {  	v15 =	vadd.f32 v36, v5;
	s26 =	smul.f32 s17, s19;
	v12 =	vld [tilespmem:s0+$0xE0];
	[tilespmem:s31+$0x30] =	vst v10  }
0x155: {  	v19 =	vadd.f32 v44, v6;
	s28 =	smul.f32 s22, s4;
	v10 =	vld [tilespmem:s0+$0xF0];
	[tilespmem:s31+$0x40] =	vst v14  }
0x156: {  	s30 =	rddreg [dreg:$0x7];
	v13 =	vadd.f32 v37, v7;
	s2 =	smul.f32 s21, s5;
	v14 =	vld [tilespmem:s29+$0xFFFFFF10];
	[tilespmem:s31+$0x50] =	vst v15  }
0x157: {  	[dreg:$0x9] =	wrdreg s1;
	v23 =	vadd.f32 v43, v6;
	s1 =	sadd.s32 $0x8, s30;
	s30 =	smul.f32 s18, s20;
	v15 =	vld [tilespmem:s29+$0xFFFFFF20];
	[tilespmem:s31+$0x60] =	vst v19  }
0x158: {  	v9 =	vadd.f32 v9, v7;
	s6 =	smul.f32 s10, s6;
	v19 =	vld [tilespmem:s29+$0xFFFFFF30];
	[tilespmem:s31+$0x70] =	vst v13  }
0x159: {  	v8 =	vadd.f32 v8, v5;
	[dreg:$0x7] =	wrdreg s1;
	s7 =	smul.f32 s23, s7;
	v13 =	vld [tilespmem:s29+$0xFFFFFF40];
	[tilespmem:s31+$0xA0] =	vst v23  }
0x15a: {  	v31 =	vadd.f32 v39, v4;
	p1 =	slt.u32 s1, $0xC0;
	s1 =	rddreg [dreg:$0x6];
	s25 =	smul.f32 s11, s25;
	[tilespmem:s31+$0xB0] =	vst v9;
	v9 =	vld [tilespmem:s29+$0xFFFFFF80]  }
0x15b: {  	v11 =	vadd.f32 v38, v5;
	s26 =	smul.f32 s17, s26;
	[tilespmem:s1+$0xD0] =	vst v8;
	v8 =	vld [tilespmem:s29+$0xFFFFFFA0]  }
0x15c: {  	s28 =	smul.f32 s22, s28;
	[tilespmem:s1+$0xC0] =	vst v31;
	v31 =	vld [tilespmem:s0+$0xFFFFFF20]  }
0x15d: {  	s2 =	smul.f32 s21, s2;
	v24 =	vld [tilespmem:s29+$0x30];
	s6 =	ssub.f32 $1.500000000e+00, s6;
	[tilespmem:s31+$0x90] =	vst v11  }
0x15e: {  	s30 =	smul.f32 s18, s30;
	s7 =	ssub.f32 $1.500000000e+00, s7;
	v18 =	vmul.f32 $8.000000000e+00, v18;
	v20 =	vmul.f32 $8.000000000e+00, v20;
	v26 =	vld [tilespmem:s29+$0x80]  }
0x15f: {  	s25 =	ssub.f32 $1.500000000e+00, s25;
	v22 =	vmul.f32 $8.000000000e+00, v22;
	v32 =	vmul.f32 $8.000000000e+00, v30;
	v28 =	vld [tilespmem:s29+$0x90];
	s10 =	smul.f32 s10, s6  }
0x160: {  	s26 =	ssub.f32 $1.500000000e+00, s26;
	v29 =	vld [tilespmem:s29+$0xB0];
	s23 =	smul.f32 s23, s7;
	v37 =	vadd.f32 v17, v18;
	v36 =	vadd.f32 v16, v20  }
0x161: {  	s28 =	ssub.f32 $1.500000000e+00, s28;
	v30 =	vld [tilespmem:s0+$0xFFFFFF10];
	s11 =	smul.f32 s11, s25;
	v38 =	vadd.f32 v12, v22;
	v39 =	vadd.f32 v10, v32  }
0x162: {  	s2 =	ssub.f32 $1.500000000e+00, s2;
	s17 =	smul.f32 s17, s26;
	v16 =	vld [tilespmem:s29+$0xFFFFFF50];
	v12 =	vmul.f32 $8.000000000e+00, v14;
	v42 =	vmul.f32 $8.000000000e+00, v15;
	v11 =	vadd.f32 v36, v37  }
0x163: {  	s7 =	ssub.f32 $1.500000000e+00, s30;
	s22 =	smul.f32 s22, s28;
	v10 =	vld [tilespmem:s29+$0xFFFFFF60];
	v17 =	vadd.f32 v39, v38;
	v18 =	vmul.f32 v37, v37;
	v20 =	vmul.f32 v36, v36  }
0x164: {  	s21 =	smul.f32 s21, s2;
	v14 =	vld [tilespmem:s29+$0xFFFFFF70];
	v33 =	vmul.f32 v38, v38;
	v34 =	vmul.f32 v39, v39  }
0x165: {  	v35 =	vmul.f32 $8.000000000e+00, v19;
	v15 =	vld [tilespmem:s29+$0xFFFFFF90];
	v0 =	vmul.f32 $8.000000000e+00, v13;
	s18 =	smul.f32 s18, s7;
	v11 =	vadd.f32 v17, v11  }
0x166: {  	v19 =	vmul.f32 $8.000000000e+00, v9;
	v9 =	vld [tilespmem:s29+$0xFFFFFFD0];
	s25 =	smul.f32 s10, s24;
	v13 =	vadd.f32 v20, v18;
	v17 =	vadd.f32 v34, v33  }
0x167: {  	v40 =	vadd.f32 v40, v6;
	v6 =	vmovc v5;
	v5 =	vmovc v4;
	v4 =	vmov v59;
	s26 =	smul.f32 s23, s16;
	v59 =	vmul.f32 $8.000000000e+00, v24;
	v24 =	vld [tilespmem:s0+$0xFFFFFFB0]  }
0x168: {  	s28 =	smul.f32 s11, s15;
	v18 =	vmul.f32 $8.000000000e+00, v8;
	v8 =	vld [tilespmem:s29+$0xFFFFFFF0];
	v13 =	vadd.f32 v17, v13  }
0x169: {  	[tilespmem:s1+$0xE0] =	vst v40;
	s31 =	smov.u32 s1;
	s30 =	smov.u32 s1;
	v32 =	vmul.f32 $8.000000000e+00, v45;
	s1 =	smul.f32 s17, s19;
	v33 =	vld [tilespmem:s0+$0xFFFFFF40];
	(xrf2) =	vadd.scan.msk.f32 $0xffff, v11  }
0x16a: {  	s16 =	smul.f32 s22, s4;
	v21 =	vmul.f32 $8.000000000e+00, v10;
	v10 =	vld [tilespmem:s29+$0xFFFFFFB0];
	(xrf2) =	vadd.scan.msk.f32 $0xffff, v13  }
0x16b: {  	s19 =	smul.f32 s21, s5;
	v43 =	vadd.f32 v46, v32;
	v34 =	vld [tilespmem:s0+$0xFFFFFF60];
	v1 =	vmul.f32 $8.000000000e+00, v16  }
0x16c: {  	s20 =	smul.f32 s18, s20;
	v40 =	vadd.f32 v30, v12;
	v20 =	vmul.f32 $8.000000000e+00, v14;
	v14 =	vmul.f32 $8.000000000e+00, v9;
	v9 =	vld [tilespmem:s29+$0x20]  }
0x16d: {  	v41 =	vadd.f32 v47, v35;
	s2 =	smul.f32 s25, s10;
	v11 =	vld [tilespmem:s29+$0xFFFFFFC0]  }
0x16e: {  	s6 =	smul.f32 s26, s23;
	v12 =	vmul.f32 v43, v43;
	v35 =	vmul.f32 v40, v40;
	v45 =	vadd.f32 v48, v1;
	v1 =	vld [tilespmem:s0+$0xFFFFFFA0]  }
0x16f: {  	v42 =	vadd.f32 v31, v42;
	s7 =	smul.f32 s28, s11;
	v17 =	vmul.f32 $8.000000000e+00, v10;
	v10 =	vld [tilespmem:s29+$0x0]  }
0x170: {  	s15 =	smul.f32 s1, s17;
	v12 =	vadd.f32 v35, v12;
	v35 =	vld [tilespmem:s0+$0xFFFFFFF0]  }
0x171: {  	s4 =	smul.f32 s16, s22;
	v52 =	vmul.f32 v42, v42;
	v55 =	vmul.f32 $8.000000000e+00, v8;
	v8 =	vld [tilespmem:s29+$0x40]  }
0x172: {  	s5 =	smul.f32 s19, s21;
	v53 =	vadd.f32 v41, v42;
	s2 =	ssub.f32 $1.500000000e+00, s2;
	v50 =	vadd.f32 v40, v43;
	v58 =	vmul.f32 $8.000000000e+00, v9;
	v9 =	vld [tilespmem:s29+$0x70]  }
0x173: {  	v16 =	vmul.f32 $8.000000000e+00, v15;
	s6 =	ssub.f32 $1.500000000e+00, s6;
	s16 =	smul.f32 s20, s18;
	v47 =	vadd.f32 v49, v20;
	v15 =	vmul.f32 $8.000000000e+00, v11;
	v11 =	vld [tilespmem:s29+$0x10];
	v25, _, _ =	vpop (xrf2)  }
0x174: {  	s7 =	ssub.f32 $1.500000000e+00, s7;
	s2 =	smul.f32 s2, s10;
	v53 =	vadd.f32 v53, v50;
	v56 =	vmul.f32 $8.000000000e+00, v10;
	v10 =	vld [tilespmem:s29+$0x50];
	(v2sf) =	vpush v25, $0xF;
	v27, _, _ =	vpop (xrf2)  }
0x175: {  	v54 =	vmul.f32 v41, v41;
	s15 =	ssub.f32 $1.500000000e+00, s15;
	s24 =	smul.f32 s6, s23;
	v44 =	vadd.f32 v33, v0;
	v0 =	vld [tilespmem:s0+$0xFFFFFF90];
	(v2sf) =	vpush v27, $0xF  }
0x176: {  	v30 =	vld [tilespmem:s0+$0x0];
	s4 =	ssub.f32 $1.500000000e+00, s4;
	s11 =	smul.f32 s7, s11;
	v48 =	vadd.f32 v51, v19;
	v13 =	vmul.f32 $8.000000000e+00, v2;
	v46 =	vadd.f32 v34, v21  }
0x177: {  	s5 =	ssub.f32 $1.500000000e+00, s5;
	s15 =	smul.f32 s15, s17;
	v34 =	vld [tilespmem:s0+$0xFFFFFFE0];
	v2 =	vmul.f32 v44, v44;
	v33 =	vadd.f32 v45, v44;
	v50 =	vadd.f32 v1, v18  }
0x178: {  	[tilespmem:$0x1FC80] =	vst v63;
	s16 =	ssub.f32 $1.500000000e+00, s16;
	s25 =	smul.f32 s4, s22;
	v51 =	vadd.f32 v24, v17;
	v63 =	vmul.f32 $8.000000000e+00, v9;
	v57 =	vmul.f32 $8.000000000e+00, v11;
	v11 =	vld [tilespmem:s29+$0x60]  }
0x179: {  	[tilespmem:$0x1FC90] =	vst v61;
	s26 =	smul.f32 s5, s21;
	v9 =	vmul.f32 $8.000000000e+00, v28;
	v28 =	vadd.f32 v47, v46;
	v61 =	vmul.f32 $8.000000000e+00, v10;
	v10 =	vld [tilespmem:s29+$0xA0]  }
0x17a: {  	[tilespmem:$0x1FC70] =	vst v60;
	v19 =	vld [tilespmem:s0+$0xFFFFFFD0];
	s28 =	smul.f32 s16, s18;
	v55 =	vadd.f32 v35, v55;
	v60 =	vmul.f32 $8.000000000e+00, v8;
	v49 =	vadd.f32 v0, v16  }
0x17b: {  	s18 =	smul.f32 s24, s3;
	v8 =	vmul.f32 $8.000000000e+00, v26;
	v26 =	vld [tilespmem:s0+$0xFFFFFFC0];
	v16 =	vadd.f32 v54, v52;
	v20 =	vadd.f32 v28, v33;
	(xrf2) =	vadd.scan.msk.f32 $0xffff, v53  }
0x17c: {  	v23 =	vld [tilespmem:s0+$0x90];
	s19 =	smul.f32 s11, s12;
	v18 =	vmul.f32 v48, v48;
	v0 =	vadd.f32 v51, v50;
	v54 =	vadd.f32 v34, v13  }
0x17d: {  	s16 =	rddreg [dreg:$0x9];
	s21 =	smul.f32 s15, s14;
	v1 =	vld [tilespmem:s0+$0x30];
	v17 =	vadd.f32 v49, v48;
	v25 =	vmul.f32 v45, v45;
	v27 =	vmul.f32 v46, v46;
	(xrf2) =	vadd.scan.msk.f32 $0xffff, v20  }
0x17e: {  	[tilespmem:$0x1FCA0] =	vst v62;
	s1 =	smul.f32 s2, s16;
	v34 =	vld [tilespmem:s0+$0x80];
	v56 =	vadd.f32 v30, v56;
	v62 =	vmul.f32 $8.000000000e+00, v11;
	v11 =	vmul.f32 $8.000000000e+00, v10  }
0x17f: {  	s25 =	smul.f32 s25, s13;
	s4 =	sadd.f32 $9.999999970e-07, s18;
	v53 =	vadd.f32 v19, v14;
	v14 =	vld [tilespmem:s0+$0x20];
	v10 =	vmul.f32 $8.000000000e+00, v29;
	v29 =	vmul.f32 v47, v47  }
0x180: {  	s6 =	smul.f32 s26, s8;
	s3 =	sadd.f32 $9.999999970e-07, s1;
	v31 =	vmul.f32 v51, v51;
	v30 =	vadd.f32 v55, v54;
	v52 =	vadd.f32 v26, v15;
	v15 =	vld [tilespmem:s0+$0x10]  }
0x181: {  	s7 =	smul.f32 s28, s9;
	s14 =	ssub.s32 $0x7EF311C3, s4;
	v24 =	vmul.f32 v49, v49;
	v19 =	vadd.f32 v25, v2;
	v25 =	vadd.f32 v29, v27;
	v29 =	vld [tilespmem:s0+$0x50]  }
0x182: {  	s8 =	sadd.f32 $9.999999970e-07, s25;
	s12 =	ssub.s32 $0x7EF311C3, s3;
	s28 =	smul.f32 s14, s4;
	v28 =	vmul.f32 v50, v50;
	v59 =	vadd.f32 v1, v59;
	v9 =	vadd.f32 v23, v9;
	v2 =	vld [tilespmem:s0+$0x40]  }
0x183: {  	s26 =	smul.f32 s12, s3;
	v17 =	vadd.f32 v0, v17;
	v26 =	vld [tilespmem:s0+$0x70];
	v20 =	vadd.f32 v53, v52;
	s20 =	spop (v2sf)  }
0x184: {  	v18 =	vadd.f32 v24, v18;
	v28 =	vadd.f32 v31, v28;
	v31 =	vld [tilespmem:s0+$0xB0];
	s1 =	smul.f32 $1.562500000e-02, s20;
	s22 =	spop (v2sf)  }
0x185: {  	s9 =	sadd.f32 $9.999999970e-07, s6;
	v20 =	vadd.f32 v30, v20;
	v57 =	vadd.f32 v15, v57;
	v15 =	vld [tilespmem:s0+$0x60];
	v35, _, _ =	vpop (xrf2);
	(xrf2) =	vadd.scan.msk.f32 $0xffff, v17;
	s23 =	smul.f32 $1.562500000e-02, s22  }
0x186: {  	s10 =	sadd.f32 $9.999999970e-07, s19;
	s17 =	ssub.s32 $0x7EF311C3, s8;
	v8 =	vadd.f32 v34, v8;
	v61 =	vadd.f32 v29, v61;
	v29 =	vld [tilespmem:s0+$0xA0];
	s24 =	smul.f32 s1, s1  }
0x187: {  	s19 =	ssub.s32 $0x7EF311C3, s9;
	s25 =	smul.f32 s17, s8;
	v58 =	vadd.f32 v14, v58;
	v14 =	vmul.f32 v56, v56;
	v60 =	vadd.f32 v2, v60;
	v34, _, _ =	vpop (xrf2);
	(xrf2) =	vadd.scan.msk.f32 $0xffff, v20;
	s20 =	ssub.f32 $2.000000000e+00, s26  }
0x188: {  	s13 =	ssub.s32 $0x7EF311C3, s10;
	v63 =	vadd.f32 v26, v63;
	v21 =	vadd.f32 v57, v56;
	v33 =	vmul.f32 v57, v57;
	s26 =	smul.f32 s19, s9;
	s2 =	ssub.f32 s23, s24  }
0x189: {  	s5 =	sadd.f32 $9.999999970e-07, s21;
	v10 =	vadd.f32 v31, v10;
	v17 =	vadd.f32 v59, v58;
	s22 =	smul.f32 s13, s10  }
0x18a: {  	v0 =	vmul.f32 v59, v59;
	v14 =	vadd.f32 v33, v14;
	v62 =	vadd.f32 v15, v62;
	s2 =	smul.f32 $1.015873070e+00, s2  }
0x18b: {  	s15 =	ssub.s32 $0x7EF311C3, s5;
	v24 =	vmul.f32 v58, v58;
	v20 =	vadd.f32 v9, v8;
	s12 =	smul.f32 s12, s20;
	v11 =	vadd.f32 v29, v11  }
0x18c: {  	v15 =	vmul.f32 v60, v60;
	v2 =	vadd.f32 v63, v62;
	v26 =	vadd.f32 v61, v60;
	s24 =	smul.f32 s15, s5;
	s16 =	smax.f32 s2, $1.000000000e-30  }
0x18d: {  	s11 =	sadd.f32 $9.999999970e-07, s7;
	v17 =	vadd.f32 v17, v21;
	v1 =	vmul.f32 v61, v61;
	v29 =	vadd.f32 v10, v11;
	s21 =	sshrl.u32 s16, $0x1;
	s6 =	smul.f32 $5.000000000e-01, s16  }
0x18e: {  	v0 =	vadd.f32 v0, v24;
	v2 =	vadd.f32 v2, v26;
	s7 =	ssub.f32 $2.000000000e+00, s22;
	s3 =	smul.f32 s12, s3;
	s21 =	ssub.s32 $0x5F3759DF, s21  }
0x18f: {  	v1 =	vadd.f32 v1, v15;
	v24, _, _ =	vpop (xrf2);
	(xrf2) =	vadd.scan.msk.f32 $0xffff, v17;
	v15 =	vadd.f32 v29, v20;
	s23 =	smul.f32 s21, s6  }
0x190: {  	s13 =	smul.f32 s13, s7;
	(xrf2) =	vadd.scan.msk.f32 $0xffff, v2  }
0x191: {  	s18 =	ssub.s32 $0x7EF311C3, s11;
	v0 =	vadd.f32 v0, v14;
	v14, _, _ =	vpop (xrf2);
	s3 =	ssub.f32 $2.000000000e+00, s3;
	(xrf2) =	vadd.scan.msk.f32 $0xffff, v15;
	s22 =	smul.f32 s21, s23  }
0x192: {  	s2 =	ssub.f32 $2.000000000e+00, s28;
	s28 =	smul.f32 s18, s11  }
0x193: {  	s10 =	smul.f32 s13, s10;
	s22 =	ssub.f32 $1.500000000e+00, s22  }
0x194: {  	v12 =	vadd.f32 v16, v12;
	v22 =	vmul.f32 v53, v53;
	v13 =	vmul.f32 v52, v52;
	s3 =	smul.f32 s3, s12  }
0x195: {  	v32 =	vmul.f32 v55, v55;
	v27 =	vmul.f32 v54, v54;
	s21 =	smul.f32 s21, s22  }
0x196: {  	v13 =	vadd.f32 v22, v13;
	s14 =	smul.f32 s14, s2;
	(xrf2) =	vadd.scan.msk.f32 $0xffff, v12  }
0x197: {  	v27 =	vadd.f32 v32, v27;
	v26 =	vadd.f32 v25, v19;
	s6 =	smul.f32 s21, s6  }
0x198: {  	v18 =	vadd.f32 v28, v18;
	s10 =	ssub.f32 $2.000000000e+00, s10;
	s4 =	smul.f32 s14, s4  }
0x199: {  	v13 =	vadd.f32 v27, v13;
	s23 =	ssub.f32 $2.000000000e+00, s24;
	v12, _, _ =	vpop (xrf2);
	(xrf2) =	vadd.scan.msk.f32 $0xffff, v26;
	s6 =	smul.f32 s6, s21  }
0x19a: {  	(v2sf) =	vpush v35, $0xF;
	s10 =	smul.f32 s10, s13;
	s24 =	ssub.f32 $2.000000000e+00, s25;
	v28, _, _ =	vpop (xrf2);
	(xrf2) =	vadd.scan.msk.f32 $0xffff, v18  }
0x19b: {  	(v2sf) =	vpush v34, $0xF;
	s15 =	smul.f32 s15, s23;
	v29, _, _ =	vpop (xrf2);
	(xrf2) =	vadd.scan.msk.f32 $0xffff, v13;
	v13 =	vld [tilespmem:$0x1FD00];
	s2 =	ssub.f32 $1.500000000e+00, s6  }
0x19c: {  	(v2sf) =	vpush v24, $0xF;
	s28 =	ssub.f32 $2.000000000e+00, s28;
	s7 =	smul.f32 s17, s24  }
0x19d: {  	v23 =	vmul.f32 v9, v9;
	v22 =	vmul.f32 v8, v8;
	(v2sf) =	vpush v14, $0xF;
	s2 =	smul.f32 s2, s21  }
0x19e: {  	v3 =	vmul.f32 v63, v63;
	v30 =	vmul.f32 v62, v62;
	(v2sf) =	vpush v12, $0xF;
	s22 =	smul.f32 s18, s28  }
0x19f: {  	v17 =	vadd.f32 v23, v22;
	v14 =	vmov s1;
	s25 =	ssub.f32 $2.000000000e+00, s26;
	(v2sf) =	vpush v28, $0xF;
	s2 =	smul.f32 s2, s16  }
0x1a0: {  	v23 =	vsub.f32 v37, v14;
	s4 =	ssub.f32 $2.000000000e+00, s4;
	s5 =	smul.f32 s15, s5;
	(v2sf) =	vpush v29, $0xF;
	v37 =	vmul.f32 s3, v13;
	v13, _, _ =	vpop (xrf2)  }
0x1a1: {  	v31 =	vmul.f32 v10, v10;
	v21 =	vmul.f32 v11, v11;
	s8 =	smul.f32 s7, s8;
	(v2sf) =	vpush v13, $0xF;
	v13 =	vld [tilespmem:$0x1FD20];
	s2 =	sadd.f32 $9.999999970e-07, s2  }
0x1a2: {  	v3 =	vadd.f32 v3, v30;
	s28 =	smul.f32 s4, s14  }
0x1a3: {  	v30 =	vld [tilespmem:$0x1FCF0];
	v16 =	vadd.f32 v31, v21;
	v31 =	vsub.f32 v39, v14;
	s21 =	smul.f32 s19, s25;
	s23 =	ssub.s32 $0x7EF311C3, s2  }
0x1a4: {  	v20 =	vsub.f32 v36, v14;
	v21 =	vsub.f32 v38, v14;
	v14 =	vld [tilespmem:$0x1FD10];
	s5 =	ssub.f32 $2.000000000e+00, s5;
	s24 =	smul.f32 s23, s2  }
0x1a5: {  	s25 =	ssub.f32 $2.000000000e+00, s8;
	s9 =	smul.f32 s21, s9  }
0x1a6: {  	v1 =	vadd.f32 v3, v1;
	v3 =	vadd.f32 v16, v17;
	s1 =	smul.f32 s5, s15;
	v16 =	vmul.f32 s3, v13;
	v13 =	vld [tilespmem:$0x1FD50];
	s17 =	ssub.f32 $2.000000000e+00, s24  }
0x1a7: {  	v28 =	vld [tilespmem:$0x1FD70];
	s5 =	smul.f32 s25, s7;
	s9 =	ssub.f32 $2.000000000e+00, s9  }
0x1a8: {  	v34 =	vld [tilespmem:$0x1FFD0];
	s6 =	smul.f32 s23, s17  }
0x1a9: {  	v32 =	vld [tilespmem:$0x1FFB0];
	v36 =	vmul.f32 s3, v14;
	v12 =	vmul.f32 s3, v30;
	v26, _, _ =	vpop (xrf2);
	s3 =	smul.f32 s9, s21;
	s9 =	spop (v2sf)  }
0x1aa: {  	s15 =	spop (v2sf);
	(v2sf) =	vpush v26, $0xF;
	v26 =	vmul.f32 s5, v4;
	v4 =	vmovc v5;
	v5 =	vmov v6;
	v6 =	vld [tilespmem:$0x1FFF0];
	s2 =	smul.f32 s6, s2  }
0x1ab: {  	v15 =	vld [tilespmem:$0x1FDA0];
	v17 =	vmul.f32 s28, v13  }
0x1ac: {  	v29 =	vld [tilespmem:$0x1FD80];
	v13 =	vmul.f32 s10, v28;
	s2 =	ssub.f32 $2.000000000e+00, s2  }
0x1ad: {  	s26 =	smul.f32 s22, s11;
	(xrf2) =	vadd.scan.msk.f32 $0xffff, v0;
	v17 =	vmul.f32 v17, v34  }
0x1ae: {  	v35 =	vld [tilespmem:$0x1FFE0];
	v13 =	vmul.f32 v13, v32;
	s4 =	smul.f32 s2, s6  }
0x1af: {  	v30 =	vld [tilespmem:$0x1FD90];
	(xrf2) =	vadd.scan.msk.f32 $0xffff, v1;
	v17 =	vadd.f32 v17, v6;
	s2 =	smul.f32 $1.562500000e-02, s9  }
0x1b0: {  	v22 =	vld [tilespmem:$0x1FD30];
	v19 =	vmul.f32 s10, v15;
	v13 =	vadd.f32 v13, v4;
	s6 =	smul.f32 $1.562500000e-02, s15  }
0x1b1: {  	s11 =	ssub.f32 $2.000000000e+00, s26;
	v18 =	vmul.f32 s10, v29;
	s16 =	spop (v2sf);
	[tilespmem:s31+$0xFFFFFF60] =	vst v17;
	v14 =	vmul.f32 s4, v31;
	v1 =	vmov s2;
	v31, _, _ =	vpop (xrf2)  }
0x1b2: {  	v24 =	vld [tilespmem:$0x1FD40];
	s17 =	spop (v2sf);
	[tilespmem:s31+$0xFFFFFF80] =	vst v13;
	v28 =	vmov s6;
	v43 =	vsub.f32 v43, v1;
	(v2sf) =	vpush v31, $0xF  }
0x1b3: {  	v27 =	vld [tilespmem:$0x1FD60];
	s13 =	smul.f32 s11, s22;
	s19 =	spop (v2sf);
	(xrf2) =	vadd.scan.msk.f32 $0xffff, v3;
	v29 =	vsub.f32 v40, v1;
	v3 =	vsub.f32 v45, v28;
	v25 =	vmul.f32 v14, v35  }
0x1b4: {  	s7 =	smul.f32 $1.562500000e-02, s16;
	s20 =	spop (v2sf);
	v14 =	vmul.f32 s10, v30;
	v30 =	vsub.f32 v42, v1;
	v1 =	vsub.f32 v41, v1;
	[tilespmem:$0x1FCF0] =	vst v43  }
0x1b5: {  	v38 =	vmul.f32 s28, v22;
	s21 =	smul.f32 $1.562500000e-02, s20;
	s23 =	spop (v2sf);
	v41 =	vsub.f32 v44, v28;
	v42, _, _ =	vpop (xrf2);
	v44 =	vsub.f32 v47, v28;
	[tilespmem:$0x1FD00] =	vst v29  }
0x1b6: {  	v33 =	vld [tilespmem:$0x1FFC0];
	s24 =	smul.f32 $1.562500000e-02, s23;
	v31 =	vmov s7;
	[tilespmem:$0x1FD40] =	vst v3;
	(v2sf) =	vpush v42, $0xF;
	v43 =	vsub.f32 v46, v28  }
0x1b7: {  	v15 =	vld [tilespmem:$0x1FDD0];
	v39 =	vmul.f32 s28, v24;
	s26 =	spop (v2sf);
	s9 =	smul.f32 $1.562500000e-02, s17;
	v46 =	vsub.f32 v48, v31;
	v48, _, _ =	vpop (xrf2);
	v0 =	vadd.f32 v25, v7;
	[tilespmem:$0x1FD10] =	vst v30  }
0x1b8: {  	s18 =	sadd.s32 $0x200, s30;
	v22 =	vmul.f32 s28, v27;
	s28 =	smul.f32 $1.562500000e-02, s26;
	v45 =	vld [tilespmem:$0x1FDE0];
	v47 =	vsub.f32 v49, v31;
	[tilespmem:$0x1FD20] =	vst v1;
	(v2sf) =	vpush v48, $0xF  }
0x1b9: {  	s8 =	smul.f32 s24, s24;
	v49 =	vld [tilespmem:$0x1FDF0];
	v50 =	vsub.f32 v50, v31;
	[tilespmem:s18+$0xF0] =	vst v0;
	v0 =	vsub.f32 v51, v31;
	v31, _, _ =	vpop (xrf2)  }
0x1ba: {  	s10 =	smul.f32 $1.562500000e-02, s19;
	v28 =	vld [tilespmem:$0x1FE00];
	[tilespmem:$0x1FD30] =	vst v41;
	v1 =	vmov s9;
	(v2sf) =	vpush v31, $0xF  }
0x1bb: {  	v24 =	vmov s21;
	s2 =	smul.f32 s2, s2;
	[tilespmem:$0x1FD50] =	vst v43;
	v27 =	vsub.f32 v52, v1;
	v29 =	vsub.f32 v53, v1;
	v43 =	vld [tilespmem:$0x1FE60]  }
0x1bc: {  	s6 =	smul.f32 s6, s6;
	v3 =	vmov s10;
	[tilespmem:$0x1FD60] =	vst v44;
	v30 =	vsub.f32 v54, v1;
	v1 =	vsub.f32 v55, v1;
	v52 =	vld [tilespmem:$0x1FF00]  }
0x1bd: {  	v15 =	vmul.f32 s1, v15;
	s22 =	smul.f32 s9, s9;
	[tilespmem:$0x1FD90] =	vst v50;
	v50 =	vsub.f32 v61, v24;
	v44 =	vsub.f32 v56, v3;
	v54 =	vld [tilespmem:$0x1FF20];
	v48, _, _ =	vpop (xrf2)  }
0x1be: {  	s30 =	spop (v2sf);
	s25 =	smul.f32 s10, s10;
	v41 =	vmul.f32 s1, v45;
	v45 =	vld [tilespmem:$0x1FE70];
	[tilespmem:$0x1FE00] =	vst v1;
	v1 =	vmov s24;
	(v2sf) =	vpush v48, $0xF  }
0x1bf: {  	v22 =	vmul.f32 v22, v35;
	[tilespmem:$0x1FD80] =	vst v47;
	s10 =	smul.f32 $1.562500000e-02, s30;
	v56 =	vsub.f32 v9, v1;
	v9 =	vsub.f32 v11, v1;
	v11 =	vld [tilespmem:$0x1FC80]  }
0x1c0: {  	v15 =	vmul.f32 v15, v32;
	s7 =	smul.f32 s7, s7;
	s2 =	ssub.f32 s28, s2;
	[tilespmem:$0x1FD70] =	vst v46;
	v8 =	vsub.f32 v8, v1;
	v1 =	vsub.f32 v10, v1;
	v10 =	vld [tilespmem:$0x1FC90]  }
0x1c1: {  	s9 =	smul.f32 s21, s21;
	v46 =	vsub.f32 v57, v3;
	v47 =	vsub.f32 v59, v3;
	s6 =	ssub.f32 s10, s6;
	v40 =	vmul.f32 s1, v49;
	[tilespmem:$0x1FDD0] =	vst v27;
	v49 =	vld [tilespmem:$0x1FC70]  }
0x1c2: {  	[dreg:$0x6] =	wrdreg s18;
	v18 =	vmul.f32 v18, v33;
	s2 =	smul.f32 $1.015873070e+00, s2;
	v59 =	vsub.f32 v58, v3;
	v3 =	vsub.f32 v60, v24;
	[tilespmem:$0x1FDE0] =	vst v29  }
0x1c3: {  	v53 =	vsub.f32 v63, v24;
	[tilespmem:$0x1FDF0] =	vst v30;
	v42 =	vmul.f32 s1, v28;
	s6 =	smul.f32 $1.015873070e+00, s6;
	v29 =	vmul.f32 s3, v52;
	s12 =	spop (v2sf)  }
0x1c4: {  	v51 =	vsub.f32 v62, v24;
	[tilespmem:$0x1FDA0] =	vst v0;
	s1 =	smax.f32 s2, $1.000000000e-30;
	v24 =	vmul.f32 s3, v54;
	v0 =	vmul.f32 s5, v45;
	s14 =	smul.f32 $1.562500000e-02, s12  }
0x1c5: {  	[tilespmem:$0x1FE60] =	vst v44;
	v45 =	vmul.f32 s3, v11;
	v57 =	vmul.f32 s3, v10;
	s3 =	smax.f32 s6, $1.000000000e-30;
	s16 =	spop (v2sf)  }
0x1c6: {  	[tilespmem:$0x1FE70] =	vst v46;
	v60 =	vmovc v47;
	v55 =	vmov v3;
	v47 =	vld [tilespmem:$0x1FF70];
	v43 =	vmul.f32 s5, v43;
	v25 =	vmul.f32 s5, v49;
	s2 =	ssub.f32 s14, s7;
	s5 =	smul.f32 $1.562500000e-02, s16  }
0x1c7: {  	v16 =	vmul.f32 v16, v35;
	v14 =	vmul.f32 v14, v34;
	[tilespmem:$0x1FF00] =	vst v55;
	s19 =	spop (v2sf);
	s16 =	smul.f32 $5.000000000e-01, s3  }
0x1c8: {  	v63 =	vmovc v51;
	v51 =	vmul.f32 v39, v33;
	v46 =	vmovc v8;
	v8 =	vld [tilespmem:$0x1FF80];
	v3 =	vmov v9;
	v52 =	vmul.f32 v40, v34;
	s2 =	smul.f32 $1.015873070e+00, s2;
	s18 =	ssub.f32 s5, s22  }
0x1c9: {  	v13 =	vadd.f32 v14, v6;
	[tilespmem:$0x1FF80] =	vst v3;
	v3 =	vmul.f32 s4, v23;
	v48 =	vmul.f32 s4, v20;
	v11 =	vmovc v50;
	v10 =	vld [tilespmem:$0x1FF60];
	s20 =	smul.f32 $1.562500000e-02, s19;
	s22 =	spop (v2sf)  }
0x1ca: {  	v55 =	vadd.f32 v22, v7;
	v49 =	vmul.f32 s4, v21;
	[tilespmem:$0x1FF20] =	vst v11;
	v11 =	vmul.f32 v37, v33;
	s12 =	smax.f32 s2, $1.000000000e-30;
	s4 =	smul.f32 $1.015873070e+00, s18  }
0x1cb: {  	v61 =	vmov v53;
	[tilespmem:s31+$0xFFFFFFA0] =	vst v13;
	s15 =	sshrl.u32 s1, $0x1;
	v9 =	vld [tilespmem:$0x1FCA0];
	v53 =	vmul.f32 v42, v35;
	v2 =	vmul.f32 s13, v47;
	s2 =	ssub.f32 s20, s25;
	s24 =	smul.f32 $1.562500000e-02, s22  }
0x1cc: {  	s10 =	ssub.s32 $0x5F3759DF, s15;
	[tilespmem:s31+$0xFFFFFF70] =	vst v55;
	v54 =	vmul.f32 v43, v32;
	v50 =	vmul.f32 v38, v32;
	v11 =	vadd.f32 v11, v5;
	s15 =	smul.f32 $5.000000000e-01, s12  }
0x1cd: {  	v14 =	vadd.f32 v52, v6;
	[tilespmem:$0x1FF60] =	vst v46;
	v39 =	vmul.f32 v3, v32;
	v38 =	vmul.f32 v2, v33;
	s2 =	smul.f32 $1.015873070e+00, s2;
	s26 =	spop (v2sf)  }
0x1ce: {  	v58 =	vmul.f32 s13, v10;
	v10 =	vmovc v56;
	[tilespmem:s31+$0xFFFFFF10] =	vst v11;
	v11 =	vadd.f32 v16, v7;
	v16 =	vmul.f32 v19, v35;
	s14 =	smax.f32 s4, $1.000000000e-30;
	s28 =	smul.f32 $1.562500000e-02, s26  }
0x1cf: {  	v8 =	vmul.f32 s13, v8;
	v56 =	vadd.f32 v18, v5;
	[tilespmem:$0x1FF70] =	vst v10;
	v10 =	vmul.f32 v12, v32;
	s4 =	ssub.f32 s24, s9;
	s24 =	smul.f32 $5.000000000e-01, s1  }
0x1d0: {  	v62 =	vmovc v1;
	v9 =	vmul.f32 s13, v9;
	v37 =	vmul.f32 v57, v35;
	[tilespmem:s31+$0xFFFFFF30] =	vst v11;
	v57 =	vadd.f32 v16, v7;
	s13 =	smax.f32 s2, $1.000000000e-30;
	s2 =	ssub.f32 s28, s8  }
0x1d1: {  	s0 =	sadd.s32 $0x200, s0;
	s17 =	sshrl.u32 s3, $0x1;
	v40 =	vmul.f32 v49, v34;
	v12 =	vmul.f32 v36, v34;
	[tilespmem:s31+$0xFFFFFF90] =	vst v56;
	v10 =	vadd.f32 v10, v4;
	s4 =	smul.f32 $1.015873070e+00, s4  }
0x1d2: {  	v13 =	vadd.f32 v54, v4;
	s23 =	ssub.s32 $0x5F3759DF, s17;
	v42 =	vmul.f32 v58, v32;
	v58 =	vadd.f32 v15, v4;
	[tilespmem:s31+$0xFFFFFFB0] =	vst v57;
	s21 =	sshrl.u32 s12, $0x1;
	s2 =	smul.f32 $1.015873070e+00, s2  }
.Ltmp0:
0x1d3: {  	v44 =	vmul.f32 v45, v34;
	v43 =	vmul.f32 v8, v34;
	[tilespmem:s31+$0xFFFFFF00] =	vst v10;
	v10 =	vadd.f32 v12, v6;
	s11 =	ssub.s32 $0x5F3759DF, s21;
	s25 =	sshrl.u32 s14, $0x1;
	(pc) =	sbr.rel @p1 .LBB2_3-.Ltmp0, $4  }
0x1d4: {  	v9 =	vmul.f32 v9, v35;
	v19 =	vmul.f32 v41, v33;
	[tilespmem:s31+$0xFFFFFFC0] =	vst v58;
	v12 =	vadd.f32 v51, v5;
	s19 =	smul.f32 $5.000000000e-01, s14;
	s17 =	ssub.s32 $0x5F3759DF, s25;
	s30 =	sshrl.u32 s13, $0x1  }
0x1d5: {  	v8 =	vmul.f32 v48, v33;
	v41 =	vmul.f32 v29, v32;
	[tilespmem:s31+$0xFFFFFF20] =	vst v10;
	v10 =	vadd.f32 v50, v4;
	s22 =	ssub.s32 $0x5F3759DF, s30;
	s8 =	smax.f32 s4, $1.000000000e-30;
	s9 =	smax.f32 s2, $1.000000000e-30  }
0x1d6: {  	v36 =	vmul.f32 v24, v33;
	v11 =	vmul.f32 v0, v33;
	v16 =	vadd.f32 v19, v5;
	[tilespmem:s31+$0xFFFFFF50] =	vst v12;
	s4 =	sshrl.u32 s8, $0x1;
	s5 =	smul.f32 $5.000000000e-01, s8;
	s2 =	sshrl.u32 s9, $0x1  }
0x1d7: {  	v15 =	vadd.f32 v53, v7;
	v12 =	vmul.f32 v26, v34;
	[tilespmem:s31+$0xFFFFFF40] =	vst v10;
	v10 =	vmul.f32 v25, v35;
	s21 =	ssub.s32 $0x5F3759DF, s4;
	s4 =	smul.f32 $5.000000000e-01, s13;
	s18 =	ssub.s32 $0x5F3759DF, s2  }
0x1d8: {  	s0 =	smul.f32 s10, s24  }
0x1d9: {  	s2 =	smul.f32 s23, s16  }
0x1da: {  	s6 =	smul.f32 s11, s15  }
0x1db: {  	s7 =	smul.f32 s17, s19  }
0x1dc: {  	s29 =	smul.f32 s21, s5  }
0x1dd: {  	s30 =	smul.f32 $5.000000000e-01, s9  }
0x1de: {  	s28 =	smul.f32 s22, s4  }
0x1df: {  	s0 =	smul.f32 s10, s0  }
0x1e0: {  	s2 =	smul.f32 s23, s2  }
0x1e1: {  	s6 =	smul.f32 s11, s6  }
0x1e2: {  	s20 =	smul.f32 s18, s30  }
0x1e3: {  	s7 =	smul.f32 s17, s7;
	s0 =	ssub.f32 $1.500000000e+00, s0  }
0x1e4: {  	s2 =	ssub.f32 $1.500000000e+00, s2;
	s20 =	smul.f32 s18, s20  }
0x1e5: {  	s6 =	ssub.f32 $1.500000000e+00, s6;
	s0 =	smul.f32 s10, s0  }
0x1e6: {  	s2 =	smul.f32 s23, s2  }
0x1e7: {  	s6 =	smul.f32 s11, s6  }
0x1e8: {  	s7 =	ssub.f32 $1.500000000e+00, s7;
	s10 =	smul.f32 s22, s28  }
0x1e9: {  	s11 =	smul.f32 s21, s29  }
0x1ea: {  	s7 =	smul.f32 s17, s7;
	s20 =	ssub.f32 $1.500000000e+00, s20  }
0x1eb: {  	s23 =	smul.f32 s2, s16  }
0x1ec: {  	s10 =	ssub.f32 $1.500000000e+00, s10;
	s25 =	smul.f32 s18, s20  }
0x1ed: {  	s11 =	ssub.f32 $1.500000000e+00, s11;
	s26 =	smul.f32 s7, s19  }
0x1ee: {  	s10 =	smul.f32 s22, s10  }
0x1ef: {  	s11 =	smul.f32 s21, s11  }
0x1f0: {  	s22 =	smul.f32 s0, s24  }
0x1f1: {  	s24 =	smul.f32 s6, s15  }
0x1f2: {  	s16 =	smul.f32 s23, s2  }
0x1f3: {  	s30 =	smul.f32 s25, s30  }
0x1f4: {  	s21 =	smul.f32 s22, s0  }
0x1f5: {  	s15 =	smul.f32 s24, s6  }
0x1f6: {  	s28 =	smul.f32 s10, s4;
	s21 =	ssub.f32 $1.500000000e+00, s21  }
0x1f7: {  	s16 =	ssub.f32 $1.500000000e+00, s16;
	s17 =	smul.f32 s30, s25  }
0x1f8: {  	s0 =	smul.f32 s21, s0  }
0x1f9: {  	[tilespmem:s31+$0xFFFFFFD0] =	vst v16;
	s15 =	ssub.f32 $1.500000000e+00, s15;
	s2 =	smul.f32 s16, s2  }
0x1fa: {  	[tilespmem:s31+$0xFFFFFFE0] =	vst v14;
	s0 =	smul.f32 s0, s1  }
0x1fb: {  	v0 =	vadd.f32 v11, v5;
	[tilespmem:s31+$0x0] =	vst v13;
	s19 =	ssub.f32 $1.500000000e+00, s17;
	s6 =	smul.f32 s15, s6  }
0x1fc: {  	v27 =	vadd.f32 v41, v4;
	[tilespmem:s31+$0xFFFFFFF0] =	vst v15;
	s15 =	smul.f32 s26, s7;
	s21 =	sadd.f32 $9.999999970e-07, s0  }
0x1fd: {  	v28 =	vadd.f32 v36, v5;
	[tilespmem:s31+$0x10] =	vst v0;
	s4 =	smul.f32 s28, s10  }
0x1fe: {  	v29 =	vadd.f32 v44, v6;
	[tilespmem:s31+$0x40] =	vst v27;
	s20 =	smul.f32 s19, s25;
	s15 =	ssub.f32 $1.500000000e+00, s15;
	s24 =	ssub.s32 $0x7EF311C3, s21  }
0x1ff: {  	v30 =	vadd.f32 v37, v7;
	[tilespmem:s31+$0x50] =	vst v28;
	s25 =	smul.f32 s24, s21  }
0x200: {  	v31 =	vadd.f32 v42, v4;
	[tilespmem:s31+$0x60] =	vst v29;
	s7 =	smul.f32 s15, s7  }
0x201: {  	v36 =	vadd.f32 v38, v5;
	[tilespmem:s31+$0x70] =	vst v30;
	s2 =	smul.f32 s2, s3;
	s28 =	ssub.f32 $2.000000000e+00, s25  }
0x202: {  	v1 =	vadd.f32 v12, v6;
	[tilespmem:s31+$0x80] =	vst v31;
	s23 =	smul.f32 s7, s14  }
0x203: {  	v2 =	vadd.f32 v10, v7;
	[tilespmem:s31+$0x90] =	vst v36;
	s7 =	smul.f32 s24, s28  }
0x204: {  	v37 =	vadd.f32 v43, v6;
	[tilespmem:s31+$0x20] =	vst v1;
	s29 =	smul.f32 s11, s5;
	s2 =	sadd.f32 $9.999999970e-07, s2  }
0x205: {  	v38 =	vadd.f32 v9, v7;
	[tilespmem:s31+$0x30] =	vst v2;
	s3 =	smul.f32 s7, s21  }
0x206: {  	v2 =	vld [tilespmem:$0x1FCF0];
	[tilespmem:s31+$0xA0] =	vst v37;
	s5 =	smul.f32 s29, s11;
	s26 =	ssub.s32 $0x7EF311C3, s2  }
0x207: {  	v0 =	vld [tilespmem:$0x1FD00];
	[tilespmem:s31+$0xB0] =	vst v38;
	s29 =	smul.f32 s26, s2;
	s3 =	ssub.f32 $2.000000000e+00, s3  }
0x208: {  	s17 =	rddreg [dreg:$0x6];
	s30 =	smul.f32 s20, s9  }
0x209: {  	v3 =	vadd.f32 v39, v4;
	v39 =	vadd.f32 v8, v5;
	v8 =	vld [tilespmem:$0x1FD10];
	s9 =	ssub.f32 $2.000000000e+00, s29;
	s3 =	smul.f32 s3, s7  }
0x20a: {  	s4 =	ssub.f32 $1.500000000e+00, s4;
	s22 =	smul.f32 s6, s12  }
0x20b: {  	[tilespmem:s17+$0xC0] =	vst v3;
	s5 =	ssub.f32 $1.500000000e+00, s5;
	s1 =	smul.f32 s26, s9;
	v2 =	vmul.f32 s3, v2  }
0x20c: {  	v41 =	vadd.f32 v40, v6;
	v3 =	vld [tilespmem:$0x1FD20];
	s4 =	smul.f32 s4, s10;
	s12 =	sadd.f32 $9.999999970e-07, s22  }
0x20d: {  	[tilespmem:s17+$0xD0] =	vst v39;
	s2 =	smul.f32 s1, s2;
	v2 =	vmul.f32 v2, v32  }
0x20e: {  	v1 =	vld [tilespmem:$0x1FD30];
	[tilespmem:s17+$0xE0] =	vst v41;
	s5 =	smul.f32 s5, s11;
	s10 =	ssub.s32 $0x7EF311C3, s12;
	v8 =	vmul.f32 s3, v8  }
0x20f: {  	v9 =	vld [tilespmem:$0x1FD40];
	s11 =	smul.f32 s10, s12;
	s2 =	ssub.f32 $2.000000000e+00, s2;
	v0 =	vmul.f32 s3, v0;
	v2 =	vadd.f32 v2, v4  }
0x210: {  	s4 =	smul.f32 s4, s13;
	s6 =	sadd.f32 $9.999999970e-07, s23;
	v8 =	vmul.f32 v8, v34  }
0x211: {  	v42 =	vld [tilespmem:$0x1FD50];
	s9 =	ssub.f32 $2.000000000e+00, s11;
	s1 =	smul.f32 s2, s1;
	v3 =	vmul.f32 s3, v3;
	v0 =	vmul.f32 v0, v33;
	[tilespmem:s17+$0xFFFFFF00] =	vst v2  }
0x212: {  	s5 =	smul.f32 s5, s8;
	v43 =	vadd.f32 v8, v6;
	v8 =	vld [tilespmem:$0x1FD60]  }
0x213: {  	s13 =	ssub.s32 $0x7EF311C3, s6;
	s8 =	smul.f32 s10, s9;
	v1 =	vmul.f32 s1, v1;
	v3 =	vmul.f32 v3, v35;
	v0 =	vadd.f32 v0, v5  }
0x214: {  	s14 =	smul.f32 s13, s6;
	v9 =	vmul.f32 s1, v9  }
0x215: {  	s16 =	smul.f32 s8, s12;
	v1 =	vmul.f32 v1, v32;
	v44 =	vadd.f32 v3, v7;
	[tilespmem:s17+$0xFFFFFF10] =	vst v0  }
0x216: {  	s15 =	ssub.f32 $2.000000000e+00, s14;
	v9 =	vmul.f32 v9, v33;
	v3 =	vld [tilespmem:$0x1FD70];
	[tilespmem:s17+$0xFFFFFF20] =	vst v43  }
0x217: {  	s7 =	ssub.f32 $2.000000000e+00, s16;
	v1 =	vadd.f32 v1, v4;
	v2 =	vld [tilespmem:$0x1FD80];
	[tilespmem:s17+$0xFFFFFF30] =	vst v44;
	v8 =	vmul.f32 s1, v8  }
0x218: {  	s2 =	smul.f32 s13, s15;
	v45 =	vadd.f32 v9, v5;
	v46 =	vld [tilespmem:$0x1FD90]  }
0x219: {  	s4 =	sadd.f32 $9.999999970e-07, s4;
	v10 =	vmul.f32 s1, v42;
	s7 =	smul.f32 s7, s8;
	[tilespmem:s17+$0xFFFFFF40] =	vst v1;
	v8 =	vmul.f32 v8, v35  }
0x21a: {  	s6 =	smul.f32 s2, s6;
	v48 =	vld [tilespmem:$0x1FDA0];
	[tilespmem:s17+$0xFFFFFF50] =	vst v45  }
0x21b: {  	s18 =	ssub.s32 $0x7EF311C3, s4;
	v10 =	vmul.f32 v10, v34;
	v3 =	vmul.f32 s7, v3;
	v49 =	vadd.f32 v8, v7;
	v8 =	vld [tilespmem:$0x1FDD0]  }
0x21c: {  	s19 =	smul.f32 s18, s4;
	s6 =	ssub.f32 $2.000000000e+00, s6;
	v2 =	vmul.f32 s7, v2  }
0x21d: {  	v47 =	vadd.f32 v10, v6;
	v9 =	vmul.f32 s7, v46;
	v3 =	vmul.f32 v3, v32  }
0x21e: {  	s3 =	ssub.f32 $2.000000000e+00, s19;
	s2 =	smul.f32 s6, s2;
	v2 =	vmul.f32 v2, v33  }
0x21f: {  	[tilespmem:s17+$0xFFFFFF60] =	vst v47;
	v9 =	vmul.f32 v9, v34;
	v50 =	vadd.f32 v3, v4  }
0x220: {  	s3 =	smul.f32 s18, s3;
	v3 =	vld [tilespmem:$0x1FDE0];
	[tilespmem:s17+$0xFFFFFF70] =	vst v49;
	v51 =	vadd.f32 v2, v5;
	v8 =	vmul.f32 s2, v8  }
0x221: {  	v52 =	vld [tilespmem:$0x1FDF0];
	[tilespmem:s17+$0xFFFFFF80] =	vst v50;
	v53 =	vadd.f32 v9, v6  }
0x222: {  	s5 =	sadd.f32 $9.999999970e-07, s5;
	s4 =	smul.f32 s3, s4;
	v54 =	vld [tilespmem:$0x1FE00];
	[tilespmem:s17+$0xFFFFFF90] =	vst v51;
	v8 =	vmul.f32 v8, v32  }
0x223: {  	v10 =	vmul.f32 s7, v48;
	v56 =	vld [tilespmem:$0x1FE60];
	[tilespmem:s17+$0xFFFFFFA0] =	vst v53  }
0x224: {  	s20 =	ssub.s32 $0x7EF311C3, s5;
	s4 =	ssub.f32 $2.000000000e+00, s4;
	v57 =	vadd.f32 v8, v4;
	v8 =	vld [tilespmem:$0x1FE70]  }
0x225: {  	s0 =	sadd.f32 $9.999999970e-07, s30;
	s21 =	smul.f32 s20, s5;
	v10 =	vmul.f32 v10, v35;
	v3 =	vmul.f32 s2, v3  }
0x226: {  	s3 =	smul.f32 s4, s3;
	v2 =	vmul.f32 s2, v52  }
0x227: {  	s22 =	ssub.s32 $0x7EF311C3, s0;
	s1 =	ssub.f32 $2.000000000e+00, s21;
	v55 =	vadd.f32 v10, v7;
	v3 =	vmul.f32 v3, v33;
	v9 =	vmul.f32 s2, v54  }
0x228: {  	s23 =	smul.f32 s22, s0;
	v10 =	vmul.f32 s3, v56;
	v2 =	vmul.f32 v2, v34  }
0x229: {  	s1 =	smul.f32 s20, s1;
	[tilespmem:s17+$0xFFFFFFB0] =	vst v55;
	v58 =	vadd.f32 v3, v5;
	v9 =	vmul.f32 v9, v35;
	v8 =	vmul.f32 s3, v8  }
0x22a: {  	s24 =	ssub.f32 $2.000000000e+00, s23;
	v3 =	vmul.f32 s3, v59;
	[tilespmem:s17+$0xFFFFFFC0] =	vst v57;
	v10 =	vmul.f32 v10, v32;
	v2 =	vadd.f32 v2, v6  }
0x22b: {  	s5 =	smul.f32 s1, s5;
	[tilespmem:s17+$0xFFFFFFD0] =	vst v58;
	v9 =	vadd.f32 v9, v7;
	v8 =	vmul.f32 v8, v33  }
0x22c: {  	s4 =	smul.f32 s22, s24;
	v3 =	vmul.f32 v3, v34;
	v0 =	vld [tilespmem:$0x1FF00];
	v10 =	vadd.f32 v10, v4;
	[tilespmem:s17+$0xFFFFFFE0] =	vst v2  }
0x22d: {  	s25 =	ssub.f32 $2.000000000e+00, s5;
	v2 =	vld [tilespmem:$0x1FF20];
	[tilespmem:s17+$0xFFFFFFF0] =	vst v9;
	v8 =	vadd.f32 v8, v5  }
0x22e: {  	s0 =	smul.f32 s4, s0;
	v59 =	vmul.f32 s3, v60;
	v3 =	vadd.f32 v3, v6;
	[tilespmem:s17+$0x0] =	vst v10  }
0x22f: {  	s1 =	smul.f32 s25, s1;
	[tilespmem:s17+$0x10] =	vst v8  }
0x230: {  	v1 =	vmul.f32 v59, v35;
	v8 =	vld [tilespmem:$0x1FF60];
	[tilespmem:s17+$0x20] =	vst v3  }
0x231: {  	s0 =	ssub.f32 $2.000000000e+00, s0;
	v60 =	vmul.f32 s1, v63;
	v3 =	vld [tilespmem:$0x1FF70]  }
0x232: {  	v61 =	vmul.f32 s1, v61;
	v1 =	vadd.f32 v1, v7  }
0x233: {  	s0 =	smul.f32 s0, s4;
	v9 =	vmul.f32 v60, v34;
	v0 =	vmul.f32 s1, v0  }
0x234: {  	v10 =	vmul.f32 v61, v35;
	v2 =	vmul.f32 s1, v2;
	[tilespmem:s17+$0x30] =	vst v1  }
0x235: {  	v9 =	vadd.f32 v9, v6;
	v0 =	vmul.f32 v0, v32;
	v1 =	vld [tilespmem:$0x1FF80];
	v8 =	vmul.f32 s0, v8  }
0x236: {  	v10 =	vadd.f32 v10, v7;
	v2 =	vmul.f32 v2, v33;
	v3 =	vmul.f32 s0, v3  }
0x237: {  	v0 =	vadd.f32 v0, v4;
	[tilespmem:s17+$0x60] =	vst v9;
	v8 =	vmul.f32 v8, v32  }
0x238: {  	[tilespmem:s17+$0x70] =	vst v10;
	v2 =	vadd.f32 v2, v5;
	v3 =	vmul.f32 v3, v33  }
0x239: {  	[tilespmem:s17+$0x40] =	vst v0;
	v63 =	vadd.f32 v8, v4  }
0x23a: {  	[tilespmem:s17+$0x50] =	vst v2;
	v1 =	vmul.f32 s0, v1;
	v3 =	vadd.f32 v3, v5  }
0x23b: {  	v62 =	vmul.f32 s0, v62;
	[tilespmem:s17+$0x80] =	vst v63  }
0x23c: {  	v1 =	vmul.f32 v1, v34;
	[tilespmem:s17+$0x90] =	vst v3  }
0x23d: {  	v0 =	vmul.f32 v62, v35;
	s26 =	rddreg [dreg:$0xb]  }
0x23e: {  	v1 =	vadd.f32 v1, v6;
	s28 =	rddreg [dreg:$0x13]  }
0x23f: {  	v0 =	vadd.f32 v0, v7;
	s0 =	sadd.s32 s26, s28  }
0x240: {  	s29 =	rddreg [dreg:$0x3];
	[tilespmem:s17+$0xA0] =	vst v1;
	s0 =	sshll.u32 s0, $0x3  }
0x241: {  	s31 =	simm.s32 $0xFA80;
	s30 =	simm.s32 $0x0;
	[tilespmem:s17+$0xB0] =	vst v0;
	s0 =	sadd.s32 s29, s0  }
0x242: {  	[hbm4b:s0+s30] =	stream.linear.scatter [tilespmem:s31], [sflag:$0x3], $0x3200, $0x38;
	[tilespmem:$0x15E80] =	vst v63  }
0x243: {  	s0 =	rddreg [dreg:$0x11]  }
0x244: {  	p1 =	sne.s32 s0, $0x3F  }
.Ltmp1:
0x245: {  	_ = 	snop;
	(pc) =	sbr.rel @p1 .LBB2_6-.Ltmp1, $1  }
0x246: {  	_ =	sdelay $0x3  }
.Ltmp2:
0x247: {  	(pc) =	sbr.rel .LBB2_7-.Ltmp2, $4  }
0x248: {  	s0 =	simm.s32 $0x2  }
0x249: {  	_ =	swait.ge [sflag:s0], $0x3200  }
0x24a: {  	[sflag:s0] =	ssyncset.done $0x0  }
0x24b: {  	[sflag:s0] =	ssyncadd.s32 $0xFFFFCE00  }
.LBB2_6:
0x24c: {  	s0 =	smul.u32 $0x640, s0  }
0x24d: {  	s1 =	rddreg [dreg:$0xc]  }
0x24e: {  	s2 =	simm.s32 $0xC8;
	s3 =	simm.s32 $0x9680;
	s0 =	sshra.s32 s0, $0x2  }
.Ltmp3:
0x24f: {  	s31 =	simm.s32 $0x2;
	s0 =	sadd.s32 $0x190, s0;
	(pc) =	sbr.rel @p0 .LBB2_8-.Ltmp3, $4  }
0x250: {  	[tilespmem:s3], [sflag:$0x1] =	stream.indirect.gather [hbm4b:s1+s2], $0x40, s0, s2, $0xb8;
	[tilespmem:$0x15E80] =	vst v63  }
0x251: {  	_ =	swait.ge [sflag:s31], $0x3200  }
0x252: {  	[sflag:s31] =	ssyncset.done $0x0  }
0x253: {  	[sflag:s31] =	ssyncadd.s32 $0xFFFFCE00  }
.LBB2_7:
0x254: {  	s0 =	simm.s32 $0x4  }
0x255: {  	_ =	swait.ge [sflag:s0], $0x3200  }
0x256: {  	[sflag:s0] =	ssyncset.done $0x0  }
0x257: {  	[sflag:s0] =	ssyncadd.s32 $0xFFFFCE00  }
.LBB2_8:
0x258: {  	s0 =	simm.s32 $0x6500  }
0x259: {  	v0 =	vld [tilespmem:s0+$0xC0]  }
0x25a: {  	s1 =	simm.s32 $0xC980;
	v1 =	vld [tilespmem:s0+$0xD0]  }
0x25b: {  	v2 =	vld [tilespmem:s1+$0xC0]  }
0x25c: {  	v3 =	vld [tilespmem:s1+$0xD0]  }
0x25d: {  	v8 =	vld [tilespmem:s1+$0xE0]  }
0x25e: {  	v9 =	vld [tilespmem:s1+$0xF0]  }
0x25f: {  	v10 =	vld [tilespmem:s0+$0xE0]  }
0x260: {  	v11 =	vld [tilespmem:s0+$0xF0]  }
0x261: {  	v12 =	vld [tilespmem:s1+$0xFFFFFF10];
	v2 =	vmul.f32 $8.000000000e+00, v2  }
0x262: {  	v13 =	vld [tilespmem:s1+$0xFFFFFF20];
	v3 =	vmul.f32 $8.000000000e+00, v3;
	v8 =	vmul.f32 $8.000000000e+00, v8  }
0x263: {  	v14 =	vld [tilespmem:s1+$0xFFFFFF30];
	v9 =	vmul.f32 $8.000000000e+00, v9;
	v63 =	vadd.f32 v0, v2  }
0x264: {  	v15 =	vld [tilespmem:s1+$0xFFFFFF40];
	v62 =	vadd.f32 v1, v3;
	v61 =	vadd.f32 v10, v8  }
0x265: {  	v16 =	vld [tilespmem:s1+$0xFFFFFF50];
	v19 =	vadd.f32 v11, v9;
	v2 =	vmul.f32 v63, v63  }
0x266: {  	v46 =	vld [tilespmem:s1+$0xFFFFFF60];
	v3 =	vmul.f32 v62, v62;
	v9 =	vmul.f32 v61, v61  }
0x267: {  	v47 =	vld [tilespmem:s1+$0xFFFFFF70];
	v10 =	vmul.f32 v19, v19;
	v17 =	vadd.f32 v62, v63;
	v20 =	vadd.f32 v19, v61  }
0x268: {  	v21 =	vld [tilespmem:s1+$0xFFFFFFA0];
	v2 =	vadd.f32 v3, v2  }
0x269: {  	v22 =	vld [tilespmem:s1+$0xFFFFFFC0];
	v3 =	vadd.f32 v10, v9;
	v10 =	vadd.f32 v20, v17  }
0x26a: {  	v56 =	vld [tilespmem:s1+$0xFFFFFFF0]  }
0x26b: {  	v23 =	vld [tilespmem:s1+$0x0];
	(xrf2) =	vadd.scan.msk.f32 $0xffff, v10  }
0x26c: {  	v24 =	vld [tilespmem:s1+$0x10]  }
0x26d: {  	v25 =	vld [tilespmem:s1+$0x20]  }
0x26e: {  	v27 =	vld [tilespmem:s1+$0x30]  }
0x26f: {  	v28 =	vld [tilespmem:s1+$0x40]  }
0x270: {  	v31 =	vld [tilespmem:s1+$0x50];
	v2 =	vadd.f32 v3, v2  }
0x271: {  	v36 =	vld [tilespmem:s1+$0x60]  }
0x272: {  	v42 =	vld [tilespmem:s1+$0x70];
	(xrf2) =	vadd.scan.msk.f32 $0xffff, v2  }
0x273: {  	v48 =	vld [tilespmem:s1+$0x80]  }
0x274: {  	v49 =	vld [tilespmem:s1+$0x90]  }
0x275: {  	v51 =	vld [tilespmem:s1+$0xA0];
	v17, _, _ =	vpop (xrf2)  }
0x276: {  	v53 =	vld [tilespmem:s1+$0xB0];
	(v2sf) =	vpush v17, $0xF  }
0x277: {  	v57 =	vld [tilespmem:s0+$0xFFFFFF00]  }
0x278: {  	v29 =	vld [tilespmem:s0+$0xFFFFFF10]  }
0x279: {  	v30 =	vld [tilespmem:s0+$0xFFFFFF20]  }
0x27a: {  	v32 =	vld [tilespmem:s0+$0xFFFFFF30]  }
0x27b: {  	v33 =	vld [tilespmem:s0+$0xFFFFFF40]  }
0x27c: {  	v34 =	vld [tilespmem:s0+$0xFFFFFF50];
	v17, _, _ =	vpop (xrf2)  }
0x27d: {  	v35 =	vld [tilespmem:s0+$0xFFFFFF60];
	(v2sf) =	vpush v17, $0xF  }
0x27e: {  	v37 =	vld [tilespmem:s0+$0xFFFFFF70]  }
0x27f: {  	v40 =	vld [tilespmem:s0+$0xFFFFFF80]  }
0x280: {  	v8 =	vld [tilespmem:s1+$0xFFFFFF80]  }
0x281: {  	v12 =	vmul.f32 $8.000000000e+00, v12;
	v17 =	vld [tilespmem:s1+$0xFFFFFF00]  }
0x282: {  	v11 =	vld [tilespmem:s1+$0xFFFFFF90]  }
0x283: {  	v50 =	vadd.f32 v29, v12;
	v12 =	vld [tilespmem:s0+$0xFFFFFFA0]  }
0x284: {  	v13 =	vmul.f32 $8.000000000e+00, v13;
	v39 =	vmul.f32 $8.000000000e+00, v14;
	v9 =	vld [tilespmem:s1+$0xFFFFFFB0]  }
0x285: {  	v15 =	vmul.f32 $8.000000000e+00, v15;
	v16 =	vmul.f32 $8.000000000e+00, v16;
	v3 =	vld [tilespmem:s1+$0xFFFFFFD0];
	s6 =	spop (v2sf)  }
0x286: {  	v59 =	vmul.f32 $8.000000000e+00, v21;
	v10 =	vld [tilespmem:s1+$0xFFFFFFE0];
	v14 =	vmul.f32 $8.000000000e+00, v17;
	s1 =	smul.f32 $1.562500000e-02, s6  }
0x287: {  	v43 =	vld [tilespmem:s0+$0xFFFFFF90];
	v0 =	vmul.f32 $8.000000000e+00, v46;
	v1 =	vmul.f32 $8.000000000e+00, v47;
	v39 =	vadd.f32 v32, v39  }
0x288: {  	v22 =	vmul.f32 $8.000000000e+00, v22;
	v38 =	vadd.f32 v57, v14;
	v14 =	vadd.f32 v30, v13;
	v13 =	vld [tilespmem:s0+$0xFFFFFFB0];
	[dreg:$0x16] =	wrdreg s1  }
0x289: {  	v24 =	vmul.f32 $8.000000000e+00, v24;
	v18 =	vadd.f32 v35, v0;
	v21 =	vadd.f32 v37, v1;
	v58 =	vld [tilespmem:s0+$0xFFFFFFC0]  }
0x28a: {  	v55 =	vmul.f32 $8.000000000e+00, v27;
	v45 =	vadd.f32 v34, v16;
	v17 =	vadd.f32 v33, v15;
	v15 =	vld [tilespmem:s0+$0xFFFFFFD0]  }
0x28b: {  	v41 =	vadd.f32 v21, v18;
	v8 =	vmul.f32 $8.000000000e+00, v8;
	v46 =	vadd.f32 v12, v59;
	v60 =	vld [tilespmem:s0+$0xFFFFFFE0]  }
0x28c: {  	v11 =	vmul.f32 $8.000000000e+00, v11;
	v29 =	vadd.f32 v50, v38;
	v16 =	vadd.f32 v39, v14;
	s2 =	spop (v2sf);
	v37 =	vld [tilespmem:s0+$0xFFFFFFF0]  }
0x28d: {  	v47 =	vadd.f32 v40, v8;
	v9 =	vmul.f32 $8.000000000e+00, v9;
	v26 =	vadd.f32 v45, v17;
	s2 =	smul.f32 $1.562500000e-02, s2;
	v8 =	vld [tilespmem:s0+$0x0]  }
0x28e: {  	v3 =	vmul.f32 $8.000000000e+00, v3;
	v16 =	vadd.f32 v16, v29;
	v29 =	vadd.f32 v43, v11;
	s3 =	smul.f32 s1, s1;
	v11 =	vld [tilespmem:s0+$0x10]  }
0x28f: {  	v10 =	vmul.f32 $8.000000000e+00, v10;
	v1 =	vadd.f32 v41, v26;
	v30 =	vadd.f32 v13, v9;
	v9 =	vld [tilespmem:s0+$0x20]  }
0x290: {  	v2 =	vmul.f32 $8.000000000e+00, v56;
	v13 =	vadd.f32 v29, v47;
	v52 =	vld [tilespmem:s0+$0x30];
	s2 =	ssub.f32 s2, s3;
	v34 =	vadd.f32 v58, v22  }
0x291: {  	v12 =	vmul.f32 $8.000000000e+00, v23;
	v54 =	vld [tilespmem:s0+$0x50];
	v32 =	vadd.f32 v15, v3;
	v35 =	vadd.f32 v60, v10  }
0x292: {  	v57 =	vmul.f32 $8.000000000e+00, v28;
	v56 =	vld [tilespmem:s0+$0x60];
	s2 =	smul.f32 $1.015873070e+00, s2;
	v33 =	vadd.f32 v37, v2;
	v10 =	vadd.f32 v30, v46  }
0x293: {  	v3 =	vld [tilespmem:s0+$0x40];
	v15 =	vmul.f32 $8.000000000e+00, v25;
	v40 =	vadd.f32 v8, v12;
	v44 =	vadd.f32 v11, v24  }
0x294: {  	s2 =	smax.f32 s2, $1.000000000e-30;
	v12 =	vld [tilespmem:s0+$0x70];
	v58 =	vmul.f32 $8.000000000e+00, v31;
	v22 =	vadd.f32 v32, v34;
	v10 =	vadd.f32 v10, v13  }
0x295: {  	v11 =	vld [tilespmem:s0+$0x80];
	s7 =	sshrl.u32 s2, $0x1;
	s4 =	smul.f32 $5.000000000e-01, s2;
	v13 =	vmul.f32 $8.000000000e+00, v36;
	v37 =	vadd.f32 v9, v15;
	v36 =	vadd.f32 v52, v55  }
0x296: {  	v59 =	vld [tilespmem:s0+$0x90];
	v60 =	vmul.f32 $8.000000000e+00, v48;
	s3 =	ssub.s32 $0x5F3759DF, s7;
	v8 =	vadd.f32 v33, v35;
	v15 =	vadd.f32 v44, v40  }
0x297: {  	(xrf2) =	vadd.scan.msk.f32 $0xffff, v16;
	v31 =	vld [tilespmem:s0+$0xB0];
	v9 =	vmul.f32 $8.000000000e+00, v42;
	v48 =	vadd.f32 v54, v58;
	s5 =	smul.f32 s3, s4;
	v20 =	vadd.f32 v36, v37  }
0x298: {  	v52 =	vadd.f32 v56, v13;
	v43 =	vadd.f32 v3, v57;
	v3 =	vld [tilespmem:s0+$0xA0]  }
0x299: {  	v41 =	vmul.f32 $8.000000000e+00, v49;
	(xrf2) =	vadd.scan.msk.f32 $0xffff, v1;
	v8 =	vadd.f32 v8, v22;
	s5 =	smul.f32 s3, s5;
	v49 =	vadd.f32 v12, v9  }
0x29a: {  	(xrf2) =	vadd.scan.msk.f32 $0xffff, v10;
	v12 =	vmul.f32 $8.000000000e+00, v53;
	v55 =	vadd.f32 v11, v60;
	v10 =	vadd.f32 v20, v15  }
0x29b: {  	v9 =	vmul.f32 $8.000000000e+00, v51;
	s5 =	ssub.f32 $1.500000000e+00, s5;
	v42 =	vadd.f32 v48, v43;
	v11 =	vadd.f32 v49, v52  }
0x29c: {  	v58 =	vmul.f32 v38, v38;
	v56 =	vadd.f32 v59, v41;
	(xrf2) =	vadd.scan.msk.f32 $0xffff, v8;
	v54 =	vadd.f32 v31, v12  }
0x29d: {  	(xrf2) =	vadd.scan.msk.f32 $0xffff, v10;
	s8 =	smul.f32 s3, s5;
	v1 =	vadd.f32 v11, v42;
	v11 =	vmul.f32 v45, v45;
	v53 =	vadd.f32 v3, v9  }
0x29e: {  	v60 =	vmul.f32 v17, v17;
	v10 =	vmul.f32 v39, v39  }
0x29f: {  	v3 =	vadd.f32 v56, v55;
	v9 =	vmul.f32 v14, v14;
	s3 =	smul.f32 s8, s4;
	v8 =	vadd.f32 v54, v53  }
0x2a0: {  	v59 =	vmul.f32 v50, v50;
	v20 =	vmul.f32 v18, v18;
	(xrf2) =	vadd.scan.msk.f32 $0xffff, v1;
	v1 =	vadd.f32 v11, v60  }
0x2a1: {  	s3 =	smul.f32 s3, s8;
	v11, _, _ =	vpop (xrf2);
	v3 =	vadd.f32 v8, v3;
	v8 =	vadd.f32 v10, v9;
	v9 =	vmul.f32 v21, v21  }
0x2a2: {  	v0 =	vadd.f32 v59, v58;
	v10 =	vmul.f32 v47, v47;
	(v2sf) =	vpush v11, $0xF  }
0x2a3: {  	v12, _, _ =	vpop (xrf2);
	v11 =	vmul.f32 v30, v30;
	s3 =	ssub.f32 $1.500000000e+00, s3;
	(xrf2) =	vadd.scan.msk.f32 $0xffff, v3;
	v3 =	vmul.f32 v29, v29;
	v2 =	vadd.f32 v9, v20  }
0x2a4: {  	(v2sf) =	vpush v12, $0xF;
	v0 =	vadd.f32 v8, v0;
	v8 =	vmul.f32 v46, v46  }
0x2a5: {  	v24 =	vmul.f32 v35, v35;
	s0 =	smul.f32 s3, s8;
	v9, _, _ =	vpop (xrf2);
	v3 =	vadd.f32 v3, v10;
	v1 =	vadd.f32 v2, v1  }
0x2a6: {  	v22 =	vmul.f32 v34, v34;
	v8 =	vadd.f32 v11, v8;
	v10, _, _ =	vpop (xrf2);
	(xrf2) =	vadd.scan.msk.f32 $0xffff, v0;
	(v2sf) =	vpush v9, $0xF  }
0x2a7: {  	s0 =	smul.f32 s0, s2;
	v9 =	vmul.f32 v32, v32;
	(v2sf) =	vpush v10, $0xF;
	v23, _, _ =	vpop (xrf2);
	v10 =	vmul.f32 v33, v33  }
0x2a8: {  	(xrf2) =	vadd.scan.msk.f32 $0xffff, v1;
	v3 =	vadd.f32 v8, v3;
	(v2sf) =	vpush v23, $0xF  }
0x2a9: {  	v25 =	vmul.f32 v40, v40;
	s0 =	sadd.f32 $9.999999970e-07, s0;
	v0 =	vadd.f32 v9, v22;
	v2 =	vadd.f32 v10, v24  }
0x2aa: {  	v9 =	vmul.f32 v44, v44;
	v8, _, _ =	vpop (xrf2);
	v10 =	vmul.f32 v36, v36  }
0x2ab: {  	(xrf2) =	vadd.scan.msk.f32 $0xffff, v3;
	s9 =	ssub.s32 $0x7EF311C3, s0;
	(v2sf) =	vpush v8, $0xF;
	v8 =	vmul.f32 v37, v37;
	v0 =	vadd.f32 v2, v0  }
0x2ac: {  	v3 =	vmul.f32 v43, v43;
	s10 =	smul.f32 s9, s0  }
0x2ad: {  	v1 =	vadd.f32 v9, v25;
	v8 =	vadd.f32 v10, v8;
	(xrf2) =	vadd.scan.msk.f32 $0xffff, v0  }
0x2ae: {  	v9 =	vmul.f32 v48, v48;
	s3 =	ssub.f32 $2.000000000e+00, s10  }
0x2af: {  	v26, _, _ =	vpop (xrf2);
	v1 =	vadd.f32 v8, v1  }
0x2b0: {  	v28 =	vadd.f32 v9, v3;
	(v2sf) =	vpush v26, $0xF;
	s2 =	smul.f32 s9, s3;
	v3, _, _ =	vpop (xrf2)  }
0x2b1: {  	v27 =	vmul.f32 v52, v52;
	v10 =	vmul.f32 v49, v49;
	(xrf2) =	vadd.scan.msk.f32 $0xffff, v1;
	(v2sf) =	vpush v3, $0xF  }
0x2b2: {  	s11 =	spop (v2sf);
	s0 =	smul.f32 s2, s0;
	v41, _, _ =	vpop (xrf2)  }
0x2b3: {  	v2 =	vadd.f32 v10, v27;
	s19 =	smul.f32 $1.562500000e-02, s11;
	s12 =	spop (v2sf);
	(v2sf) =	vpush v41, $0xF  }
0x2b4: {  	v31 =	vmul.f32 v53, v53;
	v9 =	vmul.f32 v54, v54;
	s18 =	smul.f32 $1.562500000e-02, s12  }
0x2b5: {  	v8 =	vmul.f32 v56, v56;
	v0 =	vadd.f32 v2, v28;
	v3 =	vmul.f32 v55, v55;
	s0 =	ssub.f32 $2.000000000e+00, s0;
	v51, _, _ =	vpop (xrf2);
	s13 =	spop (v2sf)  }
0x2b6: {  	s20 =	smul.f32 s19, s19;
	s14 =	spop (v2sf);
	(v2sf) =	vpush v51, $0xF  }
0x2b7: {  	v1 =	vadd.f32 v9, v31;
	(xrf2) =	vadd.scan.msk.f32 $0xffff, v0;
	v42 =	vadd.f32 v8, v3;
	s21 =	smul.f32 s18, s18;
	v57, _, _ =	vpop (xrf2)  }
0x2b8: {  	s0 =	smul.f32 s0, s2;
	s17 =	spop (v2sf);
	(v2sf) =	vpush v57, $0xF  }
0x2b9: {  	v1 =	vadd.f32 v1, v42;
	s16 =	smul.f32 $1.562500000e-02, s13  }
0x2ba: {  	s15 =	smul.f32 $1.562500000e-02, s14  }
0x2bb: {  	(xrf2) =	vadd.scan.msk.f32 $0xffff, v1;
	s7 =	smul.f32 $1.562500000e-02, s17;
	v58, _, _ =	vpop (xrf2)  }
0x2bc: {  	s24 =	smul.f32 s16, s16;
	s22 =	spop (v2sf);
	(v2sf) =	vpush v58, $0xF  }
0x2bd: {  	s25 =	smul.f32 s15, s15  }
0x2be: {  	[dreg:$0x1b] =	wrdreg s7;
	s23 =	smul.f32 $1.562500000e-02, s22  }
0x2bf: {  	s29 =	smul.f32 s7, s7;
	s6 =	spop (v2sf)  }
0x2c0: {  	s7 =	smul.f32 s23, s23;
	s8 =	spop (v2sf)  }
0x2c1: {  	v59, _, _ =	vpop (xrf2);
	s8 =	smul.f32 $1.562500000e-02, s8  }
0x2c2: {  	s26 =	smul.f32 $1.562500000e-02, s6;
	(v2sf) =	vpush v59, $0xF;
	s9 =	spop (v2sf)  }
0x2c3: {  	s2 =	ssub.f32 s8, s20;
	s8 =	smul.f32 $1.562500000e-02, s9  }
0x2c4: {  	s10 =	smul.f32 s26, s26  }
0x2c5: {  	v60, _, _ =	vpop (xrf2);
	s3 =	ssub.f32 s8, s21;
	s11 =	spop (v2sf)  }
0x2c6: {  	[dreg:$0x15] =	wrdreg s0;
	(v2sf) =	vpush v60, $0xF;
	s8 =	smul.f32 $1.562500000e-02, s11  }
0x2c7: {  	s3 =	smul.f32 $1.015873070e+00, s3;
	s12 =	spop (v2sf)  }
0x2c8: {  	s4 =	ssub.f32 s8, s24;
	s8 =	smul.f32 $1.562500000e-02, s12  }
0x2c9: {  	s2 =	smul.f32 $1.015873070e+00, s2;
	s12 =	smax.f32 s3, $1.000000000e-30  }
0x2ca: {  	s4 =	smul.f32 $1.015873070e+00, s4;
	s5 =	ssub.f32 s8, s25  }
0x2cb: {  	s13 =	spop (v2sf);
	s24 =	smul.f32 $5.000000000e-01, s12  }
0x2cc: {  	[dreg:$0x1c] =	wrdreg s15;
	s9 =	smul.f32 $1.562500000e-02, s13  }
0x2cd: {  	s20 =	sshrl.u32 s12, $0x1;
	s13 =	smax.f32 s2, $1.000000000e-30;
	s5 =	smul.f32 $1.015873070e+00, s5  }
0x2ce: {  	s20 =	ssub.s32 $0x5F3759DF, s20;
	s2 =	sshrl.u32 s13, $0x1;
	s22 =	smul.f32 $5.000000000e-01, s13  }
0x2cf: {  	s17 =	ssub.s32 $0x5F3759DF, s2;
	s14 =	ssub.f32 s9, s29;
	s2 =	smul.f32 s20, s24  }
0x2d0: {  	[dreg:$0x19] =	wrdreg s26;
	s26 =	smul.f32 s17, s22  }
0x2d1: {  	s11 =	spop (v2sf);
	s25 =	smul.f32 $1.015873070e+00, s14  }
0x2d2: {  	[dreg:$0x1a] =	wrdreg s23;
	s15 =	smul.f32 $1.562500000e-02, s11  }
0x2d3: {  	s28 =	simm.s32 $0xCB80;
	s14 =	smax.f32 s4, $1.000000000e-30;
	s11 =	smul.f32 s17, s26  }
0x2d4: {  	v23 =	vld [tilespmem:s28+$0xC0];
	s23 =	smul.f32 $5.000000000e-01, s14;
	s21 =	sshrl.u32 s14, $0x1  }
0x2d5: {  	v3 =	vld [tilespmem:s28+$0xD0];
	s3 =	smul.f32 s20, s2;
	s29 =	spop (v2sf);
	s1 =	ssub.s32 $0x5F3759DF, s21  }
0x2d6: {  	v9 =	vld [tilespmem:s28+$0xE0];
	s11 =	ssub.f32 $1.500000000e+00, s11;
	s26 =	smul.f32 s1, s23  }
0x2d7: {  	v10 =	vld [tilespmem:s28+$0xF0];
	s0 =	smul.f32 $1.562500000e-02, s29;
	s6 =	ssub.f32 s15, s7  }
0x2d8: {  	v8 =	vld [tilespmem:s28+$0xFFFFFF10];
	s8 =	simm.s32 $0x6700;
	s7 =	ssub.f32 $1.500000000e+00, s3;
	s9 =	smul.f32 s1, s26  }
0x2d9: {  	v22 =	vld [tilespmem:s8+$0xD0];
	s17 =	smul.f32 s17, s11;
	s4 =	ssub.f32 s0, s10  }
0x2da: {  	v27 =	vld [tilespmem:s28+$0xFFFFFF20];
	s6 =	smul.f32 $1.015873070e+00, s6;
	s10 =	ssub.f32 $1.500000000e+00, s9  }
0x2db: {  	v12 =	vld [tilespmem:s8+$0xE0];
	s21 =	smul.f32 s20, s7  }
0x2dc: {  	v3 =	vmul.f32 $8.000000000e+00, v3;
	v13 =	vld [tilespmem:s8+$0xF0];
	s20 =	smul.f32 s1, s10;
	s10 =	smax.f32 s25, $1.000000000e-30  }
0x2dd: {  	v11 =	vld [tilespmem:s28+$0xFFFFFF30];
	s9 =	smax.f32 s5, $1.000000000e-30;
	s29 =	sshrl.u32 s10, $0x1;
	s7 =	smul.f32 $5.000000000e-01, s10  }
0x2de: {  	v20 =	vld [tilespmem:s8+$0xC0];
	v16 =	vadd.f32 v22, v3;
	s15 =	smul.f32 $1.015873070e+00, s4;
	s5 =	sshrl.u32 s9, $0x1;
	s29 =	ssub.s32 $0x5F3759DF, s29  }
0x2df: {  	v31 =	vld [tilespmem:s28+$0xFFFFFF40];
	v15 =	vmul.f32 $8.000000000e+00, v9;
	v10 =	vmul.f32 $8.000000000e+00, v10;
	s25 =	ssub.s32 $0x5F3759DF, s5;
	s5 =	smax.f32 s6, $1.000000000e-30;
	s1 =	smul.f32 s29, s7  }
0x2e0: {  	v9 =	vld [tilespmem:s28+$0xFFFFFF50];
	[tilespmem:$0x1F9D0] =	vst v16;
	s2 =	sshrl.u32 s5, $0x1;
	s6 =	smul.f32 $5.000000000e-01, s5  }
0x2e1: {  	v2 =	vmul.f32 $8.000000000e+00, v23;
	v51 =	vadd.f32 v12, v15;
	v41 =	vadd.f32 v13, v10;
	v60 =	vld [tilespmem:s28+$0xFFFFFF60];
	s4 =	smul.f32 s29, s1;
	s1 =	ssub.s32 $0x5F3759DF, s2  }
0x2e2: {  	v13 =	vld [tilespmem:s28+$0xFFFFFF70];
	s11 =	smax.f32 s15, $1.000000000e-30;
	s15 =	smul.f32 s1, s6  }
0x2e3: {  	v42 =	vadd.f32 v20, v2;
	v24 =	vmul.f32 v51, v51;
	v3 =	vmul.f32 v41, v41;
	v15 =	vld [tilespmem:s28+$0xFFFFFF80]  }
0x2e4: {  	v1 =	vmul.f32 v16, v16;
	v10 =	vld [tilespmem:s28+$0xFFFFFF90];
	s2 =	smul.f32 s1, s15;
	s15 =	rddreg [dreg:$0x16]  }
0x2e5: {  	v12 =	vadd.f32 v16, v42;
	v16 =	vld [tilespmem:s28+$0xFFFFFFA0];
	v26 =	vadd.f32 v3, v24;
	v3 =	vmov s15  }
0x2e6: {  	v0 =	vmul.f32 v42, v42;
	v59 =	vld [tilespmem:s28+$0xFFFFFFB0];
	v20 =	vsub.f32 v63, v3  }
0x2e7: {  	v25 =	vadd.f32 v41, v51;
	v57 =	vld [tilespmem:s28+$0xFFFFFFC0];
	s30 =	smul.f32 $5.000000000e-01, s9;
	v23 =	vsub.f32 v19, v3  }
0x2e8: {  	v58 =	vld [tilespmem:s28+$0xFFFFFFD0];
	v0 =	vadd.f32 v1, v0;
	v24 =	vsub.f32 v62, v3;
	[tilespmem:$0x1FAB0] =	vst v20  }
0x2e9: {  	v22 =	vmov s19;
	v28 =	vadd.f32 v25, v12;
	s0 =	smul.f32 s25, s30;
	v25 =	vsub.f32 v61, v3;
	v63 =	vld [tilespmem:s28+$0xFFFFFFE0];
	[tilespmem:$0x1FA60] =	vst v23  }
0x2ea: {  	v0 =	vadd.f32 v26, v0;
	v26 =	vsub.f32 v38, v22;
	s3 =	sshrl.u32 s11, $0x1;
	s26 =	smul.f32 $5.000000000e-01, s11;
	[tilespmem:$0x1FAC0] =	vst v24  }
0x2eb: {  	(xrf2) =	vadd.scan.msk.f32 $0xffff, v28;
	v28 =	vmov s18;
	v38 =	vsub.f32 v14, v22;
	s31 =	smul.f32 s25, s0;
	s0 =	ssub.s32 $0x5F3759DF, s3;
	v12 =	vld [tilespmem:s28+$0xFFFFFFF0];
	[tilespmem:$0x1FAD0] =	vst v25  }
0x2ec: {  	v1 =	vsub.f32 v39, v22;
	v39 =	vsub.f32 v17, v28;
	s3 =	smul.f32 s0, s26;
	[tilespmem:$0x1FB20] =	vst v26  }
0x2ed: {  	s31 =	ssub.f32 $1.500000000e+00, s31;
	v61 =	vld [tilespmem:s28+$0x0];
	[tilespmem:$0x1FB30] =	vst v38  }
0x2ee: {  	s3 =	smul.f32 s0, s3;
	s4 =	ssub.f32 $1.500000000e+00, s4;
	v62 =	vld [tilespmem:s28+$0x10];
	[tilespmem:$0x1FB50] =	vst v39;
	v39 =	vsub.f32 v45, v28;
	v45 =	vsub.f32 v18, v28  }
0x2ef: {  	(xrf2) =	vadd.scan.msk.f32 $0xffff, v0;
	v0 =	vsub.f32 v21, v28;
	s25 =	smul.f32 s25, s31;
	[tilespmem:$0x1FB40] =	vst v1;
	v1 =	vmov s16  }
0x2f0: {  	v50 =	vsub.f32 v50, v22;
	s19 =	smul.f32 s29, s4;
	v20 =	vld [tilespmem:s28+$0x20];
	v22 =	vsub.f32 v47, v1;
	[tilespmem:$0x1FB80] =	vst v45  }
0x2f1: {  	s3 =	ssub.f32 $1.500000000e+00, s3;
	s15 =	smul.f32 s17, s22;
	v28 =	vsub.f32 v29, v1;
	v24 =	vld [tilespmem:s28+$0x30];
	[tilespmem:$0x1FB90] =	vst v0  }
0x2f2: {  	s22 =	smul.f32 s25, s30;
	s16 =	rddreg [dreg:$0x1c];
	v29 =	vsub.f32 v46, v1;
	[tilespmem:$0x1FBA0] =	vst v22  }
0x2f3: {  	s2 =	ssub.f32 $1.500000000e+00, s2;
	s18 =	smul.f32 s0, s3;
	v23 =	vmov s16;
	v1 =	vsub.f32 v30, v1;
	v17 =	vld [tilespmem:s28+$0x40];
	[tilespmem:$0x1FBB0] =	vst v28  }
0x2f4: {  	s4 =	smul.f32 s19, s7;
	v30 =	vsub.f32 v34, v23;
	[tilespmem:$0x1FBC0] =	vst v29  }
0x2f5: {  	s29 =	smul.f32 s1, s2;
	v45 =	vsub.f32 v32, v23;
	v26 =	vld [tilespmem:s28+$0x50];
	[tilespmem:$0x1FBD0] =	vst v1  }
0x2f6: {  	s2 =	smul.f32 s20, s23;
	s23 =	rddreg [dreg:$0x1b];
	v46 =	vsub.f32 v35, v23;
	[tilespmem:$0x1FBE0] =	vst v30  }
0x2f7: {  	s0 =	smul.f32 s15, s17;
	v34 =	vmov s23;
	v0 =	vsub.f32 v33, v23;
	v25 =	vld [tilespmem:s28+$0x60];
	[tilespmem:$0x1FBF0] =	vst v45  }
0x2f8: {  	s3 =	smul.f32 s22, s25;
	v47 =	vsub.f32 v40, v34;
	[tilespmem:$0x1FC10] =	vst v46  }
0x2f9: {  	v21, _, _ =	vpop (xrf2);
	s1 =	smul.f32 s21, s24;
	v3 =	vsub.f32 v44, v34;
	v38 =	vld [tilespmem:s28+$0x70];
	[tilespmem:$0x1FC30] =	vst v0  }
0x2fa: {  	(v2sf) =	vpush v21, $0xF;
	s24 =	smul.f32 s18, s26;
	[tilespmem:$0x1FC40] =	vst v47  }
0x2fb: {  	s26 =	rddreg [dreg:$0x1a];
	s4 =	smul.f32 s4, s19;
	v2 =	vld [tilespmem:s28+$0xFFFFFF00];
	[tilespmem:$0x1FC50] =	vst v3  }
0x2fc: {  	s6 =	smul.f32 s29, s6;
	v18 =	vmov s26;
	v22, _, _ =	vpop (xrf2);
	v3 =	vld [tilespmem:s8+$0xFFFFFF00]  }
0x2fd: {  	s1 =	smul.f32 s1, s21;
	v48 =	vsub.f32 v48, v18;
	(v2sf) =	vpush v22, $0xF;
	v23 =	vld [tilespmem:s8+$0xFFFFFF10]  }
0x2fe: {  	s0 =	ssub.f32 $1.500000000e+00, s0;
	s2 =	smul.f32 s2, s20;
	v46 =	vsub.f32 v36, v34;
	v36 =	vsub.f32 v52, v18;
	v1 =	vld [tilespmem:s8+$0xFFFFFF20]  }
0x2ff: {  	s3 =	ssub.f32 $1.500000000e+00, s3;
	s7 =	smul.f32 s24, s18;
	v47 =	vsub.f32 v43, v18;
	v43 =	vsub.f32 v49, v18;
	v18 =	vld [tilespmem:s8+$0xFFFFFF40]  }
0x300: {  	v8 =	vmul.f32 $8.000000000e+00, v8;
	s0 =	smul.f32 s0, s17;
	s16 =	rddreg [dreg:$0x19];
	v22 =	vmul.f32 $8.000000000e+00, v27;
	v27 =	vld [tilespmem:s8+$0xFFFFFF60]  }
0x301: {  	s4 =	ssub.f32 $1.500000000e+00, s4;
	s3 =	smul.f32 s3, s25;
	v35 =	vmul.f32 $8.000000000e+00, v31;
	v45 =	vsub.f32 v37, v34;
	v37 =	vmov s16;
	v52 =	vld [tilespmem:s8+$0xFFFFFF30]  }
0x302: {  	s6 =	smul.f32 s6, s29;
	v12 =	vmul.f32 $8.000000000e+00, v12;
	v40 =	vsub.f32 v55, v37;
	v44 =	vsub.f32 v56, v37;
	v21 =	vld [tilespmem:s8+$0xFFFFFF50]  }
0x303: {  	s4 =	smul.f32 s4, s19;
	v49 =	vsub.f32 v53, v37;
	v37 =	vsub.f32 v54, v37;
	v56 =	vmul.f32 $8.000000000e+00, v60;
	v34 =	vld [tilespmem:s28+$0x80]  }
0x304: {  	s1 =	ssub.f32 $1.500000000e+00, s1;
	s0 =	smul.f32 s0, s13;
	v60 =	vld [tilespmem:s8+$0xFFFFFFA0];
	v2 =	vmul.f32 $8.000000000e+00, v2;
	v29 =	vadd.f32 v23, v8;
	v30 =	vadd.f32 v1, v22  }
0x305: {  	s2 =	ssub.f32 $1.500000000e+00, s2;
	s3 =	smul.f32 s3, s9;
	v23 =	vmul.f32 $8.000000000e+00, v11;
	v8 =	vld [tilespmem:s8+$0xFFFFFF70];
	v31 =	vadd.f32 v18, v35;
	v56 =	vadd.f32 v27, v56  }
0x306: {  	s7 =	ssub.f32 $1.500000000e+00, s7;
	s1 =	smul.f32 s1, s21;
	v1 =	vld [tilespmem:s8+$0xFFFFFF90];
	v22 =	vmul.f32 $8.000000000e+00, v10;
	v28 =	vadd.f32 v3, v2;
	v3 =	vmul.f32 $8.000000000e+00, v9  }
0x307: {  	s2 =	smul.f32 s2, s20;
	v9 =	vld [tilespmem:s8+$0xFFFFFF80];
	v52 =	vadd.f32 v52, v23;
	v11 =	vmul.f32 v29, v29;
	v33 =	vmul.f32 v30, v30  }
0x308: {  	s17 =	smul.f32 s7, s18;
	v14 =	vld [tilespmem:s28+$0xA0];
	v55 =	vmul.f32 v28, v28;
	v32 =	vadd.f32 v21, v3;
	v3 =	vmul.f32 $8.000000000e+00, v13  }
0x309: {  	s12 =	smul.f32 s1, s12;
	s18 =	spop (v2sf);
	v27 =	vld [tilespmem:s8+$0xFFFFFFB0];
	v13 =	vmul.f32 $8.000000000e+00, v15;
	v15 =	vadd.f32 v29, v28;
	v18 =	vadd.f32 v52, v30  }
0x30a: {  	s1 =	smul.f32 $1.562500000e-02, s18;
	v10 =	vld [tilespmem:s8+$0xFFFFFFD0];
	v0 =	vmul.f32 v56, v56;
	v35 =	vadd.f32 v11, v55;
	v55 =	vadd.f32 v8, v3  }
0x30b: {  	s6 =	ssub.f32 $1.500000000e+00, s6;
	s21 =	smul.f32 s4, s10;
	v2 =	vld [tilespmem:s8+$0x40];
	v8 =	vmul.f32 $8.000000000e+00, v16;
	v54 =	vadd.f32 v1, v22;
	v19 =	vadd.f32 v18, v15  }
0x30c: {  	s20 =	smul.f32 s1, s1;
	v53 =	vadd.f32 v9, v13;
	v9 =	vld [tilespmem:s8+$0xFFFFFFC0];
	v13 =	vmul.f32 $8.000000000e+00, v59;
	v15 =	vadd.f32 v32, v31;
	s19 =	spop (v2sf)  }
0x30d: {  	v21 =	vmul.f32 v52, v52;
	v16 =	vadd.f32 v55, v56;
	v59 =	vadd.f32 v60, v8;
	v8 =	vld [tilespmem:s8+$0xFFFFFFF0];
	s7 =	smul.f32 $1.562500000e-02, s19  }
0x30e: {  	s6 =	smul.f32 s6, s29;
	v22 =	vmul.f32 $8.000000000e+00, v57;
	v18 =	vld [tilespmem:s8+$0xFFFFFFE0];
	v60 =	vadd.f32 v27, v13;
	v13 =	vmul.f32 $8.000000000e+00, v58  }
0x30f: {  	s2 =	smul.f32 s2, s14;
	v33 =	vadd.f32 v21, v33;
	v27 =	vmul.f32 v31, v31;
	v11 =	vadd.f32 v16, v15;
	v15 =	vld [tilespmem:s8+$0x0];
	s7 =	ssub.f32 s7, s20  }
0x310: {  	s29 =	smul.f32 s17, s11;
	s4 =	sadd.f32 $9.999999970e-07, s12;
	v1 =	vadd.f32 v54, v53;
	(xrf2) =	vadd.scan.msk.f32 $0xffff, v19;
	v19 =	vld [tilespmem:s8+$0xA0];
	v58 =	vadd.f32 v10, v13;
	v10 =	vmul.f32 v55, v55  }
0x311: {  	s0 =	sadd.f32 $9.999999970e-07, s0;
	v16 =	vld [tilespmem:s8+$0x10];
	v13 =	vmul.f32 $8.000000000e+00, v63;
	v57 =	vadd.f32 v9, v22;
	v9 =	vmul.f32 v32, v32;
	s25 =	smul.f32 $1.015873070e+00, s7  }
0x312: {  	s3 =	sadd.f32 $9.999999970e-07, s3;
	s26 =	smul.f32 s6, s5;
	s22 =	ssub.s32 $0x7EF311C3, s4;
	v21 =	vadd.f32 v8, v12;
	v8 =	vld [tilespmem:s8+$0x20];
	v22 =	vadd.f32 v10, v0;
	v10 =	vmul.f32 $8.000000000e+00, v61  }
0x313: {  	s24 =	smul.f32 s22, s4;
	v63 =	vadd.f32 v18, v13;
	v18 =	vld [tilespmem:s8+$0x30];
	v0 =	vadd.f32 v60, v59;
	s11 =	smax.f32 s25, $1.000000000e-30  }
0x314: {  	s19 =	ssub.s32 $0x7EF311C3, s3;
	v12 =	vmul.f32 $8.000000000e+00, v62;
	v27 =	vadd.f32 v9, v27;
	v9 =	vld [tilespmem:s28+$0xB0];
	v62 =	vadd.f32 v15, v10;
	s16 =	sshrl.u32 s11, $0x1;
	s12 =	smul.f32 $5.000000000e-01, s11  }
0x315: {  	s10 =	sadd.f32 $9.999999970e-07, s26;
	s26 =	smul.f32 s19, s3;
	v10 =	vmul.f32 $8.000000000e+00, v20;
	v3 =	vadd.f32 v0, v1;
	v1 =	vmul.f32 $8.000000000e+00, v24;
	v24 =	vld [tilespmem:s8+$0x60];
	s20 =	ssub.s32 $0x5F3759DF, s16  }
0x316: {  	s5 =	sadd.f32 $9.999999970e-07, s2;
	s7 =	ssub.s32 $0x7EF311C3, s0;
	v61 =	vadd.f32 v16, v12;
	v12 =	vld [tilespmem:s8+$0x50];
	v16 =	vmul.f32 $8.000000000e+00, v17;
	s23 =	smul.f32 s20, s12  }
0x317: {  	s9 =	sadd.f32 $9.999999970e-07, s21;
	s17 =	smul.f32 s7, s0;
	v17 =	vld [tilespmem:s8+$0x70];
	v20 =	vadd.f32 v8, v10;
	v8 =	vmul.f32 v53, v53;
	v10 =	vmul.f32 v54, v54  }
0x318: {  	s18 =	ssub.s32 $0x7EF311C3, s5;
	v0 =	vld [tilespmem:s8+$0x90];
	v15 =	vadd.f32 v18, v1;
	v18 =	vmul.f32 $8.000000000e+00, v25;
	s15 =	smul.f32 s20, s23  }
0x319: {  	s21 =	ssub.s32 $0x7EF311C3, s9;
	s25 =	smul.f32 s18, s5;
	s13 =	ssub.f32 $2.000000000e+00, s17;
	v16 =	vadd.f32 v2, v16;
	v1 =	vmul.f32 $8.000000000e+00, v26;
	v25 =	vld [tilespmem:s8+$0x80];
	v26 =	vadd.f32 v10, v8  }
0x31a: {  	v8 =	vmul.f32 v59, v59;
	v10 =	vmul.f32 v60, v60;
	v2 =	vadd.f32 v24, v18;
	v18 =	vld [tilespmem:s8+$0xB0];
	s8 =	smul.f32 s21, s9;
	s23 =	ssub.s32 $0x7EF311C3, s10;
	s15 =	ssub.f32 $1.500000000e+00, s15  }
0x31b: {  	v23 =	vld [tilespmem:s28+$0x90];
	(xrf2) =	vadd.scan.msk.f32 $0xffff, v11;
	v11 =	vadd.f32 v21, v63;
	s17 =	sadd.f32 $9.999999970e-07, s29;
	v13 =	vadd.f32 v12, v1;
	s29 =	smul.f32 s23, s10  }
0x31c: {  	s16 =	ssub.f32 $2.000000000e+00, s24;
	v1 =	vadd.f32 v10, v8;
	v8 =	vmul.f32 $8.000000000e+00, v38;
	v10 =	vadd.f32 v58, v57;
	s14 =	smul.f32 s20, s15  }
0x31d: {  	(xrf2) =	vadd.scan.msk.f32 $0xffff, v3;
	v12 =	vmul.f32 $8.000000000e+00, v34;
	v3 =	vadd.f32 v15, v20;
	s15 =	smul.f32 s7, s13  }
0x31e: {  	s24 =	ssub.s32 $0x7EF311C3, s17;
	s8 =	ssub.f32 $2.000000000e+00, s8;
	v8 =	vadd.f32 v17, v8;
	v38 =	vadd.f32 v11, v10;
	s13 =	smul.f32 s22, s16  }
0x31f: {  	v10 =	vmul.f32 $8.000000000e+00, v14;
	v11 =	vmul.f32 $8.000000000e+00, v9;
	v9 =	vadd.f32 v25, v12;
	s20 =	ssub.f32 $2.000000000e+00, s25;
	s25 =	smul.f32 s24, s17  }
0x320: {  	v17 =	vmul.f32 $8.000000000e+00, v23;
	v23 =	vadd.f32 v61, v62;
	v14 =	vadd.f32 v13, v16;
	s2 =	smul.f32 s21, s8  }
0x321: {  	v10 =	vadd.f32 v19, v10;
	v11 =	vadd.f32 v18, v11;
	s12 =	smul.f32 s14, s12  }
0x322: {  	v12 =	vadd.f32 v0, v17;
	v17 =	vadd.f32 v8, v2;
	s16 =	smul.f32 s18, s20  }
0x323: {  	s7 =	smul.f32 s12, s14;
	v19 =	vadd.f32 v11, v10  }
0x324: {  	s26 =	ssub.f32 $2.000000000e+00, s26;
	(xrf2) =	vadd.scan.msk.f32 $0xffff, v38;
	v0 =	vadd.f32 v3, v23;
	s0 =	smul.f32 s15, s0;
	v3 =	vadd.f32 v17, v14;
	v14, _, _ =	vpop (xrf2)  }
0x325: {  	s4 =	smul.f32 s13, s4;
	v18 =	vadd.f32 v12, v9;
	(v2sf) =	vpush v14, $0xF;
	s7 =	ssub.f32 $1.500000000e+00, s7  }
0x326: {  	s12 =	smul.f32 s19, s26;
	(xrf2) =	vadd.scan.msk.f32 $0xffff, v0  }
0x327: {  	v14 =	vmul.f32 v57, v57;
	v17 =	vadd.f32 v19, v18;
	v19, _, _ =	vpop (xrf2);
	s7 =	smul.f32 s7, s14  }
0x328: {  	s5 =	smul.f32 s16, s5;
	v18 =	vmul.f32 v58, v58;
	(xrf2) =	vadd.scan.msk.f32 $0xffff, v3;
	(v2sf) =	vpush v19, $0xF;
	v19 =	vmul.f32 v21, v21  }
0x329: {  	v24 =	vadd.f32 v33, v35;
	s6 =	ssub.f32 $2.000000000e+00, s29;
	v25 =	vmul.f32 v62, v62;
	(xrf2) =	vadd.scan.msk.f32 $0xffff, v17;
	v17 =	vmul.f32 v61, v61;
	s18 =	smul.f32 s7, s11  }
0x32a: {  	s29 =	ssub.f32 $2.000000000e+00, s25;
	v3 =	vmul.f32 v63, v63;
	s21 =	smul.f32 s12, s3;
	v14 =	vadd.f32 v18, v14;
	v18 =	vadd.f32 v22, v27  }
0x32b: {  	s14 =	smul.f32 s23, s6;
	(xrf2) =	vadd.scan.msk.f32 $0xffff, v24;
	v0 =	vadd.f32 v17, v25;
	s6 =	sadd.f32 $9.999999970e-07, s18  }
0x32c: {  	s23 =	smul.f32 s2, s9;
	(xrf2) =	vadd.scan.msk.f32 $0xffff, v18;
	v17 =	vmul.f32 v20, v20;
	v18 =	vmul.f32 v15, v15;
	v3 =	vadd.f32 v19, v3;
	v19, _, _ =	vpop (xrf2)  }
0x32d: {  	v1 =	vadd.f32 v1, v26;
	s11 =	smul.f32 s24, s29;
	(v2sf) =	vpush v19, $0xF;
	s19 =	ssub.s32 $0x7EF311C3, s6  }
0x32e: {  	v26 =	vmul.f32 v16, v16;
	s25 =	ssub.f32 $2.000000000e+00, s4;
	v17 =	vadd.f32 v18, v17;
	v18 =	vmul.f32 v8, v8;
	v19, _, _ =	vpop (xrf2);
	s20 =	smul.f32 s19, s6  }
0x32f: {  	s10 =	smul.f32 s14, s10;
	s29 =	ssub.f32 $2.000000000e+00, s5;
	v3 =	vadd.f32 v3, v14;
	v14 =	vmul.f32 v2, v2;
	(v2sf) =	vpush v19, $0xF  }
0x330: {  	s17 =	smul.f32 s11, s17;
	(xrf2) =	vadd.scan.msk.f32 $0xffff, v1;
	v0 =	vadd.f32 v17, v0;
	v17 =	vmul.f32 v12, v12;
	v19 =	vmul.f32 v13, v13;
	v27, _, _ =	vpop (xrf2);
	s22 =	ssub.f32 $2.000000000e+00, s20  }
0x331: {  	s8 =	ssub.f32 $2.000000000e+00, s23;
	s4 =	smul.f32 s29, s16;
	(xrf2) =	vadd.scan.msk.f32 $0xffff, v3;
	v3 =	vmul.f32 v9, v9;
	v14 =	vadd.f32 v18, v14;
	(v2sf) =	vpush v27, $0xF  }
0x332: {  	v18 =	vmul.f32 v10, v10;
	v33, _, _ =	vpop (xrf2);
	v1 =	vadd.f32 v19, v26;
	v19 =	vmul.f32 v11, v11;
	s7 =	smul.f32 s19, s22  }
0x333: {  	s0 =	ssub.f32 $2.000000000e+00, s0;
	s8 =	smul.f32 s8, s2;
	(v2sf) =	vpush v33, $0xF  }
0x334: {  	v38 =	vmov s1;
	v3 =	vadd.f32 v17, v3;
	v17 =	vadd.f32 v19, v18;
	s24 =	spop (v2sf);
	s3 =	smul.f32 s7, s6  }
0x335: {  	v23 =	vsub.f32 v51, v38;
	s29 =	ssub.f32 $2.000000000e+00, s17;
	(xrf2) =	vadd.scan.msk.f32 $0xffff, v0;
	v34, _, _ =	vpop (xrf2);
	v1 =	vadd.f32 v14, v1;
	v19 =	vld [tilespmem:$0x1FAD0];
	s9 =	smul.f32 $1.562500000e-02, s24  }
0x336: {  	v45 =	vmul.f32 s8, v45;
	(v2sf) =	vpush v34, $0xF;
	v35, _, _ =	vpop (xrf2);
	v3 =	vadd.f32 v17, v3;
	s6 =	smul.f32 s0, s15;
	v17 =	vld [tilespmem:$0x1F9D0]  }
0x337: {  	v18 =	vsub.f32 v42, v38;
	(v2sf) =	vpush v35, $0xF;
	v14, _, _ =	vpop (xrf2);
	v35 =	vld [tilespmem:$0x1FA60];
	s0 =	smul.f32 s29, s11;
	v24 =	vmov s9  }
0x338: {  	v46 =	vmul.f32 s8, v46;
	(v2sf) =	vpush v14, $0xF;
	s24 =	rddreg [dreg:$0x15];
	s26 =	spop (v2sf);
	v25 =	vsub.f32 v28, v24  }
0x339: {  	v14 =	vsub.f32 v41, v38;
	(xrf2) =	vadd.scan.msk.f32 $0xffff, v1;
	s5 =	ssub.f32 $2.000000000e+00, s3;
	v40 =	vmul.f32 s0, v40;
	v26 =	vsub.f32 v29, v24;
	s15 =	smul.f32 $1.562500000e-02, s26  }
0x33a: {  	s3 =	smul.f32 s25, s13;
	s25 =	ssub.f32 $2.000000000e+00, s10;
	v49 =	vmul.f32 s0, v49;
	v27 =	vsub.f32 v30, v24;
	v0 =	vsub.f32 v52, v24;
	v24 =	vld [tilespmem:$0x1FFB0];
	[tilespmem:$0x1F9E0] =	vst v25  }
0x33b: {  	v19 =	vmul.f32 s24, v19;
	s1 =	smul.f32 s5, s7;
	v22 =	vsub.f32 v17, v38;
	[tilespmem:$0x1F9F0] =	vst v26;
	v38 =	vld [tilespmem:$0x1FAB0];
	v28 =	vmov s15  }
0x33c: {  	v1 =	vmul.f32 s24, v35;
	s5 =	smul.f32 s25, s14;
	v39 =	vmul.f32 s3, v39;
	[tilespmem:$0x1FA00] =	vst v27;
	v27 =	vld [tilespmem:$0x1FFE0];
	v30 =	vsub.f32 v31, v28;
	s19 =	spop (v2sf)  }
0x33d: {  	s20 =	ssub.f32 $2.000000000e+00, s21;
	v17, _, _ =	vpop (xrf2);
	[tilespmem:$0x1FA10] =	vst v0;
	v25 =	vld [tilespmem:$0x1FFC0];
	v14 =	vmul.f32 s1, v14;
	v31 =	vsub.f32 v32, v28;
	v32 =	vsub.f32 v56, v28;
	s21 =	smul.f32 $1.562500000e-02, s19  }
0x33e: {  	v26 =	vld [tilespmem:$0x1FFD0];
	(v2sf) =	vpush v17, $0xF;
	v29, _, _ =	vpop (xrf2);
	(xrf2) =	vadd.scan.msk.f32 $0xffff, v3;
	v47 =	vmul.f32 s5, v47;
	v43 =	vmul.f32 s5, v43;
	s22 =	spop (v2sf)  }
0x33f: {  	v33, _, _ =	vpop (xrf2);
	v0 =	vsub.f32 v55, v28;
	(v2sf) =	vpush v29, $0xF;
	[tilespmem:$0x1FA40] =	vst v32;
	v32 =	vld [tilespmem:$0x1FBB0];
	s26 =	smul.f32 $1.562500000e-02, s22;
	v34 =	vmov s21  }
0x340: {  	v18 =	vmul.f32 s1, v18;
	(v2sf) =	vpush v33, $0xF;
	v33 =	vld [tilespmem:$0x1FBC0];
	s14 =	spop (v2sf);
	v3 =	vsub.f32 v53, v34  }
0x341: {  	v22 =	vmul.f32 s1, v22;
	[tilespmem:$0x1FA50] =	vst v0;
	s2 =	smul.f32 $1.562500000e-02, s14;
	v0 =	vsub.f32 v60, v34;
	v17 =	vmov s26;
	v53 =	vld [tilespmem:$0x1FB30]  }
0x342: {  	s23 =	smul.f32 s20, s12;
	v1 =	vmul.f32 v1, v27;
	v14 =	vmul.f32 v14, v27;
	s17 =	spop (v2sf);
	v42 =	vsub.f32 v58, v17;
	v58 =	vld [tilespmem:$0x1FB50];
	[tilespmem:$0x1FA70] =	vst v3  }
0x343: {  	v52, _, _ =	vpop (xrf2);
	s12 =	smul.f32 $1.562500000e-02, s17;
	v51 =	vsub.f32 v63, v17;
	v55 =	vmov s2;
	v63 =	vld [tilespmem:$0x1FBA0];
	v3 =	vsub.f32 v54, v34;
	[tilespmem:$0x1FAA0] =	vst v0  }
0x344: {  	v29 =	vmul.f32 v39, v25;
	(v2sf) =	vpush v52, $0xF;
	v60 =	vsub.f32 v61, v55;
	v61 =	vld [tilespmem:$0x1FB90];
	[tilespmem:$0x1FAF0] =	vst v42  }
0x345: {  	v39 =	vmul.f32 v18, v24;
	v35 =	vmov s12;
	[tilespmem:$0x1FA80] =	vst v3;
	v3 =	vsub.f32 v59, v34;
	v34 =	vld [tilespmem:$0x1FBD0]  }
0x346: {  	s9 =	smul.f32 s9, s9;
	v1 =	vadd.f32 v1, v7;
	[tilespmem:$0x1FB00] =	vst v51;
	v51 =	vmul.f32 s4, v32;
	v32 =	vld [tilespmem:$0x1FBF0];
	v16 =	vsub.f32 v16, v35  }
0x347: {  	s16 =	smul.f32 s15, s15;
	v41 =	vsub.f32 v57, v17;
	v17 =	vsub.f32 v21, v17;
	v21 =	vmul.f32 s6, v50;
	[tilespmem:$0x1FA90] =	vst v3;
	v3 =	vld [tilespmem:$0x1FAC0]  }
0x348: {  	s13 =	smul.f32 s21, s21;
	v0 =	vmul.f32 s24, v38;
	v57 =	vsub.f32 v20, v55;
	v52 =	vmul.f32 s4, v33;
	[tilespmem:$0x1FC00] =	vst v16;
	v16 =	vld [tilespmem:$0x1FC10]  }
0x349: {  	s18 =	smul.f32 s26, s26;
	[tilespmem:$0x1FB10] =	vst v17;
	v17 =	vmul.f32 v19, v26;
	v59 =	vsub.f32 v62, v55;
	v62, _, _ =	vpop (xrf2);
	v42 =	vmul.f32 s4, v63;
	v63 =	vld [tilespmem:$0x1FBE0]  }
0x34a: {  	[tilespmem:$0x1FA20] =	vst v30;
	s19 =	spop (v2sf);
	s20 =	smul.f32 s2, s2;
	v38 =	vmul.f32 s6, v53;
	(v2sf) =	vpush v62, $0xF;
	v53 =	vmul.f32 s4, v34;
	v34 =	vld [tilespmem:$0x1FC30]  }
0x34b: {  	[tilespmem:$0x1FA30] =	vst v31;
	v54 =	vld [tilespmem:$0x1FB40];
	s10 =	smul.f32 $1.562500000e-02, s19;
	s21 =	spop (v2sf);
	v13 =	vsub.f32 v13, v35;
	v0 =	vmul.f32 v0, v24;
	v31 =	vmul.f32 v52, v26  }
0x34c: {  	v19 =	vld [tilespmem:$0x1FB20];
	s22 =	smul.f32 $1.562500000e-02, s21;
	v50 =	vmul.f32 s3, v58;
	[tilespmem:$0x1FB60] =	vst v59;
	v59 =	vsub.f32 v8, v35;
	v3 =	vmul.f32 s24, v3;
	s24 =	spop (v2sf)  }
0x34d: {  	[tilespmem:$0x1FAE0] =	vst v41;
	s2 =	smul.f32 s10, s10;
	v20 =	vmul.f32 s3, v61;
	v61 =	vsub.f32 v2, v35;
	v35 =	vmov s10;
	s26 =	spop (v2sf)  }
0x34e: {  	[tilespmem:$0x1FB70] =	vst v60;
	v33 =	vmul.f32 s23, v32;
	v9 =	vsub.f32 v9, v35;
	s4 =	smul.f32 s12, s12;
	v16 =	vmul.f32 s23, v16;
	s11 =	spop (v2sf)  }
0x34f: {  	[tilespmem:$0x1FC20] =	vst v13;
	v13 =	vld [tilespmem:$0x1FC50];
	v58 =	vsub.f32 v15, v55;
	v55 =	vmul.f32 s23, v63;
	v2 =	vmul.f32 s23, v34;
	s23 =	ssub.f32 s22, s9;
	s9 =	smul.f32 $1.562500000e-02, s24  }
0x350: {  	s30 =	simm.s32 $0x12D80;
	v15 =	vld [tilespmem:$0x1FB80];
	v0 =	vadd.f32 v0, v4;
	v41 =	vmul.f32 s6, v54;
	[tilespmem:$0x1FC60] =	vst v9;
	v3 =	vmul.f32 v3, v25;
	s12 =	smul.f32 $1.562500000e-02, s11;
	s14 =	spop (v2sf)  }
0x351: {  	v8 =	vld [tilespmem:$0x1FC40];
	v54 =	vmul.f32 s0, v44;
	v44 =	vadd.f32 v17, v6;
	v19 =	vmul.f32 s6, v19;
	[tilespmem:s30+$0xF0] =	vst v1;
	s6 =	smul.f32 $1.562500000e-02, s14  }
0x352: {  	v9 =	vmul.f32 s5, v48;
	v48 =	vmul.f32 s5, v36;
	[tilespmem:s30+$0xC0] =	vst v0;
	v36 =	vadd.f32 v3, v5;
	s25 =	ssub.f32 s9, s16;
	s9 =	smul.f32 $1.562500000e-02, s26  }
0x353: {  	v17 =	vmul.f32 s1, v23;
	v62 =	vsub.f32 v10, v35;
	v10 =	vmul.f32 v19, v24;
	[tilespmem:s30+$0xE0] =	vst v44;
	s19 =	spop (v2sf);
	s6 =	ssub.f32 s6, s20  }
0x354: {  	v23 =	vadd.f32 v14, v7;
	v60 =	vsub.f32 v11, v35;
	v11 =	vmul.f32 v21, v25;
	s7 =	smul.f32 $1.015873070e+00, s23;
	s16 =	simm.s32 $0x12F80;
	[tilespmem:s30+$0xD0] =	vst v36;
	s10 =	ssub.f32 s9, s13  }
0x355: {  	s15 =	simm.s32 $0x12F80;
	v63 =	vsub.f32 v12, v35;
	v12 =	vmul.f32 v38, v26;
	v10 =	vadd.f32 v10, v4;
	s20 =	smul.f32 $1.562500000e-02, s19;
	[dreg:$0x5] =	wrdreg s16  }
0x356: {  	v28 =	vmul.f32 v41, v27;
	v11 =	vadd.f32 v11, v5;
	v15 =	vmul.f32 s3, v15;
	s29 =	smul.f32 $1.015873070e+00, s25;
	s13 =	ssub.f32 s12, s18;
	[tilespmem:s15+$0xF0] =	vst v23  }
0x357: {  	v13 =	vmul.f32 s8, v13;
	v12 =	vadd.f32 v12, v6;
	v3 =	vmul.f32 s0, v37;
	s0 =	smax.f32 s7, $1.000000000e-30;
	[tilespmem:s30+$0xFFFFFF00] =	vst v10;
	s6 =	smul.f32 $1.015873070e+00, s6  }
0x358: {  	v8 =	vmul.f32 s8, v8;
	v0 =	vadd.f32 v28, v7;
	v15 =	vmul.f32 v15, v26;
	[tilespmem:s30+$0xFFFFFF10] =	vst v11;
	s4 =	ssub.f32 s20, s4;
	s8 =	smul.f32 $1.015873070e+00, s10  }
0x359: {  	v30 =	vmul.f32 v51, v25;
	v19 =	vmul.f32 v42, v24;
	v1 =	vadd.f32 v29, v5;
	s17 =	sshrl.u32 s0, $0x1;
	[tilespmem:s30+$0xFFFFFF20] =	vst v12;
	s18 =	smul.f32 $1.015873070e+00, s13;
	s22 =	spop (v2sf)  }
0x35a: {  	s31 =	simm.s32 $0x6900;
	v14 =	vmul.f32 v50, v24;
	v41 =	vmul.f32 v47, v24;
	v15 =	vadd.f32 v15, v6;
	[tilespmem:s30+$0xFFFFFF30] =	vst v0;
	s10 =	ssub.s32 $0x5F3759DF, s17;
	s5 =	smul.f32 $1.562500000e-02, s22  }
0x35b: {  	v33 =	vmul.f32 v33, v25;
	v35 =	vmul.f32 v8, v24;
	v8 =	vadd.f32 v19, v4;
	[tilespmem:s30+$0xFFFFFF50] =	vst v1;
	s1 =	smax.f32 s29, $1.000000000e-30;
	s4 =	smul.f32 $1.015873070e+00, s4  }
0x35c: {  	v42 =	vmul.f32 v40, v24;
	s26 =	simm.s32 $0x8;
	v10 =	vmul.f32 v20, v27;
	v11 =	vadd.f32 v14, v4;
	[tilespmem:s30+$0xFFFFFF60] =	vst v15;
	s12 =	smax.f32 s6, $1.000000000e-30;
	s16 =	smul.f32 $5.000000000e-01, s1  }
0x35d: {  	v32 =	vmul.f32 v53, v27;
	v14 =	vmul.f32 v55, v24;
	v55 =	vadd.f32 v30, v5;
	[tilespmem:s30+$0xFFFFFF80] =	vst v8;
	s21 =	sshrl.u32 s1, $0x1;
	s3 =	smax.f32 s8, $1.000000000e-30;
	s13 =	smax.f32 s18, $1.000000000e-30  }
0x35e: {  	v40 =	vmul.f32 v17, v26;
	v38 =	vmul.f32 v54, v25;
	[tilespmem:s30+$0xFFFFFF40] =	vst v11;
	v53 =	vadd.f32 v10, v7;
	s14 =	ssub.s32 $0x5F3759DF, s21;
	s2 =	ssub.f32 s5, s2;
	s15 =	smul.f32 $5.000000000e-01, s3  }
0x35f: {  	v44 =	vmul.f32 v48, v26;
	v56 =	vadd.f32 v32, v7;
	v34 =	vmul.f32 v16, v26;
	[tilespmem:s30+$0xFFFFFF90] =	vst v55;
	s6 =	sshrl.u32 s12, $0x1;
	s23 =	sshrl.u32 s3, $0x1;
	s19 =	smul.f32 $5.000000000e-01, s13  }
0x360: {  	v37 =	vmul.f32 v43, v27;
	v43 =	vmul.f32 v49, v26;
	v8 =	vadd.f32 v31, v6;
	[tilespmem:s30+$0xFFFFFF70] =	vst v53;
	s24 =	sshrl.u32 s13, $0x1;
	s22 =	ssub.s32 $0x5F3759DF, s6;
	s25 =	smul.f32 $1.015873070e+00, s2  }
0x361: {  	v16 =	vadd.f32 v33, v5;
	v2 =	vmul.f32 v2, v27;
	v36 =	vmul.f32 v9, v25;
	s11 =	ssub.s32 $0x5F3759DF, s23;
	s23 =	smul.f32 $5.000000000e-01, s0;
	[dreg:$0x8] =	wrdreg s26  }
0x362: {  	v9 =	vmul.f32 v3, v27;
	v12 =	vmul.f32 v45, v26;
	v3 =	vadd.f32 v14, v4;
	s8 =	smax.f32 s4, $1.000000000e-30;
	s17 =	ssub.s32 $0x5F3759DF, s24;
	[tilespmem:s30+$0xFFFFFFA0] =	vst v8;
	s9 =	smax.f32 s25, $1.000000000e-30  }
0x363: {  	v15 =	vadd.f32 v2, v7;
	v11 =	vmul.f32 v13, v25;
	v10 =	vmul.f32 v46, v27;
	s4 =	sshrl.u32 s8, $0x1;
	s5 =	smul.f32 $5.000000000e-01, s8;
	[tilespmem:s30+$0xFFFFFFB0] =	vst v56;
	s29 =	sshrl.u32 s9, $0x1  }
0x364: {  	v14 =	vadd.f32 v34, v6;
	v13 =	vadd.f32 v35, v4;
	s21 =	ssub.s32 $0x5F3759DF, s4;
	v8 =	vmul.f32 v22, v25;
	s4 =	smul.f32 $5.000000000e-01, s12;
	[tilespmem:s30+$0xFFFFFFC0] =	vst v3;
	s18 =	ssub.s32 $0x5F3759DF, s29  }
.LBB2_9:
0x365: {  	v0 =	vld [tilespmem:s31+$0xC0]  }
0x366: {  	v3 =	vld [tilespmem:s31+$0xD0]  }
0x367: {  	s28 =	sadd.s32 $0x200, s28;
	v25 =	vld [tilespmem:s31+$0xFFFFFF00]  }
0x368: {  	v2 =	vadd.f32 v12, v6;
	v12 =	vld [tilespmem:s28+$0xC0]  }
0x369: {  	[tilespmem:s30+$0xFFFFFFD0] =	vst v16;
	v16 =	vld [tilespmem:s28+$0xD0]  }
0x36a: {  	v18 =	vld [tilespmem:s28+$0xE0]  }
0x36b: {  	[tilespmem:s30+$0xFFFFFFE0] =	vst v14;
	v20 =	vld [tilespmem:s28+$0xF0]  }
0x36c: {  	v10 =	vadd.f32 v10, v7;
	[tilespmem:s30+$0xFFFFFFF0] =	vst v15;
	v27 =	vadd.f32 v9, v7;
	v9 =	vld [tilespmem:s31+$0xE0]  }
0x36d: {  	v1 =	vadd.f32 v11, v5;
	v11 =	vadd.f32 v41, v4;
	[tilespmem:s30+$0x0] =	vst v13;
	v28 =	vld [tilespmem:s28+$0xFFFFFF50]  }
0x36e: {  	v14 =	vadd.f32 v36, v5;
	[tilespmem:s30+$0x30] =	vst v10;
	v10 =	vld [tilespmem:s31+$0xF0]  }
0x36f: {  	v15 =	vadd.f32 v44, v6;
	v13 =	vadd.f32 v37, v7;
	[tilespmem:s30+$0x40] =	vst v11;
	v11 =	vld [tilespmem:s28+$0xFFFFFF10]  }
0x370: {  	s20 =	smul.f32 $5.000000000e-01, s9;
	v26 =	vadd.f32 v38, v5;
	v29 =	vld [tilespmem:s28+$0xFFFFFF60];
	v12 =	vmul.f32 $8.000000000e+00, v12;
	v16 =	vmul.f32 $8.000000000e+00, v16  }
0x371: {  	s6 =	smul.f32 s10, s23;
	v21 =	vadd.f32 v39, v4;
	v30 =	vld [tilespmem:s28+$0xFFFFFF80];
	v18 =	vmul.f32 $8.000000000e+00, v18;
	v20 =	vmul.f32 $8.000000000e+00, v20  }
0x372: {  	s7 =	smul.f32 s14, s16;
	v34 =	vld [tilespmem:s28+$0xFFFFFFB0];
	v37 =	vadd.f32 v0, v12;
	v36 =	vadd.f32 v3, v16  }
0x373: {  	s24 =	smul.f32 s11, s15;
	v24 =	vld [tilespmem:s28+$0xFFFFFF00];
	v38 =	vadd.f32 v9, v18;
	v39 =	vadd.f32 v10, v20  }
0x374: {  	v17 =	vadd.f32 v42, v4;
	s25 =	smul.f32 s17, s19;
	v45 =	vld [tilespmem:s28+$0xFFFFFFC0];
	[tilespmem:s30+$0x10] =	vst v1;
	v12 =	vmul.f32 $8.000000000e+00, v11;
	v3 =	vadd.f32 v36, v37  }
0x375: {  	s29 =	rddreg [dreg:$0x8];
	s26 =	smul.f32 s22, s4;
	v46 =	vld [tilespmem:s28+$0xFFFFFFD0];
	[tilespmem:s30+$0x50] =	vst v14;
	v10 =	vadd.f32 v39, v38;
	v11 =	vmul.f32 v37, v37;
	v16 =	vmul.f32 v36, v36  }
0x376: {  	[dreg:$0xa] =	wrdreg s0;
	s2 =	smul.f32 s21, s5;
	s0 =	sadd.s32 $0x8, s29;
	v14 =	vld [tilespmem:s28+$0xFFFFFF20];
	[tilespmem:s30+$0x80] =	vst v17;
	v17 =	vmul.f32 v38, v38;
	v18 =	vmul.f32 v39, v39  }
0x377: {  	v8 =	vadd.f32 v8, v5;
	s29 =	smul.f32 s18, s20;
	[dreg:$0x8] =	wrdreg s0;
	[tilespmem:s30+$0x60] =	vst v15;
	v15 =	vld [tilespmem:s28+$0xFFFFFF30];
	v3 =	vadd.f32 v10, v3  }
0x378: {  	p0 =	slt.u32 s0, $0xC0;
	s0 =	rddreg [dreg:$0x5];
	s6 =	smul.f32 s10, s6;
	[tilespmem:s30+$0x70] =	vst v13;
	v13 =	vld [tilespmem:s28+$0xFFFFFF40];
	v10 =	vadd.f32 v16, v11;
	v11 =	vadd.f32 v18, v17  }
0x379: {  	s7 =	smul.f32 s14, s7;
	[tilespmem:s0+$0xD0] =	vst v8;
	v8 =	vld [tilespmem:s28+$0xFFFFFFA0]  }
0x37a: {  	s24 =	smul.f32 s11, s24;
	[tilespmem:s30+$0x90] =	vst v26;
	v26 =	vld [tilespmem:s31+$0xFFFFFF10];
	(xrf2) =	vadd.scan.msk.f32 $0xffff, v3;
	v3 =	vadd.f32 v11, v10  }
0x37b: {  	s25 =	smul.f32 s17, s25;
	[tilespmem:s30+$0xB0] =	vst v27;
	v27 =	vld [tilespmem:s31+$0xFFFFFF30]  }
0x37c: {  	[tilespmem:s30+$0x20] =	vst v2;
	s26 =	smul.f32 s22, s26;
	(xrf2) =	vadd.scan.msk.f32 $0xffff, v3;
	v3 =	vld [tilespmem:s28+$0xFFFFFFF0]  }
0x37d: {  	s2 =	smul.f32 s21, s2;
	v47 =	vld [tilespmem:s28+$0x0];
	s6 =	ssub.f32 $1.500000000e+00, s6  }
0x37e: {  	s29 =	smul.f32 s18, s29;
	v48 =	vld [tilespmem:s28+$0x10];
	s7 =	ssub.f32 $1.500000000e+00, s7  }
0x37f: {  	s24 =	ssub.f32 $1.500000000e+00, s24;
	s10 =	smul.f32 s10, s6;
	v9 =	vld [tilespmem:s28+$0xFFFFFF70]  }
0x380: {  	v49 =	vld [tilespmem:s28+$0x20];
	s25 =	ssub.f32 $1.500000000e+00, s25;
	s14 =	smul.f32 s14, s7  }
0x381: {  	s26 =	ssub.f32 $1.500000000e+00, s26;
	s11 =	smul.f32 s11, s24;
	v55 =	vmul.f32 $8.000000000e+00, v3;
	v3 =	vld [tilespmem:s28+$0x40]  }
0x382: {  	v50 =	vld [tilespmem:s28+$0x50];
	s2 =	ssub.f32 $1.500000000e+00, s2;
	s17 =	smul.f32 s17, s25  }
0x383: {  	v19 =	vadd.f32 v43, v6;
	v51 =	vld [tilespmem:s28+$0x60];
	s7 =	ssub.f32 $1.500000000e+00, s29;
	s22 =	smul.f32 s22, s26  }
0x384: {  	s21 =	smul.f32 s21, s2;
	v35 =	vmul.f32 $8.000000000e+00, v9;
	v9 =	vld [tilespmem:s28+$0xFFFFFFE0]  }
0x385: {  	[tilespmem:s30+$0xA0] =	vst v19;
	v52 =	vld [tilespmem:s28+$0x70];
	s18 =	smul.f32 s18, s7  }
0x386: {  	[tilespmem:$0x1F9C0] =	vst v60;
	s23 =	smul.f32 s10, s23;
	v60 =	vmul.f32 $8.000000000e+00, v3;
	v3 =	vld [tilespmem:s28+$0x90]  }
0x387: {  	v53 =	vld [tilespmem:s28+$0xA0];
	s24 =	smul.f32 s14, s16  }
0x388: {  	v23 =	vadd.f32 v40, v6;
	v54 =	vld [tilespmem:s28+$0xB0];
	v31 =	vmul.f32 $8.000000000e+00, v14;
	s25 =	smul.f32 s11, s15  }
0x389: {  	[tilespmem:s0+$0xC0] =	vst v21;
	v14 =	vld [tilespmem:s28+$0xFFFFFF90];
	v22 =	vmul.f32 $8.000000000e+00, v13;
	s26 =	smul.f32 s17, s19;
	v13 =	vmul.f32 $8.000000000e+00, v9;
	v9, _, _ =	vpop (xrf2)  }
0x38a: {  	s30 =	smov.u32 s0;
	[tilespmem:s0+$0xE0] =	vst v23;
	s29 =	smov.u32 s0;
	v32 =	vmul.f32 $8.000000000e+00, v15;
	v15 =	vmul.f32 $8.000000000e+00, v45;
	v45 =	vld [tilespmem:s31+$0xFFFFFF40];
	s0 =	smul.f32 s22, s4;
	(v2sf) =	vpush v9, $0xF;
	v9, _, _ =	vpop (xrf2)  }
0x38b: {  	v33 =	vmul.f32 $8.000000000e+00, v28;
	s16 =	smul.f32 s21, s5;
	(v2sf) =	vpush v9, $0xF;
	v9 =	vmul.f32 $8.000000000e+00, v3;
	v3 =	vld [tilespmem:s31+$0xFFFFFF20]  }
0x38c: {  	[tilespmem:$0x1F960] =	vst v57;
	v28 =	vmul.f32 $8.000000000e+00, v24;
	v57 =	vmul.f32 $8.000000000e+00, v48;
	v48 =	vld [tilespmem:s31+$0xFFFFFF80];
	s19 =	smul.f32 s18, s20  }
0x38d: {  	v21 =	vmul.f32 $8.000000000e+00, v29;
	v19 =	vmul.f32 $8.000000000e+00, v30;
	v30 =	vld [tilespmem:s31+$0xFFFFFF70];
	s2 =	smul.f32 s23, s10  }
0x38e: {  	v43 =	vadd.f32 v25, v28;
	s6 =	smul.f32 s24, s14;
	v16 =	vmul.f32 $8.000000000e+00, v14;
	v14 =	vmul.f32 $8.000000000e+00, v46;
	v46 =	vld [tilespmem:s31+$0xFFFFFF50]  }
0x38f: {  	[tilespmem:$0x1F970] =	vst v58;
	v29 =	vld [tilespmem:s31+$0xFFFFFF60];
	v56 =	vmul.f32 $8.000000000e+00, v47;
	v58 =	vmul.f32 $8.000000000e+00, v49;
	v40 =	vadd.f32 v26, v12;
	s7 =	smul.f32 s25, s11  }
0x390: {  	[tilespmem:$0x1F980] =	vst v61;
	v61 =	vmul.f32 $8.000000000e+00, v50;
	v41 =	vadd.f32 v27, v32;
	v32 =	vld [tilespmem:s31+$0xFFFFFF90];
	s15 =	smul.f32 s26, s17;
	v42 =	vadd.f32 v3, v31  }
0x391: {  	s4 =	smul.f32 s0, s22;
	v18 =	vmul.f32 $8.000000000e+00, v8;
	v8 =	vld [tilespmem:s28+$0x30];
	v44 =	vadd.f32 v45, v22;
	v48 =	vadd.f32 v48, v19  }
0x392: {  	s5 =	smul.f32 s16, s21;
	v12 =	vmul.f32 v40, v40;
	s2 =	ssub.f32 $1.500000000e+00, s2;
	v19 =	vld [tilespmem:s31+$0xFFFFFFD0];
	v31 =	vadd.f32 v40, v43;
	v49 =	vadd.f32 v41, v42  }
0x393: {  	s6 =	ssub.f32 $1.500000000e+00, s6;
	s16 =	smul.f32 s19, s18;
	v47 =	vadd.f32 v30, v35;
	v30 =	vld [tilespmem:s31+$0xFFFFFFC0];
	v45 =	vadd.f32 v46, v33;
	v3 =	vmul.f32 v43, v43  }
0x394: {  	[tilespmem:$0x1F9B0] =	vst v62;
	v62 =	vmul.f32 $8.000000000e+00, v51;
	s7 =	ssub.f32 $1.500000000e+00, s7;
	s2 =	smul.f32 s2, s10;
	v33 =	vld [tilespmem:s31+$0xFFFFFFA0];
	v46 =	vadd.f32 v29, v21;
	v0 =	vadd.f32 v49, v31  }
0x395: {  	[tilespmem:$0x1F9A0] =	vst v63;
	v63 =	vmul.f32 $8.000000000e+00, v52;
	v17 =	vmul.f32 $8.000000000e+00, v34;
	s15 =	ssub.f32 $1.500000000e+00, s15;
	s20 =	smul.f32 s6, s14;
	v12 =	vadd.f32 v12, v3;
	v3 =	vld [tilespmem:s31+$0xFFFFFFB0]  }
0x396: {  	v51 =	vmul.f32 v41, v41;
	s4 =	ssub.f32 $1.500000000e+00, s4;
	s11 =	smul.f32 s7, s11;
	v21 =	vld [tilespmem:s31+$0x70];
	v34 =	vadd.f32 v45, v44;
	v52 =	vadd.f32 v47, v46;
	(xrf2) =	vadd.scan.msk.f32 $0xffff, v0  }
0x397: {  	s5 =	ssub.f32 $1.500000000e+00, s5;
	v11 =	vmul.f32 $8.000000000e+00, v53;
	s15 =	smul.f32 s15, s17;
	v53 =	vadd.f32 v19, v14;
	v14 =	vld [tilespmem:s31+$0x20];
	v50 =	vmul.f32 v42, v42  }
0x398: {  	s23 =	ssub.f32 $1.500000000e+00, s16;
	s24 =	smul.f32 s4, s22;
	v19 =	vld [tilespmem:s31+$0x30];
	v2 =	vadd.f32 v52, v34;
	v52 =	vadd.f32 v30, v15  }
0x399: {  	s25 =	smul.f32 s5, s21;
	v1 =	vmul.f32 v44, v44;
	v15 =	vld [tilespmem:s31+$0x10];
	v49 =	vadd.f32 v32, v16;
	v16 =	vadd.f32 v51, v50  }
0x39a: {  	s14 =	rddreg [dreg:$0xa];
	s26 =	smul.f32 s23, s18;
	v25 =	vmul.f32 v47, v47;
	v31 =	vld [tilespmem:s31+$0xFFFFFFE0];
	v50 =	vadd.f32 v33, v18;
	v51 =	vadd.f32 v3, v17  }
0x39b: {  	s0 =	smul.f32 s2, s14;
	v35 =	vmul.f32 v45, v45;
	v24 =	vmul.f32 v46, v46;
	v17 =	vld [tilespmem:s31+$0x0]  }
0x39c: {  	s17 =	smul.f32 s20, s1;
	v32 =	vld [tilespmem:s31+$0xFFFFFFF0];
	v33 =	vadd.f32 v49, v48;
	v34 =	vadd.f32 v51, v50  }
0x39d: {  	[tilespmem:$0x1F990] =	vst v59;
	s18 =	smul.f32 s11, s3;
	v1 =	vadd.f32 v35, v1;
	v35 =	vld [tilespmem:s31+$0x40];
	v23 =	vadd.f32 v25, v24  }
0x39e: {  	v59 =	vmul.f32 $8.000000000e+00, v8;
	v8 =	vld [tilespmem:s28+$0x80];
	s20 =	smul.f32 s15, s13;
	v63 =	vadd.f32 v21, v63;
	(xrf2) =	vadd.scan.msk.f32 $0xffff, v2;
	v0 =	vadd.f32 v34, v33  }
0x39f: {  	s1 =	sadd.f32 $9.999999970e-07, s0;
	v58 =	vadd.f32 v14, v58;
	v57 =	vadd.f32 v15, v57;
	v15 =	vld [tilespmem:s31+$0x60];
	s19 =	spop (v2sf)  }
0x3a0: {  	v10 =	vmul.f32 $8.000000000e+00, v54;
	s0 =	smul.f32 $1.562500000e-02, s19;
	s21 =	spop (v2sf);
	v54 =	vadd.f32 v31, v13;
	v56 =	vadd.f32 v17, v56;
	v17 =	vld [tilespmem:s31+$0x50];
	v31, _, _ =	vpop (xrf2);
	(xrf2) =	vadd.scan.msk.f32 $0xffff, v0  }
0x3a1: {  	s3 =	sadd.f32 $9.999999970e-07, s17;
	v59 =	vadd.f32 v19, v59;
	s22 =	smul.f32 $1.562500000e-02, s21;
	v55 =	vadd.f32 v32, v55  }
0x3a2: {  	s5 =	sadd.f32 $9.999999970e-07, s18;
	v60 =	vadd.f32 v35, v60;
	v26 =	vmul.f32 v50, v50;
	s23 =	smul.f32 s0, s0;
	v27 =	vmul.f32 v51, v51  }
0x3a3: {  	s24 =	smul.f32 s24, s12;
	s4 =	sadd.f32 $9.999999970e-07, s20;
	v30 =	vld [tilespmem:s31+$0x80];
	v2 =	vadd.f32 v53, v52;
	v25 =	vadd.f32 v55, v54  }
0x3a4: {  	s6 =	smul.f32 s25, s8;
	v62 =	vadd.f32 v15, v62;
	s2 =	ssub.f32 s22, s23;
	v26 =	vadd.f32 v27, v26  }
0x3a5: {  	v22 =	vld [tilespmem:s31+$0x90];
	s8 =	sadd.f32 $9.999999970e-07, s24;
	s7 =	smul.f32 s26, s9;
	v8 =	vmul.f32 $8.000000000e+00, v8;
	v2 =	vadd.f32 v25, v2;
	v61 =	vadd.f32 v17, v61  }
0x3a6: {  	s11 =	ssub.s32 $0x7EF311C3, s1;
	s2 =	smul.f32 $1.015873070e+00, s2;
	v28 =	vmul.f32 v55, v55;
	v27 =	vld [tilespmem:s31+$0xB0];
	v19 =	vadd.f32 v57, v56;
	v0 =	vadd.f32 v59, v58  }
0x3a7: {  	s9 =	sadd.f32 $9.999999970e-07, s6;
	s13 =	ssub.s32 $0x7EF311C3, s3;
	s25 =	smul.f32 s11, s1;
	v34 =	vadd.f32 v63, v62;
	v17 =	vld [tilespmem:s31+$0xA0];
	v21 =	vadd.f32 v61, v60  }
0x3a8: {  	s26 =	smul.f32 s13, s3;
	v8 =	vadd.f32 v30, v8;
	v24 =	vmul.f32 v54, v54;
	s15 =	smax.f32 s2, $1.000000000e-30;
	v30, _, _ =	vpop (xrf2);
	(xrf2) =	vadd.scan.msk.f32 $0xffff, v2;
	v0 =	vadd.f32 v0, v19  }
0x3a9: {  	s12 =	ssub.s32 $0x7EF311C3, s5;
	v35 =	vmul.f32 v63, v63;
	v29 =	vmul.f32 v57, v57;
	s20 =	sshrl.u32 s15, $0x1;
	s6 =	smul.f32 $5.000000000e-01, s15;
	v21 =	vadd.f32 v34, v21  }
0x3aa: {  	v9 =	vadd.f32 v22, v9;
	s21 =	smul.f32 s12, s5;
	v22 =	vadd.f32 v28, v24;
	v14 =	vmul.f32 v56, v56;
	s20 =	ssub.s32 $0x5F3759DF, s20;
	v28, _, _ =	vpop (xrf2);
	(xrf2) =	vadd.scan.msk.f32 $0xffff, v0  }
0x3ab: {  	s16 =	ssub.s32 $0x7EF311C3, s8;
	s10 =	sadd.f32 $9.999999970e-07, s7;
	v15 =	vmul.f32 v60, v60;
	s22 =	smul.f32 s20, s6;
	v10 =	vadd.f32 v27, v10;
	v33 =	vmul.f32 v61, v61;
	(xrf2) =	vadd.scan.msk.f32 $0xffff, v21  }
0x3ac: {  	s24 =	smul.f32 s16, s8;
	s19 =	ssub.f32 $2.000000000e+00, s25;
	v25 =	vmul.f32 v62, v62;
	v14 =	vadd.f32 v29, v14;
	v11 =	vadd.f32 v17, v11  }
0x3ad: {  	s18 =	ssub.s32 $0x7EF311C3, s9;
	s7 =	ssub.f32 $2.000000000e+00, s21;
	v2 =	vadd.f32 v9, v8;
	s21 =	smul.f32 s20, s22;
	v29 =	vadd.f32 v33, v15  }
0x3ae: {  	s25 =	smul.f32 s18, s9;
	v15 =	vadd.f32 v35, v25;
	v24 =	vadd.f32 v10, v11  }
0x3af: {  	s14 =	ssub.s32 $0x7EF311C3, s4;
	v18 =	vmul.f32 v48, v48;
	v3 =	vmul.f32 v49, v49;
	s11 =	smul.f32 s11, s19;
	s21 =	ssub.f32 $1.500000000e+00, s21  }
0x3b0: {  	s23 =	smul.f32 s14, s4;
	v2 =	vadd.f32 v24, v2  }
0x3b1: {  	v12 =	vadd.f32 v16, v12;
	v3 =	vadd.f32 v3, v18;
	v27 =	vmul.f32 v10, v10;
	s20 =	smul.f32 s20, s21  }
0x3b2: {  	v1 =	vadd.f32 v23, v1;
	s1 =	smul.f32 s11, s1;
	v0 =	vadd.f32 v15, v29;
	v15, _, _ =	vpop (xrf2);
	(xrf2) =	vadd.scan.msk.f32 $0xffff, v2  }
0x3b3: {  	v3 =	vadd.f32 v26, v3;
	s6 =	smul.f32 s20, s6;
	v19 =	vmul.f32 v11, v11;
	(xrf2) =	vadd.scan.msk.f32 $0xffff, v12  }
0x3b4: {  	s12 =	smul.f32 s12, s7;
	v26, _, _ =	vpop (xrf2);
	(xrf2) =	vadd.scan.msk.f32 $0xffff, v1  }
0x3b5: {  	s17 =	ssub.s32 $0x7EF311C3, s10;
	s2 =	ssub.f32 $2.000000000e+00, s26;
	s6 =	smul.f32 s6, s20;
	v16 =	vadd.f32 v27, v19;
	v27, _, _ =	vpop (xrf2);
	(xrf2) =	vadd.scan.msk.f32 $0xffff, v3;
	v3 =	vld [tilespmem:$0x1F9F0]  }
0x3b6: {  	s1 =	ssub.f32 $2.000000000e+00, s1;
	s26 =	smul.f32 s17, s10;
	(v2sf) =	vpush v31, $0xF  }
0x3b7: {  	s13 =	smul.f32 s13, s2;
	(v2sf) =	vpush v30, $0xF;
	s2 =	ssub.f32 $1.500000000e+00, s6  }
0x3b8: {  	s1 =	smul.f32 s1, s11;
	(v2sf) =	vpush v28, $0xF  }
0x3b9: {  	(v2sf) =	vpush v15, $0xF;
	v15 =	vmov s0;
	s2 =	smul.f32 s2, s20  }
0x3ba: {  	s5 =	smul.f32 s12, s5;
	s22 =	ssub.f32 $2.000000000e+00, s23;
	v23 =	vsub.f32 v37, v15;
	v37 =	vmul.f32 s1, v3;
	v3 =	vld [tilespmem:$0x1FA00]  }
0x3bb: {  	v20 =	vmul.f32 v53, v53;
	v13 =	vmul.f32 v52, v52;
	s23 =	ssub.f32 $2.000000000e+00, s24;
	s2 =	smul.f32 s2, s15  }
0x3bc: {  	s3 =	smul.f32 s13, s3;
	s24 =	ssub.f32 $2.000000000e+00, s25  }
0x3bd: {  	v13 =	vadd.f32 v20, v13;
	v20 =	vmul.f32 v9, v9;
	s14 =	smul.f32 s14, s22;
	v17 =	vmul.f32 v8, v8;
	s2 =	sadd.f32 $9.999999970e-07, s2  }
0x3be: {  	s7 =	smul.f32 s16, s23  }
0x3bf: {  	s26 =	ssub.f32 $2.000000000e+00, s26;
	s22 =	smul.f32 s18, s24;
	v17 =	vadd.f32 v20, v17;
	v20 =	vsub.f32 v36, v15;
	s24 =	ssub.s32 $0x7EF311C3, s2;
	v36 =	vmul.f32 s1, v3;
	v3 =	vld [tilespmem:$0x1FA40]  }
0x3c0: {  	s3 =	ssub.f32 $2.000000000e+00, s3;
	s25 =	smul.f32 s24, s2  }
0x3c1: {  	s5 =	ssub.f32 $2.000000000e+00, s5;
	s23 =	smul.f32 s17, s26  }
0x3c2: {  	s26 =	smul.f32 s3, s13;
	s16 =	ssub.f32 $2.000000000e+00, s25  }
0x3c3: {  	v18 =	vmul.f32 v58, v58;
	v32 =	vmul.f32 v59, v59;
	s5 =	smul.f32 s5, s12;
	(v2sf) =	vpush v26, $0xF  }
0x3c4: {  	v24 =	vadd.f32 v16, v17;
	s6 =	smul.f32 s24, s16;
	v17 =	vmul.f32 s26, v3;
	v3 =	vld [tilespmem:$0x1FAA0]  }
0x3c5: {  	v18 =	vadd.f32 v32, v18;
	v32 =	vld [tilespmem:$0x1FFB0];
	s4 =	smul.f32 s14, s4  }
0x3c6: {  	(v2sf) =	vpush v27, $0xF;
	v27 =	vld [tilespmem:$0x1FA70];
	s2 =	smul.f32 s6, s2  }
0x3c7: {  	v35 =	vld [tilespmem:$0x1FFE0];
	s8 =	smul.f32 s7, s8;
	s4 =	ssub.f32 $2.000000000e+00, s4;
	v28, _, _ =	vpop (xrf2)  }
0x3c8: {  	v13 =	vadd.f32 v22, v13;
	s9 =	smul.f32 s22, s9;
	v29 =	vld [tilespmem:$0x1F9E0];
	(v2sf) =	vpush v28, $0xF;
	s2 =	ssub.f32 $2.000000000e+00, s2  }
0x3c9: {  	v14 =	vadd.f32 v18, v14;
	s12 =	smul.f32 s4, s14;
	v30 =	vsub.f32 v39, v15;
	v31, _, _ =	vpop (xrf2);
	v19 =	vmul.f32 s5, v3;
	v3 =	vld [tilespmem:$0x1FAE0]  }
0x3ca: {  	v21 =	vsub.f32 v38, v15;
	v38 =	vld [tilespmem:$0x1FA10];
	s14 =	spop (v2sf);
	(xrf2) =	vadd.scan.msk.f32 $0xffff, v13;
	(v2sf) =	vpush v31, $0xF;
	s3 =	smul.f32 s2, s6  }
0x3cb: {  	v13 =	vmul.f32 s5, v27;
	s2 =	smul.f32 $1.562500000e-02, s14  }
0x3cc: {  	s10 =	smul.f32 s23, s10;
	v39 =	vld [tilespmem:$0x1FA20];
	(xrf2) =	vadd.scan.msk.f32 $0xffff, v14;
	v25, _, _ =	vpop (xrf2);
	v1 =	vmul.f32 s3, v30  }
0x3cd: {  	s8 =	ssub.f32 $2.000000000e+00, s8;
	s16 =	spop (v2sf);
	v13 =	vmul.f32 v13, v32;
	(v2sf) =	vpush v25, $0xF;
	v30 =	vmov s2  }
0x3ce: {  	s9 =	ssub.f32 $2.000000000e+00, s9;
	v28 =	vld [tilespmem:$0x1FA80];
	(xrf2) =	vadd.scan.msk.f32 $0xffff, v0;
	s6 =	smul.f32 $1.562500000e-02, s16;
	v1 =	vmul.f32 v1, v35;
	v15 =	vmul.f32 s12, v3;
	v3 =	vsub.f32 v43, v30  }
0x3cf: {  	s0 =	smul.f32 s8, s7;
	v12 =	vmul.f32 s1, v29;
	v16 =	vmul.f32 s1, v38;
	s17 =	spop (v2sf);
	v31, _, _ =	vpop (xrf2);
	v13 =	vadd.f32 v13, v4  }
0x3d0: {  	s7 =	smul.f32 $1.562500000e-02, s17;
	s18 =	spop (v2sf);
	(v2sf) =	vpush v31, $0xF;
	v1 =	vadd.f32 v1, v7;
	[tilespmem:$0x1F9E0] =	vst v3;
	v3 =	vmov s6  }
0x3d1: {  	s19 =	sadd.s32 $0x200, s29;
	s4 =	smul.f32 s9, s22;
	v29 =	vld [tilespmem:$0x1FA90];
	v38 =	vmul.f32 s26, v39;
	(xrf2) =	vadd.scan.msk.f32 $0xffff, v24;
	v0 =	vsub.f32 v41, v30;
	v43 =	vsub.f32 v44, v3  }
0x3d2: {  	v22 =	vld [tilespmem:$0x1FA30];
	s8 =	smul.f32 $1.562500000e-02, s18;
	s20 =	spop (v2sf);
	[tilespmem:s19+$0xF0] =	vst v1;
	v1 =	vmov s7;
	v45 =	vsub.f32 v45, v3;
	v27 =	vsub.f32 v46, v3  }
0x3d3: {  	v34 =	vld [tilespmem:$0x1FFD0];
	s10 =	ssub.f32 $2.000000000e+00, s10;
	v18 =	vmul.f32 s5, v28;
	s9 =	smul.f32 $1.562500000e-02, s20;
	v28 =	vsub.f32 v47, v3;
	v3 =	vsub.f32 v49, v1  }
0x3d4: {  	v26 =	vld [tilespmem:$0x1FA50];
	s22 =	smul.f32 s8, s8;
	v40 =	vsub.f32 v40, v30;
	v42 =	vsub.f32 v42, v30;
	[tilespmem:$0x1FA10] =	vst v0;
	v0 =	vmov s8;
	v44, _, _ =	vpop (xrf2)  }
0x3d5: {  	s1 =	smul.f32 s10, s23;
	v24 =	vmov s9;
	v30 =	vsub.f32 v48, v1;
	(v2sf) =	vpush v44, $0xF;
	[tilespmem:$0x1FA80] =	vst v3;
	v3 =	vld [tilespmem:$0x1FB00]  }
0x3d6: {  	v14 =	vmul.f32 s5, v29;
	v29 =	vld [tilespmem:$0x1FAF0];
	s2 =	smul.f32 s2, s2;
	s21 =	spop (v2sf);
	v46 =	vsub.f32 v54, v0;
	v49 =	vsub.f32 v56, v24;
	v31, _, _ =	vpop (xrf2)  }
0x3d7: {  	v39 =	vmul.f32 s26, v22;
	s10 =	smul.f32 $1.562500000e-02, s21;
	s23 =	spop (v2sf);
	[tilespmem:$0x1FA20] =	vst v43;
	(v2sf) =	vpush v31, $0xF;
	v43 =	vsub.f32 v52, v0  }
0x3d8: {  	v14 =	vmul.f32 v14, v34;
	s24 =	smul.f32 $1.562500000e-02, s23;
	v44 =	vld [tilespmem:$0x1FB10];
	[tilespmem:$0x1FA30] =	vst v45;
	v45 =	vsub.f32 v53, v0;
	v47, _, _ =	vpop (xrf2);
	v0 =	vsub.f32 v55, v0  }
0x3d9: {  	v22 =	vmul.f32 s26, v26;
	[tilespmem:$0x1F9F0] =	vst v40;
	s7 =	smul.f32 s7, s7;
	s26 =	spop (v2sf);
	v48 =	vld [tilespmem:$0x1FB60];
	v52 =	vsub.f32 v59, v24;
	(v2sf) =	vpush v47, $0xF  }
0x3da: {  	s9 =	smul.f32 s9, s9;
	[tilespmem:$0x1FB10] =	vst v0;
	v0 =	vmov s24;
	v40 =	vmul.f32 s12, v3;
	v3 =	vsub.f32 v50, v1;
	v50 =	vld [tilespmem:$0x1FB70]  }
0x3db: {  	v41 =	vmul.f32 s12, v29;
	s25 =	smul.f32 s10, s10;
	v54 =	vld [tilespmem:$0x1F960];
	[tilespmem:$0x1FB60] =	vst v49;
	v9 =	vsub.f32 v9, v0;
	v1 =	vsub.f32 v51, v1  }
0x3dc: {  	s29 =	smul.f32 $1.562500000e-02, s26;
	v49 =	vld [tilespmem:$0x1FC00];
	v53, _, _ =	vpop (xrf2);
	v51 =	vsub.f32 v57, v24;
	v57 =	vsub.f32 v58, v24;
	[tilespmem:$0x1FA90] =	vst v3;
	v3 =	vmov s10  }
0x3dd: {  	[tilespmem:$0x1FA00] =	vst v42;
	s5 =	smul.f32 s24, s24;
	v42 =	vmul.f32 s12, v44;
	s12 =	spop (v2sf);
	(v2sf) =	vpush v53, $0xF;
	v58 =	vmovc v52;
	v52 =	vld [tilespmem:$0x1F980];
	v55 =	vsub.f32 v60, v3  }
0x3de: {  	s2 =	ssub.f32 s29, s2;
	s6 =	smul.f32 s6, s6;
	[tilespmem:$0x1FAE0] =	vst v43;
	v43 =	vmul.f32 s0, v48;
	v60 =	vld [tilespmem:$0x1F970];
	v61 =	vsub.f32 v61, v3;
	v48 =	vsub.f32 v62, v3  }
0x3df: {  	s13 =	smul.f32 $1.562500000e-02, s12;
	[tilespmem:$0x1FAA0] =	vst v1;
	v1 =	vmul.f32 s0, v50;
	v50 =	vsub.f32 v63, v3;
	v3 =	vsub.f32 v8, v0;
	v8 =	vld [tilespmem:$0x1FC20]  }
0x3e0: {  	v17 =	vmul.f32 v17, v34;
	s2 =	smul.f32 $1.015873070e+00, s2;
	v11 =	vsub.f32 v11, v0;
	v0 =	vsub.f32 v10, v0;
	v10 =	vld [tilespmem:$0x1F990]  }
0x3e1: {  	v33 =	vld [tilespmem:$0x1FFC0];
	[tilespmem:s30+$0xFFFFFF80] =	vst v13;
	v13 =	vadd.f32 v14, v6;
	s14 =	spop (v2sf);
	s6 =	ssub.f32 s13, s6  }
0x3e2: {  	v16 =	vmul.f32 v16, v35;
	v17 =	vadd.f32 v17, v6;
	s15 =	smul.f32 $1.562500000e-02, s14  }
0x3e3: {  	[tilespmem:s30+$0xFFFFFFA0] =	vst v13;
	v26 =	vmul.f32 s0, v54;
	s6 =	smul.f32 $1.015873070e+00, s6;
	v25 =	vmul.f32 s0, v60;
	s0 =	smax.f32 s2, $1.000000000e-30  }
0x3e4: {  	[tilespmem:s30+$0xFFFFFF60] =	vst v17;
	v29 =	vmul.f32 s4, v49;
	v24 =	vmul.f32 s4, v52;
	s2 =	ssub.f32 s15, s7;
	s17 =	spop (v2sf)  }
0x3e5: {  	[dreg:$0x5] =	wrdreg s19;
	[tilespmem:$0x1FA40] =	vst v27;
	v8 =	vmul.f32 s4, v8;
	v27 =	vmul.f32 s4, v10;
	s4 =	smul.f32 $1.562500000e-02, s17  }
0x3e6: {  	v22 =	vmul.f32 v22, v35;
	v18 =	vmul.f32 v18, v33;
	[tilespmem:$0x1FA70] =	vst v30;
	s2 =	smul.f32 $1.015873070e+00, s2;
	s19 =	spop (v2sf)  }
0x3e7: {  	v23 =	vmul.f32 s3, v23;
	v15 =	vmul.f32 v15, v32;
	[tilespmem:$0x1FB70] =	vst v51;
	v51 =	vmov v55;
	v55 =	vld [tilespmem:$0x1F9A0];
	s20 =	smul.f32 $1.562500000e-02, s19  }
0x3e8: {  	v56 =	vmul.f32 s3, v20;
	[tilespmem:$0x1FA50] =	vst v28;
	v62 =	vmovc v11;
	v11 =	vmul.f32 v37, v33;
	v63 =	vmov v9;
	v9 =	vld [tilespmem:$0x1F9C0];
	s4 =	ssub.f32 s4, s22;
	s22 =	spop (v2sf)  }
0x3e9: {  	v20 =	vmul.f32 s3, v21;
	[tilespmem:$0x1FB00] =	vst v46;
	v49 =	vmul.f32 v39, v33;
	v54 =	vmov v3;
	v3 =	vld [tilespmem:$0x1F9B0];
	s3 =	smax.f32 s2, $1.000000000e-30;
	s23 =	smul.f32 $1.562500000e-02, s22  }
0x3ea: {  	v39 =	vmul.f32 v23, v32;
	v53 =	vmov v61;
	v11 =	vadd.f32 v11, v5;
	[tilespmem:$0x1FC00] =	vst v51;
	v10 =	vld [tilespmem:$0x1FC60];
	s2 =	ssub.f32 s20, s9;
	s15 =	smul.f32 $5.000000000e-01, s3  }
0x3eb: {  	v52 =	vmul.f32 v43, v32;
	[tilespmem:$0x1FC20] =	vst v53;
	v51 =	vmul.f32 v42, v35;
	v61 =	vmov v48;
	s4 =	smul.f32 $1.015873070e+00, s4  }
0x3ec: {  	v48 =	vmul.f32 v38, v32;
	[tilespmem:s30+$0xFFFFFF10] =	vst v11;
	v11 =	vadd.f32 v16, v7;
	v16 =	vmul.f32 v19, v35;
	s2 =	smul.f32 $1.015873070e+00, s2  }
0x3ed: {  	v53 =	vadd.f32 v22, v7;
	v59 =	vmovc v50;
	v19 =	vmul.f32 v41, v33;
	v50 =	vmul.f32 v40, v34;
	s13 =	smax.f32 s4, $1.000000000e-30;
	s4 =	ssub.f32 s23, s25  }
0x3ee: {  	[tilespmem:$0x1FAF0] =	vst v45;
	v2 =	vmul.f32 s1, v55;
	v9 =	vmul.f32 s1, v9;
	s25 =	spop (v2sf);
	s23 =	smul.f32 $5.000000000e-01, s0  }
0x3ef: {  	[tilespmem:s30+$0xFFFFFF70] =	vst v53;
	s16 =	sshrl.u32 s0, $0x1;
	v3 =	vmul.f32 s1, v3;
	v28 =	vmul.f32 s1, v10;
	s1 =	smax.f32 s6, $1.000000000e-30;
	s26 =	smul.f32 $1.562500000e-02, s25  }
0x3f0: {  	v41 =	vmul.f32 v29, v32;
	[tilespmem:$0x1FC60] =	vst v54;
	s10 =	ssub.s32 $0x5F3759DF, s16;
	v54 =	vadd.f32 v18, v5;
	v10 =	vmul.f32 v12, v32;
	s16 =	smul.f32 $5.000000000e-01, s1  }
0x3f1: {  	v44 =	vmul.f32 v24, v34;
	v40 =	vmul.f32 v20, v34;
	[tilespmem:s30+$0xFFFFFF30] =	vst v11;
	v55 =	vadd.f32 v16, v7;
	s12 =	smax.f32 s2, $1.000000000e-30;
	s2 =	ssub.f32 s26, s5  }
0x3f2: {  	s31 =	sadd.s32 $0x200, s31;
	v13 =	vadd.f32 v52, v4;
	[tilespmem:s30+$0xFFFFFF90] =	vst v54;
	s21 =	sshrl.u32 s3, $0x1;
	v12 =	vmul.f32 v36, v34;
	v10 =	vadd.f32 v10, v4;
	s4 =	smul.f32 $1.015873070e+00, s4  }
0x3f3: {  	[tilespmem:s30+$0xFFFFFFB0] =	vst v55;
	s11 =	ssub.s32 $0x5F3759DF, s21;
	v36 =	vmul.f32 v8, v33;
	v8 =	vmul.f32 v56, v33;
	v56 =	vadd.f32 v15, v4;
	s18 =	sshrl.u32 s1, $0x1;
	s2 =	smul.f32 $1.015873070e+00, s2  }
.Ltmp4:
0x3f4: {  	v60 =	vmov v0;
	v11 =	vmul.f32 v1, v33;
	s14 =	ssub.s32 $0x5F3759DF, s18;
	s24 =	sshrl.u32 s13, $0x1;
	[tilespmem:s30+$0xFFFFFF00] =	vst v10;
	v10 =	vadd.f32 v12, v6;
	(pc) =	sbr.rel @p0 .LBB2_9-.Ltmp4, $4  }
0x3f5: {  	v14 =	vadd.f32 v50, v6;
	v37 =	vmul.f32 v27, v35;
	s19 =	smul.f32 $5.000000000e-01, s13;
	[tilespmem:s30+$0xFFFFFFC0] =	vst v56;
	s17 =	ssub.s32 $0x5F3759DF, s24;
	s29 =	sshrl.u32 s12, $0x1;
	v12 =	vadd.f32 v49, v5  }
0x3f6: {  	v38 =	vmul.f32 v2, v33;
	v9 =	vmul.f32 v9, v35;
	s22 =	ssub.s32 $0x5F3759DF, s29;
	s8 =	smax.f32 s4, $1.000000000e-30;
	[tilespmem:s30+$0xFFFFFF20] =	vst v10;
	v10 =	vadd.f32 v48, v4;
	s9 =	smax.f32 s2, $1.000000000e-30  }
0x3f7: {  	v16 =	vadd.f32 v19, v5;
	v43 =	vmul.f32 v3, v34;
	v42 =	vmul.f32 v28, v32;
	[tilespmem:s30+$0xFFFFFF50] =	vst v12;
	s4 =	sshrl.u32 s8, $0x1;
	s5 =	smul.f32 $5.000000000e-01, s8;
	s2 =	sshrl.u32 s9, $0x1  }
0x3f8: {  	v15 =	vadd.f32 v51, v7;
	v12 =	vmul.f32 v26, v34;
	s21 =	ssub.s32 $0x5F3759DF, s4;
	s4 =	smul.f32 $5.000000000e-01, s12;
	[tilespmem:s30+$0xFFFFFF40] =	vst v10;
	v10 =	vmul.f32 v25, v35;
	s18 =	ssub.s32 $0x5F3759DF, s2  }
0x3f9: {  	s2 =	smul.f32 s10, s23  }
0x3fa: {  	s6 =	smul.f32 s14, s16  }
0x3fb: {  	s7 =	smul.f32 s11, s15  }
0x3fc: {  	s25 =	smul.f32 s17, s19  }
0x3fd: {  	s28 =	smul.f32 s21, s5  }
0x3fe: {  	s29 =	smul.f32 $5.000000000e-01, s9  }
0x3ff: {  	s26 =	smul.f32 s22, s4  }
0x400: {  	s2 =	smul.f32 s10, s2  }
0x401: {  	s6 =	smul.f32 s14, s6  }
0x402: {  	s20 =	smul.f32 s18, s29  }
0x403: {  	s7 =	smul.f32 s11, s7;
	s2 =	ssub.f32 $1.500000000e+00, s2  }
0x404: {  	s6 =	ssub.f32 $1.500000000e+00, s6;
	s20 =	smul.f32 s18, s20  }
0x405: {  	s2 =	smul.f32 s10, s2  }
0x406: {  	s7 =	ssub.f32 $1.500000000e+00, s7;
	s6 =	smul.f32 s14, s6  }
0x407: {  	s10 =	smul.f32 s17, s25  }
0x408: {  	s7 =	smul.f32 s11, s7  }
0x409: {  	s14 =	smul.f32 s22, s26  }
0x40a: {  	s11 =	smul.f32 s21, s28  }
0x40b: {  	s20 =	ssub.f32 $1.500000000e+00, s20;
	s31 =	smul.f32 s2, s23  }
0x40c: {  	s10 =	ssub.f32 $1.500000000e+00, s10;
	s23 =	smul.f32 s7, s15  }
0x40d: {  	s14 =	ssub.f32 $1.500000000e+00, s14;
	s24 =	smul.f32 s18, s20  }
0x40e: {  	s11 =	ssub.f32 $1.500000000e+00, s11;
	s10 =	smul.f32 s17, s10  }
0x40f: {  	s14 =	smul.f32 s22, s14  }
0x410: {  	s11 =	smul.f32 s21, s11  }
0x411: {  	s22 =	smul.f32 s6, s16  }
0x412: {  	s21 =	smul.f32 s31, s2  }
0x413: {  	s15 =	smul.f32 s23, s7  }
0x414: {  	s29 =	smul.f32 s24, s29  }
0x415: {  	s16 =	smul.f32 s22, s6  }
0x416: {  	s21 =	ssub.f32 $1.500000000e+00, s21;
	s25 =	smul.f32 s10, s19  }
0x417: {  	s26 =	smul.f32 s14, s4  }
0x418: {  	s2 =	smul.f32 s21, s2  }
0x419: {  	[tilespmem:s30+$0xFFFFFFD0] =	vst v16;
	s28 =	smul.f32 s11, s5  }
0x41a: {  	[tilespmem:s30+$0xFFFFFFE0] =	vst v14;
	s16 =	ssub.f32 $1.500000000e+00, s16;
	s0 =	smul.f32 s2, s0  }
0x41b: {  	v0 =	vadd.f32 v11, v5;
	[tilespmem:s30+$0x0] =	vst v13;
	s15 =	ssub.f32 $1.500000000e+00, s15;
	s31 =	smul.f32 s29, s24  }
0x41c: {  	v26 =	vadd.f32 v41, v4;
	[tilespmem:s30+$0xFFFFFFF0] =	vst v15;
	s6 =	smul.f32 s16, s6;
	s16 =	sadd.f32 $9.999999970e-07, s0  }
0x41d: {  	v27 =	vadd.f32 v36, v5;
	[tilespmem:s30+$0x10] =	vst v0;
	s7 =	smul.f32 s15, s7  }
0x41e: {  	v28 =	vadd.f32 v44, v6;
	[tilespmem:s30+$0x40] =	vst v26;
	s15 =	smul.f32 s25, s10;
	s19 =	ssub.s32 $0x7EF311C3, s16  }
0x41f: {  	v29 =	vadd.f32 v37, v7;
	[tilespmem:s30+$0x50] =	vst v27;
	s20 =	smul.f32 s19, s16  }
0x420: {  	v30 =	vadd.f32 v42, v4;
	[tilespmem:s30+$0x60] =	vst v28;
	s4 =	smul.f32 s26, s14  }
0x421: {  	v31 =	vadd.f32 v38, v5;
	[tilespmem:s30+$0x70] =	vst v29;
	s17 =	smul.f32 s7, s3;
	s22 =	ssub.f32 $2.000000000e+00, s20  }
0x422: {  	v1 =	vadd.f32 v12, v6;
	[tilespmem:s30+$0x80] =	vst v30;
	s15 =	ssub.f32 $1.500000000e+00, s15;
	s1 =	smul.f32 s6, s1  }
0x423: {  	v2 =	vadd.f32 v10, v7;
	[tilespmem:s30+$0x90] =	vst v31;
	s4 =	ssub.f32 $1.500000000e+00, s4;
	s7 =	smul.f32 s19, s22  }
0x424: {  	[tilespmem:s30+$0x20] =	vst v1;
	s10 =	smul.f32 s15, s10;
	s1 =	sadd.f32 $9.999999970e-07, s1  }
0x425: {  	v36 =	vadd.f32 v43, v6;
	[tilespmem:s30+$0x30] =	vst v2;
	s6 =	smul.f32 s7, s16  }
0x426: {  	v37 =	vadd.f32 v9, v7;
	v2 =	vld [tilespmem:$0x1F9E0];
	s4 =	smul.f32 s4, s14;
	s14 =	ssub.f32 $1.500000000e+00, s31;
	s21 =	ssub.s32 $0x7EF311C3, s1  }
0x427: {  	[tilespmem:s30+$0xA0] =	vst v36;
	s23 =	smul.f32 s21, s1;
	s6 =	ssub.f32 $2.000000000e+00, s6  }
0x428: {  	v0 =	vld [tilespmem:$0x1F9F0];
	[tilespmem:s30+$0xB0] =	vst v37;
	s15 =	smul.f32 s14, s24  }
0x429: {  	v3 =	vadd.f32 v39, v4;
	v38 =	vadd.f32 v8, v5;
	v8 =	vld [tilespmem:$0x1FA00];
	s26 =	ssub.f32 $2.000000000e+00, s23;
	s6 =	smul.f32 s6, s7  }
0x42a: {  	s25 =	smul.f32 s15, s9;
	s15 =	rddreg [dreg:$0x5]  }
0x42b: {  	[tilespmem:s15+$0xC0] =	vst v3;
	s2 =	smul.f32 s21, s26;
	v2 =	vmul.f32 s6, v2  }
0x42c: {  	v39 =	vadd.f32 v40, v6;
	s5 =	smul.f32 s28, s11;
	s24 =	sadd.f32 $9.999999970e-07, s17;
	v3 =	vld [tilespmem:$0x1FA10]  }
0x42d: {  	[tilespmem:s15+$0xD0] =	vst v38;
	s1 =	smul.f32 s2, s1;
	v2 =	vmul.f32 v2, v32  }
0x42e: {  	s5 =	ssub.f32 $1.500000000e+00, s5;
	s18 =	smul.f32 s10, s13;
	s28 =	ssub.s32 $0x7EF311C3, s24;
	v1 =	vld [tilespmem:$0x1FA20];
	[tilespmem:s15+$0xE0] =	vst v39;
	v8 =	vmul.f32 s6, v8  }
0x42f: {  	s29 =	smul.f32 s28, s24;
	v9 =	vld [tilespmem:$0x1FA30];
	s1 =	ssub.f32 $2.000000000e+00, s1;
	v0 =	vmul.f32 s6, v0;
	v2 =	vadd.f32 v2, v4  }
0x430: {  	s5 =	smul.f32 s5, s11;
	s3 =	sadd.f32 $9.999999970e-07, s18;
	v8 =	vmul.f32 v8, v34  }
0x431: {  	s9 =	ssub.f32 $2.000000000e+00, s29;
	v40 =	vld [tilespmem:$0x1FA40];
	s1 =	smul.f32 s1, s2;
	v3 =	vmul.f32 s6, v3;
	v0 =	vmul.f32 v0, v33;
	[tilespmem:s15+$0xFFFFFF00] =	vst v2  }
0x432: {  	s5 =	smul.f32 s5, s8;
	v41 =	vadd.f32 v8, v6;
	v8 =	vld [tilespmem:$0x1FA50]  }
0x433: {  	s31 =	ssub.s32 $0x7EF311C3, s3;
	s8 =	smul.f32 s28, s9;
	v1 =	vmul.f32 s1, v1;
	v3 =	vmul.f32 v3, v35;
	v0 =	vadd.f32 v0, v5  }
0x434: {  	s11 =	smul.f32 s31, s3;
	v9 =	vmul.f32 s1, v9  }
0x435: {  	s14 =	smul.f32 s8, s24;
	v1 =	vmul.f32 v1, v32;
	v42 =	vadd.f32 v3, v7;
	[tilespmem:s15+$0xFFFFFF10] =	vst v0  }
0x436: {  	s13 =	ssub.f32 $2.000000000e+00, s11;
	v9 =	vmul.f32 v9, v33;
	v3 =	vld [tilespmem:$0x1FA70];
	[tilespmem:s15+$0xFFFFFF20] =	vst v41  }
0x437: {  	s4 =	smul.f32 s4, s12;
	s7 =	ssub.f32 $2.000000000e+00, s14;
	v1 =	vadd.f32 v1, v4;
	v2 =	vld [tilespmem:$0x1FA80];
	[tilespmem:s15+$0xFFFFFF30] =	vst v42;
	v8 =	vmul.f32 s1, v8  }
0x438: {  	s2 =	smul.f32 s31, s13;
	v43 =	vadd.f32 v9, v5;
	v44 =	vld [tilespmem:$0x1FA90]  }
0x439: {  	s4 =	sadd.f32 $9.999999970e-07, s4;
	s7 =	smul.f32 s7, s8;
	v10 =	vmul.f32 s1, v40;
	[tilespmem:s15+$0xFFFFFF40] =	vst v1;
	v8 =	vmul.f32 v8, v35  }
0x43a: {  	s3 =	smul.f32 s2, s3;
	v46 =	vld [tilespmem:$0x1FAA0];
	[tilespmem:s15+$0xFFFFFF50] =	vst v43  }
0x43b: {  	s16 =	ssub.s32 $0x7EF311C3, s4;
	v10 =	vmul.f32 v10, v34;
	v3 =	vmul.f32 s7, v3;
	v47 =	vadd.f32 v8, v7;
	v8 =	vld [tilespmem:$0x1FAE0]  }
0x43c: {  	s17 =	smul.f32 s16, s4;
	s3 =	ssub.f32 $2.000000000e+00, s3;
	v2 =	vmul.f32 s7, v2  }
0x43d: {  	v45 =	vadd.f32 v10, v6;
	v9 =	vmul.f32 s7, v44;
	v3 =	vmul.f32 v3, v32  }
0x43e: {  	s6 =	ssub.f32 $2.000000000e+00, s17;
	s2 =	smul.f32 s3, s2;
	v2 =	vmul.f32 v2, v33  }
0x43f: {  	[tilespmem:s15+$0xFFFFFF60] =	vst v45;
	v9 =	vmul.f32 v9, v34;
	v48 =	vadd.f32 v3, v4  }
0x440: {  	s6 =	smul.f32 s16, s6;
	v3 =	vld [tilespmem:$0x1FAF0];
	[tilespmem:s15+$0xFFFFFF70] =	vst v47;
	v49 =	vadd.f32 v2, v5;
	v8 =	vmul.f32 s2, v8  }
0x441: {  	v50 =	vld [tilespmem:$0x1FB00];
	[tilespmem:s15+$0xFFFFFF80] =	vst v48;
	v51 =	vadd.f32 v9, v6  }
0x442: {  	s5 =	sadd.f32 $9.999999970e-07, s5;
	s20 =	smul.f32 s6, s4;
	v52 =	vld [tilespmem:$0x1FB10];
	[tilespmem:s15+$0xFFFFFF90] =	vst v49;
	v8 =	vmul.f32 v8, v32  }
0x443: {  	v10 =	vmul.f32 s7, v46;
	v54 =	vld [tilespmem:$0x1FB60];
	[tilespmem:s15+$0xFFFFFFA0] =	vst v51  }
0x444: {  	s18 =	ssub.s32 $0x7EF311C3, s5;
	s3 =	ssub.f32 $2.000000000e+00, s20;
	v55 =	vadd.f32 v8, v4;
	v8 =	vld [tilespmem:$0x1FB70]  }
0x445: {  	s0 =	sadd.f32 $9.999999970e-07, s25;
	s19 =	smul.f32 s18, s5;
	v10 =	vmul.f32 v10, v35;
	v3 =	vmul.f32 s2, v3  }
0x446: {  	s3 =	smul.f32 s3, s6;
	v2 =	vmul.f32 s2, v50  }
0x447: {  	s21 =	ssub.s32 $0x7EF311C3, s0;
	s1 =	ssub.f32 $2.000000000e+00, s19;
	v53 =	vadd.f32 v10, v7;
	v3 =	vmul.f32 v3, v33;
	v9 =	vmul.f32 s2, v52  }
0x448: {  	s22 =	smul.f32 s21, s0;
	v10 =	vmul.f32 s3, v54;
	v2 =	vmul.f32 v2, v34  }
0x449: {  	s1 =	smul.f32 s18, s1;
	[tilespmem:s15+$0xFFFFFFB0] =	vst v53;
	v56 =	vadd.f32 v3, v5;
	v9 =	vmul.f32 v9, v35;
	v8 =	vmul.f32 s3, v8  }
0x44a: {  	s23 =	ssub.f32 $2.000000000e+00, s22;
	[tilespmem:s15+$0xFFFFFFC0] =	vst v55;
	v10 =	vmul.f32 v10, v32;
	v2 =	vadd.f32 v2, v6  }
0x44b: {  	s5 =	smul.f32 s1, s5;
	[tilespmem:s15+$0xFFFFFFD0] =	vst v56;
	v9 =	vadd.f32 v9, v7;
	v8 =	vmul.f32 v8, v33  }
0x44c: {  	s4 =	smul.f32 s21, s23;
	v0 =	vld [tilespmem:$0x1FC00];
	v10 =	vadd.f32 v10, v4;
	[tilespmem:s15+$0xFFFFFFE0] =	vst v2  }
0x44d: {  	s24 =	ssub.f32 $2.000000000e+00, s5;
	v2 =	vld [tilespmem:$0x1FC20];
	[tilespmem:s15+$0xFFFFFFF0] =	vst v9;
	v8 =	vadd.f32 v8, v5  }
0x44e: {  	s0 =	smul.f32 s4, s0;
	[tilespmem:s15+$0x0] =	vst v10  }
0x44f: {  	s1 =	smul.f32 s24, s1;
	v3 =	vmul.f32 s3, v57;
	[tilespmem:s15+$0x10] =	vst v8  }
0x450: {  	v57 =	vmul.f32 s3, v58;
	v8 =	vld [tilespmem:$0x1FC60]  }
0x451: {  	s0 =	ssub.f32 $2.000000000e+00, s0;
	v58 =	vmul.f32 s1, v61;
	v3 =	vmul.f32 v3, v34  }
0x452: {  	v59 =	vmul.f32 s1, v59;
	v1 =	vmul.f32 v57, v35  }
0x453: {  	s0 =	smul.f32 s0, s4;
	v3 =	vadd.f32 v3, v6;
	v9 =	vmul.f32 v58, v34;
	v0 =	vmul.f32 s1, v0  }
0x454: {  	v1 =	vadd.f32 v1, v7;
	v10 =	vmul.f32 v59, v35;
	v2 =	vmul.f32 s1, v2  }
0x455: {  	v9 =	vadd.f32 v9, v6;
	v0 =	vmul.f32 v0, v32;
	[tilespmem:s15+$0x20] =	vst v3;
	v8 =	vmul.f32 s0, v8  }
0x456: {  	v10 =	vadd.f32 v10, v7;
	[tilespmem:s15+$0x30] =	vst v1;
	v2 =	vmul.f32 v2, v33  }
0x457: {  	v3 =	vmul.f32 s0, v63;
	[tilespmem:s15+$0x60] =	vst v9;
	v0 =	vadd.f32 v0, v4;
	v8 =	vmul.f32 v8, v32  }
0x458: {  	v61 =	vmul.f32 s0, v62;
	[tilespmem:s15+$0x70] =	vst v10;
	v2 =	vadd.f32 v2, v5  }
0x459: {  	v62 =	vmul.f32 s0, v60;
	v3 =	vmul.f32 v3, v33;
	[tilespmem:s15+$0x40] =	vst v0;
	v63 =	vadd.f32 v8, v4  }
0x45a: {  	v1 =	vmul.f32 v61, v34;
	[tilespmem:s15+$0x50] =	vst v2  }
0x45b: {  	v0 =	vmul.f32 v62, v35;
	v3 =	vadd.f32 v3, v5;
	[tilespmem:s15+$0x80] =	vst v63  }
0x45c: {  	v1 =	vadd.f32 v1, v6;
	s25 =	rddreg [dreg:$0xb]  }
0x45d: {  	v0 =	vadd.f32 v0, v7;
	s26 =	rddreg [dreg:$0x12];
	[tilespmem:s15+$0x90] =	vst v3  }
0x45e: {  	[tilespmem:s15+$0xA0] =	vst v1  }
0x45f: {  	[tilespmem:s15+$0xB0] =	vst v0  }
0x460: {  	s31 =	rddreg [dreg:$0x11]  }
0x461: {  	s3 =	sadd.s32 $0x1, s31  }
0x462: {  	p0 =	sne.s32 s3, $0x40  }
.Ltmp5:
0x463: {  	s0 =	sadd.s32 s25, s26;
	(pc) =	sbr.rel @p0 .LBB2_2-.Ltmp5, $4  }
0x464: {  	s0 =	sshll.u32 s0, $0x3  }
0x465: {  	s28 =	rddreg [dreg:$0x3];
	s0 =	sand.u32 $0x1FFFFFC0, s0  }
0x466: {  	s30 =	simm.s32 $0x12C80;
	s29 =	simm.s32 $0x0;
	s0 =	sadd.s32 s28, s0  }
0x467: {  	[hbm4b:s0+s29] =	stream.linear.scatter [tilespmem:s30], [sflag:$0x4], $0x3200, $0x38;
	[tilespmem:$0x15E80] =	vst v63  }
0x468: {  	s0 =	simm.s32 $0x3  }
0x469: {  	_ =	swait.ge [sflag:s0], $0x3200  }
0x46a: {  	[sflag:s0] =	ssyncset.done $0x0  }
0x46b: {  	s1 =	simm.s32 $0x4;
	[sflag:s0] =	ssyncadd.s32 $0xFFFFCE00  }
0x46c: {  	_ =	swait.ge [sflag:s1], $0x3200  }
0x46d: {  	s2 =	rddreg [dreg:$0x10]  }
0x46e: {  	s31 =	rddreg [dreg:$0xf];
	s2 =	sadd.s32 $0x1, s2  }
0x46f: {  	p0 =	sne.s32 s2, s31  }
.Ltmp6:
0x470: {  	_ = 	snop;
	(pc) =	sbr.rel @p0 .LBB2_1-.Ltmp6, $3  }
0x471: {  	_ =	sdelay $0x1  }
0x472: {  	[sflag:s1] =	ssyncset.done $0x0  }
0x473: {  	[sflag:s1] =	ssyncadd.s32 $0xFFFFCE00  }
0x474: {  	_ =	sfence.sel $0x180000  }
0x475: {  	[bflag:$0x0] =	sbarrier.arrive $0xFFFF  }
0x476: {  	_ =	strace $0x90000047  }
0x477: {  	s0 =	stileid.u32;
	[bflag:$0x2] =	sbarrier.arrive $0xFFFF  }
0x478: {  	p0 =	sne.s32 s0, $0x0;
	s0 =	rddreg [dreg:$0x4]  }
0x479: {  	s0 =	sadd.s32 @!p0 $0x100000, s0  }
0x47a: {  	[sflag:s0] =	ssyncadd.tile.s32 @!p0 $0x1;
	_ =	shalt  }
.Lfunc_end2:
_tile_overlayer_lowered:
.L_overlay_start_2:
0x47b: {  	(tag) =	ssettag $0x2  }
0x47c: {  	s0 =	rddreg [dreg:$0x0];
	s2 =	stileid.u32  }
0x47d: {  	s1 =	rddreg [dreg:$0x1];
	p0 =	sne.s32 s2, $0x0  }
0x47e: {  	s3 =	rddreg [dreg:$0x2];
	[bflag:$0x3] =	sbarrier.arrive $0xFFFF;
	s2 =	simm.s32 @!p0 $0x1C05  }
0x47f: {  	[timem:s3], [sflag:s2] =	dma.local @!p0 [hbm:s0], s1  }
0x480: {  	s0 =	simm.s32 @!p0 $0x5  }
0x481: {  	_ =	swait.ge @!p0 [sflag:s0], s1  }
0x482: {  	s1 =	ssub.s32 @!p0 $0x0, s1;
	[sflag:s0] =	ssyncset.done @!p0 $0x0  }
0x483: {  	[sflag:s0] =	ssyncadd.s32 @!p0 s1  }
0x484: {  	[bflag:$0x3] =	sbarrier.arrive $0xFFFF  }
0x485: {  	_ =	shalt  }

// kernel: sparse-core-data-format-call.cloned.1.call-start
scs
called_computation_lowered:
.L_overlay_start_0:
0x0: {  	s2 =	sld [smem:$0x3FD9]  }
0x1: {  	s3 =	sld [smem:$0x3FFE];
	_ =	sdelay $0x1  }
0x2: {  	s1 =	srdreg.scid  }
0x3: {  	s0 =	sand.u32 $0x1, s1  }
0x4: {  	s18 =	sshll.u32 s0, $0xA;
	s2 =	sadd.s32 s3, s2  }
0x5: {  	s2 =	sadd.s32 s2, s18  }
0x6: {  	[smem:$0x3FC4] =	sst s2  }
0x7: {  	_ = 	snop  }
0x8: {  	s2 =	sld [smem:$0x3FD0];
	(tm) =	ssettm $0x1  }
0x9: {  	s19 =	sld [smem:$0x3FFB];
	_ =	sdelay $0x3  }
0xa: {  	_ =	strace s19  }
0xb: {  	s3 =	sld [smem:$0x3FFC];
	_ =	sdelay $0x3  }
0xc: {  	_ =	strace s3  }
0xd: {  	s3 =	sld [smem:$0x3FFD];
	_ =	sdelay $0x3  }
0xe: {  	_ =	strace s3  }
0xf: {  	_ =	strace $0x8FFFFFFF  }
0x10: {  	s20 =	sld [smem:$0x3FDB];
	_ =	sdelay $0x1  }
0x11: {  	s4 =	simm.s32 $_scs_section_size  }
0x12: {  	s5 =	simm.s32 $_size__tile_overlayer_lowered;
	s6 =	simm.s32 $_tile_overlayer_lowered  }
0x13: {  	s23 =	simm.s32 $0x1BFF;
	s22 =	sshll.u32 s6, $0x1;
	s3 =	sadd.s32 s4, s20  }
0x14: {  	s7 =	simm.s32 $0x0;
	s21 =	sshll.u32 s5, $0x1;
	s5 =	sadd.s32 s22, s3  }
0x15: {  	[timem:s7], [sflag:s23] =	dma.local [hbm:s5], s21  }
0x16: {  	_ =	swait.ge [sflag:s23], s21  }
0x17: {  	s4 =	ssub.s32 $0x0, s21;
	[sflag:s23] =	ssyncset.done $0x0  }
0x18: {  	[sflag:s23] =	ssyncadd.s32 s4;
	_ =	sdelay $0x1  }
0x19: {  	s24 =	simm.s32 $0x1B8B  }
0x1a: {  	_ =	swait.ge [sflag:s24], $0x1  }
0x1b: {  	[sflag:s24] =	ssyncset.done $0x0  }
0x1c: {  	s26 =	simm.s32 $0x1B8E;
	s25 =	sld [smem:$0x3FFE];
	[sflag:s24] =	ssyncadd.s32 $0xFFFFFFFF  }
0x1d: {  	s27 =	simm.s32 $execute0_lowered;
	[smem:$0x3FD2] =	sst s26  }
0x1e: {  	s5 =	sshll.u32 s27, $0x1;
	_ =	strace $0x80000049;
	[dreg:$0x1] =	wrdreg $0xFFFFFFFF  }
0x1f: {  	s28 =	simm.s32 $_size_execute0_lowered;
	s3 =	sadd.s32 s3, s5;
	[dreg:$0x0] =	wrdreg $0x0  }
0x20: {  	s5 =	sshll.u32 s28, $0x1;
	[dreg:$0x2] =	wrdreg s3  }
0x21: {  	[dreg:$0x3] =	wrdreg s5  }
0x22: {  	[dreg:$0x4] =	wrdreg $0xC0  }
0x23: {  	_ =	task [dreg:s7], $0x5FFFF  }
0x24: {  	[dreg:$0x1] =	wrdreg $0xFFFFFFFF  }
0x25: {  	[dreg:$0x0] =	wrdreg $0x60  }
0x26: {  	[dreg:$0x2] =	wrdreg s25  }
0x27: {  	[dreg:$0x3] =	wrdreg s2  }
0x28: {  	[dreg:$0x4] =	wrdreg $0x9  }
0x29: {  	_ =	task.clear_ibuf [dreg:s7], $0x5FFFF;
	_ =	strace $0x90000049  }
0x2a: {  	s29 =	simm.s32 $0x9;
	_ =	strace $0x8000004B  }
0x2b: {  	_ =	swait.ge [sflag:s29], $0x1  }
0x2c: {  	[sflag:s29] =	ssyncadd.s32 $0xFFFFFFFF  }
0x2d: {  	_ =	strace $0x9000004B  }
0x2e: {  	_ =	sfence  }
0x2f: {  	s30 =	sld [smem:$0x0];
	_ =	sdelay $0x2  }
0x30: {  	s31 =	sshll.u32 s1, $0xD;
	s1 =	sshrl.u32 s1, $0x2  }
0x31: {  	s3 =	sand.u32 $0x4000, s31;
	s1 =	sadd.s32 s1, s30  }
0x32: {  	s0 =	sor.u32 s3, s0;
	s1 =	sshll.u32 s1, $0x11  }
0x33: {  	s0 =	sor.u32 s1, s0  }
0x34: {  	s0 =	sadd.s32 $0x8F2B, s0  }
0x35: {  	[sflag:s0] =	ssyncadd.remote.s32 $0x1  }
0x36: {  	_ =	sfence.sel $0xFFFF  }
0x37: {  	[dreg:$0x0] =	wrdreg $0xFFFFFFFF;
	(pc) =	sbr.abs _section_cstart, $3  }
0x38: {  	[dreg:$0x1] =	wrdreg $0xFFFFFFFF  }
0x39: {  	_ =	task.clear_ibuf [dreg:s7], $0x2FFFF;
	_ =	strace $0x9FFFFFFF  }
0x3a: {  	(tm) =	ssettm $0x7FFFFFFF  }
0x3b: {  	_ =	shalt  }
tec
execute0_lowered:
.L_overlay_start_1:
0x0: {  	(tag) =	ssettag $0x1  }
0x1: {  	s0 =	srdreg.scid  }
0x2: {  	s1 =	sshll.u32 s0, $0x4  }
0x3: {  	s0 =	stileid.u32;
	s1 =	sand.u32 $0x10, s1  }
0x4: {  	s1 =	sor.u32 s0, s1  }
0x5: {  	s6 =	rddreg [dreg:$0x0];
	s4 =	simm.s32 $0x1;
	s2 =	sshll.u32 s1, $0x7  }
0x6: {  	s7 =	simm.s32 $0x2;
	s12 =	simm.s32 $0x0;
	s1 =	ssub.s32 $0x1000, s2  }
0x7: {  	s8 =	simm.s32 $0x8000;
	s13 =	simm.s32 $0x0;
	s3 =	sand.u32 $0xF80, s1  }
0x8: {  	s9 =	simm.s32 $0x0;
	s5 =	sshrl.u32 s1, $0xC;
	p0 =	sne.s32 s3, $0x0  }
.Ltmp0:
0x9: {  	s1 =	rddreg [dreg:$0x2];
	s4 =	simm.s32 @!p0 $0x0;
	(pc) =	sbr.rel .LBB1_1-.Ltmp0, $4  }
0xa: {  	s11 =	simm.s32 $0x0;
	s3 =	rddreg [dreg:$0x1];
	s5 =	sadd.s32 s4, s5  }
0xb: {  	_ =	strace $0x8000004A;
	s4 =	simm.s32 $0x1;
	s5 =	smul.u32 $0xC8, s5  }
0xc: {  	s6 =	sadd.s32 $0x400, s6;
	s10 =	smov.u32 s2;
	[sflag:s4] =	ssyncpa.u1 $0x0  }
0xd: {  	p0 =	por $0x0, $0x0;
	[sflag:s7] =	ssyncpa.u1 $0x0;
	s7 =	sor.u32 $0x1, s5  }
.LBB1_4:
0xe: {  	s16 =	sshll.u32 s13, $0x3;
	s17 =	sand.u32 $0x78, s13  }
0xf: {  	s30 =	sand.u32 $0x7E00, s13;
	s12 =	sshll.u32 s12, $0xF;
	s16 =	sand.u32 $0xC00, s16  }
0x10: {  	[tilespmem:s15+$0x810 ss:$0x81] =	vst.msk $0xffff, v2;
	s31 =	sand.u32 $0x7, s13;
	s16 =	sor.u32 s17, s16;
	s17 =	sadd.s32 s3, s30  }
0x11: {  	[tilespmem:s15+$0x1020 ss:$0x81] =	vst.msk $0xffff, v0;
	s13 =	sshll.u32 s31, $0x12;
	s12 =	sadd.s32 s12, s17;
	s16 =	sshrl.u32 s16, $0x3  }
0x12: {  	[tilespmem:s15+$0x0 ss:$0x81] =	vst.msk $0xffff, v1;
	s13 =	sor.u32 $0x400, s13;
	s12 =	sadd.s32 s16, s12  }
0x13: {  	[hbm4b:s12+s13] =	stream.strided.scatter [tilespmem:s14], [sflag:$0x2], $0x2000, s8, s13, $0x20;
	[tilespmem:$0x8080] =	vst v63  }
.LBB1_5:
0x14: {  	s14 =	sadd.s32 $0x1, s9  }
0x15: {  	s12 =	sadd.s32 $0x1000, s10;
	s16 =	smov.u32 s10;
	p2 =	sgt.s32 s14, $0xC7  }
0x16: {  	s16 =	smov.u32 @p2 s12  }
0x17: {  	s14 =	simm.s32 @p2 $0x0;
	p2 =	sgt.s32 s16, $0xFFF  }
0x18: {  	s16 =	smov.u32 @p2 s2;
	p2 =	sne.s32 s11, s7  }
.Ltmp1:
0x19: {  	p1 =	slt.u32 s11, $0x2;
	(pc) =	sbr.rel @!p2 .LBB1_6-.Ltmp1, $4  }
0x1a: {  	s15 =	simm.s32 @!p1 $0x2  }
0x1b: {  	s13 =	smov.u32 s10;
	p0 =	por !p0, !p0;
	_ =	swait.ge @!p1 [sflag:s15], $0x2000  }
0x1c: {  	s12 =	smov.u32 s9;
	[sflag:s15] =	ssyncset.done @!p1 $0x0;
	s9 =	smov.u32 s14  }
0x1d: {  	s11 =	sadd.s32 $0x1, s11;
	[sflag:s15] =	ssyncadd.s32 @!p1 $0xFFFFE000;
	s10 =	smov.u32 s16  }
.LBB1_1:
0x1e: {  	p1 =	sge.u32 s11, s5  }
0x1f: {  	s14 =	sand.u32 @!p1 $0x1FFFFFF, s9  }
0x20: {  	s15 =	smulhi.u32 @!p1 $0x147AE15, s14;
	_ =	sdelay $0x1  }
0x21: {  	s15 =	smul.u32 @!p1 $0xC8, s15  }
0x22: {  	s16 =	sxor.u32 @!p1 $0xFFFFFFFF, s11;
	s17 =	smul.u32 @!p1 $0xC80, s10  }
0x23: {  	s31 =	sadd.s32 $0xFFFFFFFF, s11;
	s16 =	sshll.u32 @!p1 s16, $0xD;
	s14 =	ssub.s32 @!p1 s14, s15  }
0x24: {  	s15 =	sand.u32 @!p1 $0x2000, s16;
	s16 =	sadd.s32 @!p1 s6, s17;
	s14 =	sshll.u32 @!p1 s14, $0x4  }
0x25: {  	s17 =	simm.s32 @!p1 $0x6400;
	s14 =	sadd.s32 @!p1 s14, s16;
	s16 =	simm.s32 @!p1 $0x40  }
0x26: {  	[tilespmem:s15], [sflag:$0x1] =	stream.strided.gather @!p1 [hbm4b:s14+s16], $0x2000, s17, s16, $0x38;
	[tilespmem:$0x8080] =	vst v63  }
0x27: {  	p1 =	sge.u32 s31, s5  }
.Ltmp2:
0x28: {  	_ = 	snop;
	(pc) =	sbr.rel @p1 .LBB1_5-.Ltmp2, $1  }
0x29: {  	_ =	sdelay $0x3  }
0x2a: {  	s14 =	simm.s32 $0x1  }
0x2b: {  	_ =	swait.ge [sflag:s4], $0x2000;
	s14 =	simm.s32 @!p0 $0x0  }
0x2c: {  	[sflag:s4] =	ssyncset.done $0x0;
	s15 =	sshll.u32 s14, $0xD  }
0x2d: {  	[sflag:s4] =	ssyncadd.s32 $0xFFFFE000;
	s18 =	sor.u32 $0x20, s15  }
0x2e: {  	s14 =	smul.u32 $0x8100, s14;
	v3 =	vld [tilespmem:s18+$0x10]  }
0x2f: {  	s30 =	sand.u32 $0x1, s11;
	v2 =	vld [tilespmem:s18+$0xFFFFFFF0]  }
0x30: {  	s15 =	smul.u32 $0x8100, s30;
	s14 =	sshrl.u32 s14, $0x2;
	v0 =	vld [tilespmem:s18+$0x0]  }
0x31: {  	v1 =	vld [tilespmem:s18+$0xFFFFFFE0];
	s16 =	sor.u32 $0x4000, s14  }
0x32: {  	s31 =	sshrl.u32 s15, $0x2;
	s15 =	sadd.s32 $0x0, s16  }
0x33: {  	s17 =	simm.s32 $0x4;
	s18 =	sadd.s32 $0x40, s18;
	s14 =	sor.u32 $0x4000, s31;
	[tilespmem:s15+$0x1830 ss:$0x81] =	vst.msk $0xffff, v3  }
.LBB1_3:
0x34: {  	v3 =	vld [tilespmem:s18+$0x10];
	p1 =	sne.s32 s17, $0x1FC;
	[tilespmem:s15+$0x810 ss:$0x81] =	vst.msk $0xffff, v2;
	s19 =	smov.u32 s17;
	s17 =	sadd.s32 $0x4, s17  }
.Ltmp3:
0x35: {  	v2 =	vld [tilespmem:s18+$0xFFFFFFF0];
	[tilespmem:s15+$0x1020 ss:$0x81] =	vst.msk $0xffff, v0;
	(pc) =	sbr.rel @p1 .LBB1_3-.Ltmp3, $4  }
0x36: {  	v0 =	vld [tilespmem:s18+$0x0];
	[tilespmem:s15+$0x0 ss:$0x81] =	vst.msk $0xffff, v1  }
0x37: {  	s15 =	sshra.s32 s19, $0x2;
	v1 =	vld [tilespmem:s18+$0xFFFFFFE0]  }
0x38: {  	s15 =	sadd.s32 s15, s16  }
0x39: {  	s18 =	sadd.s32 $0x40, s18;
	[tilespmem:s15+$0x1830 ss:$0x81] =	vst.msk $0xffff, v3  }
.Ltmp4:
0x3a: {  	_ = 	snop;
	(pc) =	sbr.rel .LBB1_4-.Ltmp4, $1  }
0x3b: {  	_ =	sdelay $0x3  }
.LBB1_6:
0x3c: {  	_ =	sfence.sel $0x180000  }
0x3d: {  	s2 =	simm.s32 $0x1;
	[bflag:$0x0] =	sbarrier.arrive $0xFFFF  }
0x3e: {  	s31 =	simm.s32 $0x2;
	[sflag:s2] =	ssyncpa.u1 $0x1  }
0x3f: {  	[sflag:s31] =	ssyncpa.u1 $0x1  }
0x40: {  	p0 =	sne.s32 s0, $0x0;
	_ =	strace $0x9000004A  }
0x41: {  	s0 =	sadd.s32 @!p0 $0x100000, s1;
	[bflag:$0x2] =	sbarrier.arrive $0xFFFF  }
0x42: {  	[sflag:s0] =	ssyncadd.tile.s32 @!p0 $0x1;
	_ =	shalt  }
.Lfunc_end1:
_tile_overlayer_lowered:
.L_overlay_start_2:
0x43: {  	(tag) =	ssettag $0x2  }
0x44: {  	s0 =	rddreg [dreg:$0x0];
	s2 =	stileid.u32  }
0x45: {  	s1 =	rddreg [dreg:$0x1];
	p0 =	sne.s32 s2, $0x0  }
0x46: {  	s3 =	rddreg [dreg:$0x2];
	[bflag:$0x3] =	sbarrier.arrive $0xFFFF;
	s2 =	simm.s32 @!p0 $0x1C01  }
0x47: {  	[timem:s3], [sflag:s2] =	dma.local @!p0 [hbm:s0], s1  }
0x48: {  	s0 =	simm.s32 @!p0 $0x1  }
0x49: {  	_ =	swait.ge @!p0 [sflag:s0], s1  }
0x4a: {  	s1 =	ssub.s32 @!p0 $0x0, s1;
	[sflag:s0] =	ssyncset.done @!p0 $0x0  }
0x4b: {  	[sflag:s0] =	ssyncadd.s32 @!p0 s1  }
0x4c: {  	[bflag:$0x3] =	sbarrier.arrive $0xFFFF  }
0x4d: {  	_ =	shalt  }

</sc_bundles>
